<compile_context>
chip_gen: v7x
topology: tpu7x:2x2x1
jax: 0.10.2.dev20260603
libtpu: 0.0.44.dev20260713+nightly
codegen_flags: <defaults>
</compile_context>

<pallas_src>
import functools

import jax
import jax.numpy as jnp
from jax import lax
from jax.experimental import pallas as pl
from jax.experimental.pallas import tpu as pltpu
from jax.experimental.pallas import tpu_sc as plsc

_ZD = 256
_KD = 512
_NTOK = 784
_NPAD = 1024


def _conv2d_nhwc(x, w, b, stride, padding):
    y = lax.conv_general_dilated(
        x, w, (stride, stride), ((padding, padding), (padding, padding)),
        dimension_numbers=('NHWC', 'OIHW', 'NHWC'))
    return y + b


def _bn_relu_nhwc(x, g, bt, eps=1e-5):
    mean = jnp.mean(x, axis=(0, 1, 2), keepdims=True)
    var = jnp.mean((x - mean) ** 2, axis=(0, 1, 2), keepdims=True)
    return jax.nn.relu(g * (x - mean) / jnp.sqrt(var + eps) + bt)


def _conv_t2d_ref(x, w, b, stride, padding):
    kh, kw = w.shape[2], w.shape[3]
    wt = jnp.transpose(w[:, :, ::-1, ::-1], (1, 0, 2, 3))
    ph = kh - 1 - padding
    pw = kw - 1 - padding
    if stride > 1:
        n, c, h, wd = x.shape
        xs = jnp.zeros((n, c, (h - 1) * stride + 1, (wd - 1) * stride + 1), x.dtype)
        xs = xs.at[:, :, ::stride, ::stride].set(x)
    else:
        xs = x
    y = lax.conv_general_dilated(
        xs, wt, (1, 1), ((ph, ph), (pw, pw)),
        dimension_numbers=('NCHW', 'OIHW', 'NCHW'))
    return y + b[None, :, None, None]


def _bn_relu_nchw(x, g, bt, eps=1e-5):
    mean = jnp.mean(x, axis=(0, 2, 3), keepdims=True)
    var = jnp.mean((x - mean) ** 2, axis=(0, 2, 3), keepdims=True)
    return jax.nn.relu(g[None, :, None, None] * (x - mean) / jnp.sqrt(var + eps)
                       + bt[None, :, None, None])



def _dist_body(h4_ref, e5w_ref, e5b_ref, w_ref, z_ref, j_ref):
    h4 = h4_ref[...]
    z = jnp.dot(h4, e5w_ref[...].T, preferred_element_type=jnp.float32)
    z = z + e5b_ref[...]
    z_ref[...] = z
    w = w_ref[...]
    zz = jnp.sum(z * z, axis=1, keepdims=True)
    ww = jnp.sum(w * w, axis=1)[None, :]
    s = jnp.dot(z, w.T, preferred_element_type=jnp.float32)
    d = zz - 2.0 * s + ww
    m = jnp.min(d, axis=1, keepdims=True)
    col = lax.broadcasted_iota(jnp.int32, d.shape, 1)
    j = jnp.min(jnp.where(d == m, col, _KD), axis=1)
    jp = jnp.concatenate([j, jnp.zeros((_NPAD - _NTOK,), jnp.int32)])
    j_ref[...] = jp.reshape(8, 128)



_SC_INFO = plsc.get_sparse_core_info()
_NW = _SC_INFO.num_cores * _SC_INFO.num_subcores
_BPW = _NPAD // _NW


def _sc_gather_body(table_hbm, idx_hbm, out_hbm, idx_v, rows_v, sem):
    wid = lax.axis_index("s") * _SC_INFO.num_cores + lax.axis_index("c")
    base = wid * _BPW
    pltpu.sync_copy(idx_hbm.at[pl.ds(base, _BPW)], idx_v)
    pltpu.async_copy(table_hbm.at[idx_v], rows_v, sem).wait()
    pltpu.sync_copy(rows_v, out_hbm.at[pl.ds(base, _BPW)])


_sc_gather = functools.partial(
    pl.kernel,
    mesh=plsc.VectorSubcoreMesh(core_axis_name="c", subcore_axis_name="s"),
    out_type=jax.ShapeDtypeStruct((_NPAD, _ZD), jnp.float32),
    scratch_types=[
        pltpu.VMEM((_BPW,), jnp.int32),
        pltpu.VMEM((_BPW, _ZD), jnp.float32),
        pltpu.SemaphoreType.DMA,
    ],
)(_sc_gather_body)



def _head_body(z_ref, wj_ref, d0w_ref, d0b_ref, d0g_ref, d0bt_ref,
               hd_ref, loss_ref):
    z = z_ref[...]
    wj = wj_ref[...]
    diff = z - wj
    loss_ref[0, 0] = jnp.sum(diff * diff) / _NTOK
    y = jnp.dot(wj, d0w_ref[...], preferred_element_type=jnp.float32)
    y = y + d0b_ref[...]
    mean = jnp.mean(y, axis=0, keepdims=True)
    var = jnp.mean((y - mean) ** 2, axis=0, keepdims=True)
    yn = d0g_ref[...] * (y - mean) / jnp.sqrt(var + 1e-5) + d0bt_ref[...]
    hd_ref[...] = jnp.maximum(yn, 0.0)


def _vq_stage(h4_flat, p):
    e5w = p['e5_w'].reshape(_ZD, 480)
    e5b = p['e5_b'].reshape(1, _ZD)
    z, j8 = pl.pallas_call(
        _dist_body,
        out_shape=[
            jax.ShapeDtypeStruct((_NTOK, _ZD), jnp.float32),
            jax.ShapeDtypeStruct((8, 128), jnp.int32),
        ],
    )(h4_flat, e5w, e5b, p['dictW'])
    wj = _sc_gather(p['dictW'], j8.reshape(_NPAD))[:_NTOK]
    d0w = p['d0_w'].reshape(_ZD, 480)
    d0b = p['d0_b'].reshape(1, 480)
    d0g = p['d0_g'].reshape(1, 480)
    d0bt = p['d0_bt'].reshape(1, 480)
    hd, loss = pl.pallas_call(
        _head_body,
        out_shape=[
            jax.ShapeDtypeStruct((_NTOK, 480), jnp.float32),
            jax.ShapeDtypeStruct((1, 1), jnp.float32),
        ],
        out_specs=[
            pl.BlockSpec(memory_space=pltpu.VMEM),
            pl.BlockSpec(memory_space=pltpu.SMEM),
        ],
    )(z, wj, d0w, d0b, d0g, d0bt)
    return hd, loss[0, 0]


def kernel(x, params):
    p = params
    h = jnp.transpose(x, (0, 2, 3, 1))
    h = _bn_relu_nhwc(_conv2d_nhwc(h, p['e0_w'], p['e0_b'], 1, 1),
                      p['e0_g'], p['e0_bt'])
    for i in range(4):
        h = _bn_relu_nhwc(
            _conv2d_nhwc(h, p['e%d_w' % (i + 1)], p['e%d_b' % (i + 1)], 2, 1),
            p['e%d_g' % (i + 1)], p['e%d_bt' % (i + 1)])
    n, hh, wwd, _ = h.shape
    h4 = h.reshape(n * hh * wwd, 480)
    hd0, loss = _vq_stage(h4, p)
    hd = jnp.transpose(hd0.reshape(n, hh, wwd, 480), (0, 3, 1, 2))
    for i in range(4):
        hd = _bn_relu_nchw(
            _conv_t2d_ref(hd, p['d%d_w' % (i + 1)], p['d%d_b' % (i + 1)], 2, 1),
            p['d%d_g' % (i + 1)], p['d%d_bt' % (i + 1)])
    y = lax.conv_general_dilated(
        hd, p['d5_w'], (1, 1), ((1, 1), (1, 1)),
        dimension_numbers=('NCHW', 'OIHW', 'NCHW'))
    out = y + p['d5_b'][None, :, None, None]
    return out, loss, loss

# --- scband reference (transcript-rebuilt; emitter-appended) ---
"""Pipeline reference for scband-generator-103079215776 (READ-ONLY COPY).

The authoritative reference and input builder live on the scoring server;
editing this copy changes nothing except your own understanding.
"""

import jax, jax.numpy as jnp
from jax import lax
import numpy as np

Z_DIM = 256
K_DIM = 512

def conv2d(x, w, b, stride, padding):
    y = lax.conv_general_dilated(x, w, (stride, stride), ((padding, padding), (padding, padding)), dimension_numbers=('NCHW', 'OIHW', 'NCHW'))
    return y + b[None, :, None, None]

def conv_t2d(x, w, b, stride, padding):
    kh, kw = w.shape[2], w.shape[3]
    wt = jnp.transpose(w[:, :, ::-1, ::-1], (1, 0, 2, 3))
    ph = kh - 1 - padding
    pw = kw - 1 - padding
    if stride > 1:
        n, c, h, wd = x.shape
        xs = jnp.zeros((n, c, (h - 1) * stride + 1, (wd - 1) * stride + 1), x.dtype)
        xs = xs.at[:, :, ::stride, ::stride].set(x)
    else:
        xs = x
    y = lax.conv_general_dilated(xs, wt, (1, 1), ((ph, ph), (pw, pw)), dimension_numbers=('NCHW', 'OIHW', 'NCHW'))
    return y + b[None, :, None, None]

def bn_train(x, g, bt, eps=1e-5):
    mean = jnp.mean(x, axis=(0, 2, 3), keepdims=True)
    var = jnp.mean((x - mean) ** 2, axis=(0, 2, 3), keepdims=True)
    return g[None, :, None, None] * (x - mean) / jnp.sqrt(var + eps) + bt[None, :, None, None]

def _forward(x, p):
    h = jax.nn.relu(bn_train(conv2d(x, p['e0_w'], p['e0_b'], 1, 1), p['e0_g'], p['e0_bt']))
    for i in range(4):
        h = jax.nn.relu(bn_train(conv2d(h, p['e%d_w' % (i + 1)], p['e%d_b' % (i + 1)], 2, 1), p['e%d_g' % (i + 1)], p['e%d_bt' % (i + 1)]))
    h = conv2d(h, p['e5_w'], p['e5_b'], 1, 0)
    sz = h.shape
    Z = jnp.transpose(h, (0, 2, 3, 1)).reshape(-1, Z_DIM)
    W = p['dictW']
    d = jnp.sum(Z * Z, 1)[:, None] - 2.0 * (Z @ W.T) + jnp.sum(W * W, 1)[None, :]
    j = jnp.argmin(d, axis=1)
    W_j = W[j]
    loss_commit = jnp.mean(jnp.sum((Z - lax.stop_gradient(W_j)) ** 2, 1))
    loss_codebook = jnp.mean(jnp.sum((lax.stop_gradient(Z) - W_j) ** 2, 1))
    hq = jnp.transpose(W_j.reshape(sz[0], sz[2], sz[3], sz[1]), (0, 3, 1, 2))
    hd = jax.nn.relu(bn_train(conv_t2d(hq, p['d0_w'], p['d0_b'], 1, 0), p['d0_g'], p['d0_bt']))
    for i in range(4):
        hd = jax.nn.relu(bn_train(conv_t2d(hd, p['d%d_w' % (i + 1)], p['d%d_b' % (i + 1)], 2, 1), p['d%d_g' % (i + 1)], p['d%d_bt' % (i + 1)]))
    out = conv2d(hd, p['d5_w'], p['d5_b'], 1, 1)
    return out, loss_commit, loss_codebook

def setup_inputs(seed=0):
    key = jax.random.key(seed)
    ks = jax.random.split(key, 40)
    ki = [0]
    def nk():
        k = ks[ki[0]]
        ki[0] += 1
        return k
    def wgt(shape, s=0.05):
        return jax.random.normal(nk(), shape, jnp.float32) * s
    p = {}
    p['e0_w'] = wgt((96, 3, 3, 3)); p['e0_b'] = jnp.zeros((96,), jnp.float32)
    p['e0_g'] = jnp.ones((96,), jnp.float32); p['e0_bt'] = jnp.zeros((96,), jnp.float32)
    ch = [96, 192, 288, 384, 480]
    for i in range(4):
        p['e%d_w' % (i + 1)] = wgt((ch[i + 1], ch[i], 4, 4))
        p['e%d_b' % (i + 1)] = jnp.zeros((ch[i + 1],), jnp.float32)
        p['e%d_g' % (i + 1)] = jnp.ones((ch[i + 1],), jnp.float32)
        p['e%d_bt' % (i + 1)] = jnp.zeros((ch[i + 1],), jnp.float32)
    p['e5_w'] = wgt((256, 480, 1, 1)); p['e5_b'] = jnp.zeros((256,), jnp.float32)
    p['dictW'] = jax.random.uniform(nk(), (K_DIM, Z_DIM), jnp.float32, -1.0 / K_DIM, 1.0 / K_DIM)
    p['d0_w'] = wgt((256, 480, 1, 1)); p['d0_b'] = jnp.zeros((480,), jnp.float32)
    p['d0_g'] = jnp.ones((480,), jnp.float32); p['d0_bt'] = jnp.zeros((480,), jnp.float32)
    dch = [480, 384, 288, 192, 96]
    for i in range(4):
        p['d%d_w' % (i + 1)] = wgt((dch[i], dch[i + 1], 4, 4))
        p['d%d_b' % (i + 1)] = jnp.zeros((dch[i + 1],), jnp.float32)
        p['d%d_g' % (i + 1)] = jnp.ones((dch[i + 1],), jnp.float32)
        p['d%d_bt' % (i + 1)] = jnp.zeros((dch[i + 1],), jnp.float32)
    p['d5_w'] = wgt((3, 96, 3, 3)); p['d5_b'] = jnp.zeros((3,), jnp.float32)
    x = jax.random.normal(nk(), (4, 3, 224, 224), jnp.float32)
    return {'x': x, 'params': p}

def reference(x, params):
    return _forward(x, params)

if __name__ == "__main__":
    import jax
    _d = setup_inputs()
    print(jax.jit(kernel)(*tuple(_d.values())))

</pallas_src>

<mosaic_0001>
#map = affine_map<(d0, d1) -> (0, 0)>
#map1 = affine_map<(d0, d1) -> (0)>
module attributes {stable_mosaic.version = 14 : i64} {
  func.func @_sc_gather_body(%arg0: i32, %arg1: i32, %arg2: memref<512x256xf32, #tpu.memory_space<hbm>>, %arg3: memref<1024xi32, #tpu.memory_space<hbm>>, %arg4: memref<1024x256xf32, #tpu.memory_space<hbm>>, %arg5: memref<32xi32, #tpu.memory_space<vmem>>, %arg6: memref<32x256xf32, #tpu.memory_space<vmem>>, %arg7: memref<!tpu.dma_semaphore, #tpu.memory_space<semaphore_mem>>) attributes {dimension_semantics = [#tpu.dimension_semantics<core_parallel>, #tpu.dimension_semantics<subcore_parallel>], iteration_bounds = array<i64: 2, 16>, scalar_prefetch = 0 : i64, scratch_operands = 3 : i64, tpu.core_type = #tpu.core_type<sc_vector_subcore>, window_params = [{transform_indices = #map}, {transform_indices = #map1}, {transform_indices = #map}]} {
    %mul3A = arith.constant 2 : i32
    %mul3A_0 = arith.muli %arg1, %mul3A : i32
    %add3A = arith.addi %mul3A_0, %arg0 : i32
    %mul3A_1 = arith.constant 32 : i32
    %mul3A_2 = arith.muli %add3A, %mul3A_1 : i32
    "tpu.region"() ({
      %run_scoped3A = tpu.sem_alloc : memref<!tpu.dma_semaphore, #tpu.memory_space<semaphore_mem>>
      %dma_start3A_7 = tpu.memref_slice %arg3[%mul3A_2] : memref<1024xi32, #tpu.memory_space<hbm>> -> memref<32xi32, #tpu.memory_space<hbm>>
      %dma_start3A_8 = tpu.memref_slice %arg3[%mul3A_2] : memref<1024xi32, #tpu.memory_space<hbm>> -> memref<32xi32, #tpu.memory_space<hbm>>
      tpu.enqueue_dma source(%dma_start3A_8 : memref<32xi32, #tpu.memory_space<hbm>>) target(%arg5 : memref<32xi32, #tpu.memory_space<vmem>>) target_semaphore(%run_scoped3A : memref<!tpu.dma_semaphore, #tpu.memory_space<semaphore_mem>>)
      %dma_wait3A_9 = tpu.memref_slice %arg3[%mul3A_2] : memref<1024xi32, #tpu.memory_space<hbm>> -> memref<32xi32, #tpu.memory_space<hbm>>
      %dma_wait3A_10 = tpu.memref_slice %arg3[%mul3A_2] : memref<1024xi32, #tpu.memory_space<hbm>> -> memref<32xi32, #tpu.memory_space<hbm>>
      tpu.wait_dma2 semaphore(%run_scoped3A : memref<!tpu.dma_semaphore, #tpu.memory_space<semaphore_mem>>) src(%dma_wait3A_10 : memref<32xi32, #tpu.memory_space<hbm>>) dst(%arg5 : memref<32xi32, #tpu.memory_space<vmem>>)
      tpu.yield
    }) : () -> ()
    %dma_start3A = arith.constant 0 : i32
    %dma_start3A_3 = arith.constant 0 : i32
    %dma_start3A_4 = tpu.memref_slice %arg2[%dma_start3A, %dma_start3A_3] : memref<512x256xf32, #tpu.memory_space<hbm>> -> memref<512x256xf32, #tpu.memory_space<hbm>>
    tpu.enqueue_indirect_dma source(%dma_start3A_4 : memref<512x256xf32, #tpu.memory_space<hbm>>) target(%arg6 : memref<32x256xf32, #tpu.memory_space<vmem>>) offsets(%arg5 : memref<32xi32, #tpu.memory_space<vmem>>) semaphore(%arg7 : memref<!tpu.dma_semaphore, #tpu.memory_space<semaphore_mem>>)
    %dma_wait3A = arith.constant 0 : i32
    %dma_wait3A_5 = arith.constant 0 : i32
    %dma_wait3A_6 = tpu.memref_slice %arg2[%dma_wait3A, %dma_wait3A_5] : memref<512x256xf32, #tpu.memory_space<hbm>> -> memref<512x256xf32, #tpu.memory_space<hbm>>
    tpu.wait_indirect_dma semaphore(%arg7 : memref<!tpu.dma_semaphore, #tpu.memory_space<semaphore_mem>>) src(%dma_wait3A_6 : memref<512x256xf32, #tpu.memory_space<hbm>>) dst(%arg6 : memref<32x256xf32, #tpu.memory_space<vmem>>)
    "tpu.region"() ({
      %run_scoped3A = tpu.sem_alloc : memref<!tpu.dma_semaphore, #tpu.memory_space<semaphore_mem>>
      %dma_start3A_7 = arith.constant 0 : i32
      %dma_start3A_8 = tpu.memref_slice %arg4[%mul3A_2, %dma_start3A_7] : memref<1024x256xf32, #tpu.memory_space<hbm>> -> memref<32x256xf32, #tpu.memory_space<hbm>>
      %dma_start3A_9 = arith.constant 0 : i32
      %dma_start3A_10 = tpu.memref_slice %arg4[%mul3A_2, %dma_start3A_9] : memref<1024x256xf32, #tpu.memory_space<hbm>> -> memref<32x256xf32, #tpu.memory_space<hbm>>
      tpu.enqueue_dma source(%arg6 : memref<32x256xf32, #tpu.memory_space<vmem>>) target(%dma_start3A_10 : memref<32x256xf32, #tpu.memory_space<hbm>>) target_semaphore(%run_scoped3A : memref<!tpu.dma_semaphore, #tpu.memory_space<semaphore_mem>>)
      %dma_wait3A_11 = arith.constant 0 : i32
      %dma_wait3A_12 = tpu.memref_slice %arg4[%mul3A_2, %dma_wait3A_11] : memref<1024x256xf32, #tpu.memory_space<hbm>> -> memref<32x256xf32, #tpu.memory_space<hbm>>
      %dma_wait3A_13 = arith.constant 0 : i32
      %dma_wait3A_14 = tpu.memref_slice %arg4[%mul3A_2, %dma_wait3A_13] : memref<1024x256xf32, #tpu.memory_space<hbm>> -> memref<32x256xf32, #tpu.memory_space<hbm>>
      tpu.wait_dma2 semaphore(%run_scoped3A : memref<!tpu.dma_semaphore, #tpu.memory_space<semaphore_mem>>) src(%arg6 : memref<32x256xf32, #tpu.memory_space<vmem>>) dst(%dma_wait3A_14 : memref<32x256xf32, #tpu.memory_space<hbm>>)
      tpu.yield
    }) : () -> ()
    return
  }
}

module attributes {stable_mosaic.version = 14 : i64} {
  func.func @_dist_body(%arg0: memref<784x480xf32, #tpu.memory_space<vmem>>, %arg1: memref<256x480xf32, #tpu.memory_space<vmem>>, %arg2: memref<1x256xf32, #tpu.memory_space<vmem>>, %arg3: memref<512x256xf32, #tpu.memory_space<vmem>>, %arg4: memref<784x256xf32, #tpu.memory_space<vmem>>, %arg5: memref<8x128xi32, #tpu.memory_space<vmem>>) attributes {dimension_semantics = [], scalar_prefetch = 0 : i64, scratch_operands = 0 : i64, tpu.core_type = #tpu.core_type<tc>} {
    %get3A = arith.constant 0 : index
    %get3A_0 = arith.constant 0 : index
    %get3A_1 = vector.load %arg0[%get3A, %get3A_0] : memref<784x480xf32, #tpu.memory_space<vmem>>, vector<784x480xf32>
    %get3A_2 = arith.constant 0 : index
    %get3A_3 = arith.constant 0 : index
    %get3A_4 = vector.load %arg1[%get3A_2, %get3A_3] : memref<256x480xf32, #tpu.memory_space<vmem>>, vector<256x480xf32>
    %transpose3A = tpu.transpose %get3A_4, [1, 0] : vector<256x480xf32> -> vector<480x256xf32>
    %dot_general3A = arith.constant dense<0.000000e+00> : vector<784x256xf32>
    %dot_general3A_5 = tpu.matmul %get3A_1, %transpose3A, %dot_general3A {dimension_numbers = #tpu.dot_dimension_numbers<[1], [0], [0], [1], [0, 0, 1, 1], [], []>, transpose_lhs_hint = false} : vector<784x480xf32>, vector<480x256xf32>, vector<784x256xf32> -> vector<784x256xf32>
    %get3A_6 = arith.constant 0 : index
    %get3A_7 = arith.constant 0 : index
    %get3A_8 = vector.load %arg2[%get3A_6, %get3A_7] : memref<1x256xf32, #tpu.memory_space<vmem>>, vector<1x256xf32>
    %add3A = vector.broadcast %get3A_8 : vector<1x256xf32> to vector<784x256xf32>
    %add3A_9 = arith.addf %dot_general3A_5, %add3A : vector<784x256xf32>
    %swap3A = arith.constant 0 : index
    %swap3A_10 = arith.constant 0 : index
    %swap3A_11 = vector.load %arg4[%swap3A, %swap3A_10] : memref<784x256xf32, #tpu.memory_space<vmem>>, vector<784x256xf32>
    tpu.vector_store %arg4[%swap3A, %swap3A_10], %add3A_9 {strides = array<i32>} : memref<784x256xf32, #tpu.memory_space<vmem>>, vector<784x256xf32>,
    %get3A_12 = arith.constant 0 : index
    %get3A_13 = arith.constant 0 : index
    %get3A_14 = vector.load %arg3[%get3A_12, %get3A_13] : memref<512x256xf32, #tpu.memory_space<vmem>>, vector<512x256xf32>
    %mul3A = arith.mulf %add3A_9, %add3A_9 : vector<784x256xf32>
    %reduce_sum3A = arith.constant dense<0.000000e+00> : vector<784xf32>
    %reduce_sum3A_15 = vector.multi_reduction <add>, %mul3A, %reduce_sum3A [1] : vector<784x256xf32> to vector<784xf32>
    %broadcast_in_dim3A = vector.shape_cast %reduce_sum3A_15 : vector<784xf32> to vector<784x1xf32>
    %mul3A_16 = arith.mulf %get3A_14, %get3A_14 : vector<512x256xf32>
    %reduce_sum3A_17 = arith.constant dense<0.000000e+00> : vector<512xf32>
    %reduce_sum3A_18 = vector.multi_reduction <add>, %mul3A_16, %reduce_sum3A_17 [1] : vector<512x256xf32> to vector<512xf32>
    %broadcast_in_dim3A_19 = vector.shape_cast %reduce_sum3A_18 : vector<512xf32> to vector<1x512xf32>
    %transpose3A_20 = tpu.transpose %get3A_14, [1, 0] : vector<512x256xf32> -> vector<256x512xf32>
    %dot_general3A_21 = arith.constant dense<0.000000e+00> : vector<784x512xf32>
    %dot_general3A_22 = tpu.matmul %add3A_9, %transpose3A_20, %dot_general3A_21 {dimension_numbers = #tpu.dot_dimension_numbers<[1], [0], [0], [1], [0, 0, 1, 1], [], []>, transpose_lhs_hint = false} : vector<784x256xf32>, vector<256x512xf32>, vector<784x512xf32> -> vector<784x512xf32>
    %mul3A_23 = arith.constant 2.000000e+00 : f32
    %mul3A_24 = vector.broadcast %mul3A_23 : f32 to vector<784x512xf32>
    %mul3A_25 = arith.mulf %mul3A_24, %dot_general3A_22 : vector<784x512xf32>
    %sub3A = vector.broadcast %broadcast_in_dim3A : vector<784x1xf32> to vector<784x512xf32>
    %sub3A_26 = arith.subf %sub3A, %mul3A_25 : vector<784x512xf32>
    %add3A_27 = vector.broadcast %broadcast_in_dim3A_19 : vector<1x512xf32> to vector<784x512xf32>
    %add3A_28 = arith.addf %sub3A_26, %add3A_27 : vector<784x512xf32>
    %reduce_min3A = arith.constant dense<0x7F800000> : vector<784xf32>
    %reduce_min3A_29 = vector.multi_reduction <minimumf>, %add3A_28, %reduce_min3A [1] : vector<784x512xf32> to vector<784xf32>
    %broadcast_in_dim3A_30 = vector.shape_cast %reduce_min3A_29 : vector<784xf32> to vector<784x1xf32>
    %iota3A = tpu.iota {dimensions = array<i32: 1>} : vector<784x512xi32>
    %eq3A = vector.broadcast %broadcast_in_dim3A_30 : vector<784x1xf32> to vector<784x512xf32>
    %eq3A_31 = arith.cmpf oeq, %add3A_28, %eq3A : vector<784x512xf32>
    %jit3A = arith.constant 512 : i32
    %broadcast_in_dim3A_32 = vector.broadcast %jit3A : i32 to vector<784x512xi32>
    %select_n3A = arith.select %eq3A_31, %iota3A, %broadcast_in_dim3A_32 : vector<784x512xi1>, vector<784x512xi32>
    %reduce_min3A_33 = arith.constant dense<2147483647> : vector<784xi32>
    %reduce_min3A_34 = vector.multi_reduction <minsi>, %select_n3A, %reduce_min3A_33 [1] : vector<784x512xi32> to vector<784xi32>
    %broadcast_in_dim3A_35 = arith.constant 0 : i32
    %broadcast_in_dim3A_36 = vector.broadcast %broadcast_in_dim3A_35 : i32 to vector<240xi32>
    %concatenate3A = tpu.concatenate %reduce_min3A_34, %broadcast_in_dim3A_36 in 0 : vector<784xi32>, vector<240xi32> -> vector<1024xi32>
    %reshape3A = vector.shape_cast %concatenate3A : vector<1024xi32> to vector<8x128xi32>
    %swap3A_37 = arith.constant 0 : index
    %swap3A_38 = arith.constant 0 : index
    %swap3A_39 = vector.load %arg5[%swap3A_37, %swap3A_38] : memref<8x128xi32, #tpu.memory_space<vmem>>, vector<8x128xi32>
    tpu.vector_store %arg5[%swap3A_37, %swap3A_38], %reshape3A {strides = array<i32>} : memref<8x128xi32, #tpu.memory_space<vmem>>, vector<8x128xi32>,
    return
  }
}

module attributes {stable_mosaic.version = 14 : i64} {
  func.func @_head_body(%arg0: memref<784x256xf32, #tpu.memory_space<vmem>>, %arg1: memref<784x256xf32, #tpu.memory_space<vmem>>, %arg2: memref<256x480xf32, #tpu.memory_space<vmem>>, %arg3: memref<1x480xf32, #tpu.memory_space<vmem>>, %arg4: memref<1x480xf32, #tpu.memory_space<vmem>>, %arg5: memref<1x480xf32, #tpu.memory_space<vmem>>, %arg6: memref<784x480xf32, #tpu.memory_space<vmem>>, %arg7: memref<1x1xf32, #tpu.memory_space<smem>>) attributes {dimension_semantics = [], scalar_prefetch = 0 : i64, scratch_operands = 0 : i64, tpu.core_type = #tpu.core_type<tc>} {
    %get3A = arith.constant 0 : index
    %get3A_0 = arith.constant 0 : index
    %get3A_1 = vector.load %arg0[%get3A, %get3A_0] : memref<784x256xf32, #tpu.memory_space<vmem>>, vector<784x256xf32>
    %get3A_2 = arith.constant 0 : index
    %get3A_3 = arith.constant 0 : index
    %get3A_4 = vector.load %arg1[%get3A_2, %get3A_3] : memref<784x256xf32, #tpu.memory_space<vmem>>, vector<784x256xf32>
    %sub3A = arith.subf %get3A_1, %get3A_4 : vector<784x256xf32>
    %mul3A = arith.mulf %sub3A, %sub3A : vector<784x256xf32>
    %reduce_sum3A = vector.shape_cast %mul3A : vector<784x256xf32> to vector<1x784x256xf32>
    %reduce_sum3A_5 = arith.constant dense<0.000000e+00> : vector<1xf32>
    %reduce_sum3A_6 = vector.multi_reduction <add>, %reduce_sum3A, %reduce_sum3A_5 [1, 2] : vector<1x784x256xf32> to vector<1xf32>
    %reduce_sum3A_7 = vector.shape_cast %reduce_sum3A_6 : vector<1xf32> to vector<1x1x1xf32>
    %reduce_sum3A_8 = vector.extract %reduce_sum3A_7[0, 0, 0] : f32 from vector<1x1x1xf32>
    %div3A = arith.constant 7.840000e+02 : f32
    %div3A_9 = arith.divf %reduce_sum3A_8, %div3A : f32
    %swap3A = arith.constant 0 : index
    %swap3A_10 = arith.constant 0 : index
    %swap3A_11 = memref.load %arg7[%swap3A, %swap3A_10] : memref<1x1xf32, #tpu.memory_space<smem>>
    memref.store %div3A_9, %arg7[%swap3A, %swap3A_10] : memref<1x1xf32, #tpu.memory_space<smem>>
    %get3A_12 = arith.constant 0 : index
    %get3A_13 = arith.constant 0 : index
    %get3A_14 = vector.load %arg2[%get3A_12, %get3A_13] : memref<256x480xf32, #tpu.memory_space<vmem>>, vector<256x480xf32>
    %dot_general3A = arith.constant dense<0.000000e+00> : vector<784x480xf32>
    %dot_general3A_15 = tpu.matmul %get3A_4, %get3A_14, %dot_general3A {dimension_numbers = #tpu.dot_dimension_numbers<[1], [0], [0], [1], [0, 0, 1, 1], [], []>, transpose_lhs_hint = false} : vector<784x256xf32>, vector<256x480xf32>, vector<784x480xf32> -> vector<784x480xf32>
    %get3A_16 = arith.constant 0 : index
    %get3A_17 = arith.constant 0 : index
    %get3A_18 = vector.load %arg3[%get3A_16, %get3A_17] : memref<1x480xf32, #tpu.memory_space<vmem>>, vector<1x480xf32>
    %add3A = vector.broadcast %get3A_18 : vector<1x480xf32> to vector<784x480xf32>
    %add3A_19 = arith.addf %dot_general3A_15, %add3A : vector<784x480xf32>
    %reduce_sum3A_20 = arith.constant dense<0.000000e+00> : vector<480xf32>
    %reduce_sum3A_21 = vector.multi_reduction <add>, %add3A_19, %reduce_sum3A_20 [0] : vector<784x480xf32> to vector<480xf32>
    %broadcast_in_dim3A = vector.shape_cast %reduce_sum3A_21 : vector<480xf32> to vector<1x480xf32>
    %div3A_22 = arith.constant 7.840000e+02 : f32
    %div3A_23 = vector.broadcast %div3A_22 : f32 to vector<1x480xf32>
    %div3A_24 = arith.divf %broadcast_in_dim3A, %div3A_23 : vector<1x480xf32>
    %sub3A_25 = vector.broadcast %div3A_24 : vector<1x480xf32> to vector<784x480xf32>
    %sub3A_26 = arith.subf %add3A_19, %sub3A_25 : vector<784x480xf32>
    %integer_pow3A = arith.mulf %sub3A_26, %sub3A_26 : vector<784x480xf32>
    %reduce_sum3A_27 = arith.constant dense<0.000000e+00> : vector<480xf32>
    %reduce_sum3A_28 = vector.multi_reduction <add>, %integer_pow3A, %reduce_sum3A_27 [0] : vector<784x480xf32> to vector<480xf32>
    %broadcast_in_dim3A_29 = vector.shape_cast %reduce_sum3A_28 : vector<480xf32> to vector<1x480xf32>
    %div3A_30 = arith.constant 7.840000e+02 : f32
    %div3A_31 = vector.broadcast %div3A_30 : f32 to vector<1x480xf32>
    %div3A_32 = arith.divf %broadcast_in_dim3A_29, %div3A_31 : vector<1x480xf32>
    %get3A_33 = arith.constant 0 : index
    %get3A_34 = arith.constant 0 : index
    %get3A_35 = vector.load %arg4[%get3A_33, %get3A_34] : memref<1x480xf32, #tpu.memory_space<vmem>>, vector<1x480xf32>
    %sub3A_36 = vector.broadcast %div3A_24 : vector<1x480xf32> to vector<784x480xf32>
    %sub3A_37 = arith.subf %add3A_19, %sub3A_36 : vector<784x480xf32>
    %mul3A_38 = vector.broadcast %get3A_35 : vector<1x480xf32> to vector<784x480xf32>
    %mul3A_39 = arith.mulf %mul3A_38, %sub3A_37 : vector<784x480xf32>
    %add3A_40 = arith.constant 9.99999974E-6 : f32
    %add3A_41 = vector.broadcast %add3A_40 : f32 to vector<1x480xf32>
    %add3A_42 = arith.addf %div3A_32, %add3A_41 : vector<1x480xf32>
    %sqrt3A = math.sqrt %add3A_42 : vector<1x480xf32>
    %div3A_43 = vector.broadcast %sqrt3A : vector<1x480xf32> to vector<784x480xf32>
    %div3A_44 = arith.divf %mul3A_39, %div3A_43 : vector<784x480xf32>
    %get3A_45 = arith.constant 0 : index
    %get3A_46 = arith.constant 0 : index
    %get3A_47 = vector.load %arg5[%get3A_45, %get3A_46] : memref<1x480xf32, #tpu.memory_space<vmem>>, vector<1x480xf32>
    %add3A_48 = vector.broadcast %get3A_47 : vector<1x480xf32> to vector<784x480xf32>
    %add3A_49 = arith.addf %div3A_44, %add3A_48 : vector<784x480xf32>
    %max3A = arith.constant 0.000000e+00 : f32
    %max3A_50 = vector.broadcast %max3A : f32 to vector<784x480xf32>
    %max3A_51 = arith.maximumf %add3A_49, %max3A_50 : vector<784x480xf32>
    %swap3A_52 = arith.constant 0 : index
    %swap3A_53 = arith.constant 0 : index
    %swap3A_54 = vector.load %arg6[%swap3A_52, %swap3A_53] : memref<784x480xf32, #tpu.memory_space<vmem>>, vector<784x480xf32>
    tpu.vector_store %arg6[%swap3A_52, %swap3A_53], %max3A_51 {strides = array<i32>} : memref<784x480xf32, #tpu.memory_space<vmem>>, vector<784x480xf32>,
    return
  }
}

</mosaic_0001>

<sc_bundles>
// kernel: kernel.5.cloned.1.call-start
scs
__scs_entry_jumppad:
0x0: {  	(pc) =	sbr.rel $0x88, $3  }
0x1: {  	(tag) =	ssettag $0x0;
	lr =	simm.s32 $0x1  }
0x2: {  	[smem:$0x3F73] =	sst lr;
	_ =	strace $0xD0000000  }
0x3: {  	_ = 	snop  }
0x4: {  	_ = 	snop  }
0x5: {  	_ = 	snop  }
0x6: {  	_ = 	snop  }
0x7: {  	_ = 	snop  }
__scs_overlays_trampoline_lowered:
0x8: {  	[smem:$0x3F82] =	sst s0  }
0x9: {  	[smem:$0x3F83] =	sst s1  }
0xa: {  	[smem:$0x3F84] =	sst s2  }
0xb: {  	[smem:$0x3F85] =	sst s3  }
0xc: {  	[smem:$0x3F86] =	sst s4  }
0xd: {  	[smem:$0x3F87] =	sst s5  }
0xe: {  	[smem:$0x3F88] =	sst s6  }
0xf: {  	[smem:$0x3F89] =	sst s7  }
0x10: {  	[smem:$0x3F8A] =	sst s8  }
0x11: {  	[smem:$0x3F8B] =	sst s9;
	s0 =	simm.s32 @!p0 $0x0  }
0x12: {  	s1 =	sld [smem:$0x3F71];
	s0 =	simm.s32 @p0 $0x1  }
0x13: {  	[smem:$0x3F8C] =	sst s0;
	s0 =	simm.s32 @!p1 $0x0  }
0x14: {  	s2 =	sld [smem:$0x3F70];
	s0 =	simm.s32 @p1 $0x1  }
0x15: {  	[smem:$0x3F8D] =	sst s0;
	s0 =	simm.s32 @!p2 $0x0  }
0x16: {  	s3 =	sld [smem:$0x3FDB];
	s0 =	simm.s32 @p2 $0x1  }
0x17: {  	s4 =	simm.s32 $0x1BF5;
	[smem:$0x3F8F] =	sst s0  }
0x18: {  	s0 =	sld [smem:$0x3F72];
	_ =	swait.ge [sflag:s4], $0x0  }
0x19: {  	s7 =	sld [smem:$0x3F73]  }
0x1a: {  	s8 =	sadd.s32 $0xFFFFE003, lr  }
0x1b: {  	s9 =	sadd.s32 $0xFFFFFEF7, lr;
	s5 =	simm.s32 $0xFFFFFFFF;
	p2 =	slt.u32 s8, $0xFFFFF086  }
0x1c: {  	p1 =	slt.u32 s9, $0xF7A;
	s5 =	simm.s32 @!p2 $0x0  }
0x1d: {  	s5 =	simm.s32 @p1 $0x1;
	p0 =	seq.s32 s7, s2  }
0x1e: {  	s7 =	smul.u32 @!p0 $0xF7A, s2;
	p2 =	seq.s32 @!p0 s5, $0x0  }
0x1f: {  	s9 =	smul.u32 $0xF7A, s1;
	s8 =	simm.s32 @!p0 $0x1BF5;
	p2 =	por !p2, p0  }
0x20: {  	[sflag:s8] =	ssyncset.s32 @!p0 $0xFFFFF086;
	s6 =	sadd.s32 @!p0 s3, s7;
	s7 =	simm.s32 @!p0 $0x108  }
0x21: {  	s3 =	sadd.s32 s3, s9;
	s6 =	sadd.s32 @!p0 $0x88, s6;
	s7 =	simm.s32 @p2 $0x1082  }
0x22: {  	[simem:s7], [sflag:s8] =	dma.local @!p0 [hbm:s6], $0xF7A  }
0x23: {  	s9 =	sor.u32 $0xD0000000, s2;
	s6 =	simm.s32 $0x108;
	_ =	swait.ge @!p0 [sflag:s8], $0x0  }
0x24: {  	s3 =	sadd.s32 $0x88, s3;
	s6 =	simm.s32 @!p1 $0x1082;
	[sflag:s4] =	ssyncset.s32 $0xFFFFF086  }
0x25: {  	[simem:s6], [sflag:s4] =	dma.local [hbm:s3], $0xF7A  }
0x26: {  	[smem:$0x3F73] =	sst s1;
	(tag) =	ssettag s2;
	_ =	strace s9  }
0x27: {  	s1 =	sld [smem:$0x3F83]  }
0x28: {  	s2 =	sld [smem:$0x3F84]  }
0x29: {  	s4 =	sld [smem:$0x3F86]  }
0x2a: {  	p0 =	seq.s32 s5, $0x0;
	s5 =	sld [smem:$0x3F87]  }
0x2b: {  	s6 =	sld [smem:$0x3F88]  }
0x2c: {  	s7 =	sld [smem:$0x3F89]  }
0x2d: {  	s3 =	simm.s32 $0x108;
	s8 =	sld [smem:$0x3F8A]  }
0x2e: {  	s3 =	simm.s32 @!p0 $0x1082;
	s9 =	sld [smem:$0x3F8B]  }
0x2f: {  	lr =	sadd.s32 s0, s3;
	s0 =	sld [smem:$0x3F82]  }
0x30: {  	s3 =	sld [smem:$0x3F85]  }
0x31: {  	[smem:$0x3F8E] =	sst s10  }
0x32: {  	s10 =	sld [smem:$0x3F8C];
	_ =	sdelay $0x3  }
0x33: {  	p0 =	seq.s32 s10, $0x1;
	s10 =	sld [smem:$0x3F8E];
	_ =	sdelay $0x3  }
0x34: {  	[smem:$0x3F8E] =	sst s10  }
0x35: {  	s10 =	sld [smem:$0x3F8D];
	_ =	sdelay $0x3  }
0x36: {  	p1 =	seq.s32 s10, $0x1;
	s10 =	sld [smem:$0x3F8E];
	_ =	sdelay $0x3  }
0x37: {  	[smem:$0x3F8E] =	sst s10  }
0x38: {  	s10 =	sld [smem:$0x3F8F]  }
0x39: {  	_ = 	snop;
	(pc) =	sbr.ind lr, $3  }
0x3a: {  	_ = 	snop  }
0x3b: {  	_ = 	snop  }
0x3c: {  	p2 =	seq.s32 s10, $0x1;
	s10 =	sld [smem:$0x3F8E]  }
0x3d: {  	_ =	shalt  }
0x3e: {  	_ =	shalt  }
0x3f: {  	_ =	shalt  }
0x40: {  	_ =	shalt  }
0x41: {  	_ =	shalt  }
0x42: {  	_ =	shalt  }
0x43: {  	_ =	shalt  }
0x44: {  	_ =	shalt  }
0x45: {  	_ =	shalt  }
0x46: {  	_ =	shalt  }
0x47: {  	_ =	shalt  }
0x48: {  	_ =	shalt  }
0x49: {  	_ =	shalt  }
0x4a: {  	_ =	shalt  }
0x4b: {  	_ =	shalt  }
0x4c: {  	_ =	shalt  }
0x4d: {  	_ =	shalt  }
0x4e: {  	_ =	shalt  }
0x4f: {  	_ =	shalt  }
0x50: {  	_ =	shalt  }
0x51: {  	_ =	shalt  }
0x52: {  	_ =	shalt  }
0x53: {  	_ =	shalt  }
0x54: {  	_ =	shalt  }
0x55: {  	_ =	shalt  }
0x56: {  	_ =	shalt  }
0x57: {  	_ =	shalt  }
0x58: {  	_ =	shalt  }
0x59: {  	_ =	shalt  }
0x5a: {  	_ =	shalt  }
0x5b: {  	_ =	shalt  }
0x5c: {  	_ =	shalt  }
0x5d: {  	_ =	shalt  }
0x5e: {  	_ =	shalt  }
0x5f: {  	_ =	shalt  }
0x60: {  	_ =	shalt  }
0x61: {  	_ =	shalt  }
0x62: {  	_ =	shalt  }
0x63: {  	_ =	shalt  }
0x64: {  	_ =	shalt  }
0x65: {  	_ =	shalt  }
0x66: {  	_ =	shalt  }
0x67: {  	_ =	shalt  }
0x68: {  	_ =	shalt  }
0x69: {  	_ =	shalt  }
0x6a: {  	_ =	shalt  }
0x6b: {  	_ =	shalt  }
0x6c: {  	_ =	shalt  }
0x6d: {  	_ =	shalt  }
0x6e: {  	_ =	shalt  }
0x6f: {  	_ =	shalt  }
0x70: {  	_ =	shalt  }
0x71: {  	_ =	shalt  }
0x72: {  	_ =	shalt  }
0x73: {  	_ =	shalt  }
0x74: {  	_ =	shalt  }
0x75: {  	_ =	shalt  }
0x76: {  	_ =	shalt  }
0x77: {  	_ =	shalt  }
0x78: {  	_ =	shalt  }
0x79: {  	_ =	shalt  }
0x7a: {  	_ =	shalt  }
0x7b: {  	_ =	shalt  }
0x7c: {  	_ =	shalt  }
0x7d: {  	_ =	shalt  }
0x7e: {  	_ =	shalt  }
0x7f: {  	_ =	shalt  }
0x80: {  	_ =	shalt  }
0x81: {  	_ =	shalt  }
0x82: {  	_ =	shalt  }
0x83: {  	_ =	shalt  }
0x84: {  	_ =	shalt  }
0x85: {  	_ =	shalt  }
0x86: {  	_ =	shalt  }
0x87: {  	_ =	shalt  }
.Lfunc_end0:
.L_simem_size_0:
called_computation.9_lowered:
.L_overlay_start_0:
0x88: {  	s2 =	sld [smem:$0x3FD9]  }
0x89: {  	s3 =	sld [smem:$0x3FFE];
	_ =	sdelay $0x1  }
0x8a: {  	s1 =	srdreg.scid  }
0x8b: {  	s0 =	sand.u32 $0x1, s1  }
0x8c: {  	s14 =	sshll.u32 s0, $0xA;
	s2 =	sadd.s32 s3, s2  }
0x8d: {  	s2 =	sadd.s32 s2, s14  }
0x8e: {  	[smem:$0x3F9A] =	sst s2  }
0x8f: {  	_ = 	snop  }
0x90: {  	s2 =	sld [smem:$0x3FD0];
	_ =	sdelay $0x2  }
0x91: {  	s4 =	simm.s32 $0xA;
	s5 =	simm.s32 $0x10;
	s15 =	sld [smem:$0x3FB2]  }
0x92: {  	[smem:s5], [sflag:s4] =	dma.local [hbm:s2], $0x1  }
0x93: {  	_ =	swait.eq [sflag:s4], $0x1  }
0x94: {  	[sflag:s4] =	ssyncset.done $0x0  }
0x95: {  	[sflag:s4] =	ssyncadd.s32 $0xFFFFFFFF  }
0x96: {  	s16 =	sld [smem:$0x10];
	(tm) =	ssettm $0x1  }
0x97: {  	s17 =	sld [smem:$0x3FFB];
	_ =	sdelay $0x3  }
0x98: {  	_ =	strace s17  }
0x99: {  	s4 =	sld [smem:$0x3FFC];
	_ =	sdelay $0x3  }
0x9a: {  	_ =	strace s4  }
0x9b: {  	s4 =	sld [smem:$0x3FFD];
	_ =	sdelay $0x3  }
0x9c: {  	_ =	strace s4  }
0x9d: {  	_ =	strace $0x8FFFFFFF  }
0x9e: {  	s18 =	sld [smem:$0x3FDB];
	_ =	sdelay $0x1  }
0x9f: {  	s19 =	simm.s32 $_scs_section_size  }
0xa0: {  	s6 =	simm.s32 $_size__tile_overlayer_lowered;
	s7 =	simm.s32 $_tile_overlayer_lowered  }
0xa1: {  	s22 =	simm.s32 $0x1BFF;
	s21 =	sshll.u32 s7, $0x1;
	s4 =	sadd.s32 s19, s18  }
0xa2: {  	s8 =	simm.s32 $0x0;
	s20 =	sshll.u32 s6, $0x1;
	s6 =	sadd.s32 s21, s4  }
0xa3: {  	[timem:s8], [sflag:s22] =	dma.local [hbm:s6], s20  }
0xa4: {  	_ =	swait.ge [sflag:s22], s20  }
0xa5: {  	s5 =	ssub.s32 $0x0, s20;
	[sflag:s22] =	ssyncset.done $0x0  }
0xa6: {  	[sflag:s22] =	ssyncadd.s32 s5;
	_ =	sdelay $0x1  }
0xa7: {  	s23 =	simm.s32 $0x1B8B  }
0xa8: {  	_ =	swait.ge [sflag:s23], $0x1  }
0xa9: {  	[sflag:s23] =	ssyncset.done $0x0  }
0xaa: {  	s25 =	simm.s32 $0x1B8E;
	s24 =	sld [smem:$0x3FFE];
	[sflag:s23] =	ssyncadd.s32 $0xFFFFFFFF  }
0xab: {  	s26 =	simm.s32 $execute0_lowered;
	[smem:$0x3FD2] =	sst s25  }
0xac: {  	s6 =	sshll.u32 s26, $0x1;
	_ =	strace $0x8000004C;
	[dreg:$0x1] =	wrdreg $0xFFFFFFFF  }
0xad: {  	s28 =	simm.s32 $_size_execute0_lowered;
	s4 =	sadd.s32 s4, s6;
	[dreg:$0x0] =	wrdreg $0x0  }
0xae: {  	s6 =	sshll.u32 s28, $0x1;
	[dreg:$0x2] =	wrdreg s4  }
0xaf: {  	[dreg:$0x3] =	wrdreg s6  }
0xb0: {  	[dreg:$0x4] =	wrdreg $0xC0  }
0xb1: {  	_ =	task [dreg:s8], $0x5FFFF  }
0xb2: {  	[dreg:$0x1] =	wrdreg $0xFFFFFFFF  }
0xb3: {  	[dreg:$0x0] =	wrdreg $0x60  }
0xb4: {  	[dreg:$0x2] =	wrdreg s15  }
0xb5: {  	[dreg:$0x3] =	wrdreg s24  }
0xb6: {  	[dreg:$0x4] =	wrdreg s16  }
0xb7: {  	[dreg:$0x5] =	wrdreg $0x9  }
0xb8: {  	_ =	task.clear_ibuf [dreg:s8], $0x6FFFF;
	_ =	strace $0x9000004C  }
0xb9: {  	s29 =	simm.s32 $0x9;
	_ =	strace $0x8000004E  }
0xba: {  	_ =	swait.ge [sflag:s29], $0x1  }
0xbb: {  	[sflag:s29] =	ssyncadd.s32 $0xFFFFFFFF  }
0xbc: {  	_ =	strace $0x9000004E  }
0xbd: {  	_ =	sfence  }
0xbe: {  	s30 =	sld [smem:$0x0];
	_ =	sdelay $0x2  }
0xbf: {  	s31 =	sshll.u32 s1, $0xD;
	s1 =	sshrl.u32 s1, $0x2  }
0xc0: {  	s3 =	sand.u32 $0x4000, s31;
	s1 =	sadd.s32 s1, s30  }
0xc1: {  	s0 =	sor.u32 s3, s0;
	s1 =	sshll.u32 s1, $0x11  }
0xc2: {  	s0 =	sor.u32 s1, s0  }
0xc3: {  	s0 =	sadd.s32 $0x8F2B, s0  }
0xc4: {  	[sflag:s0] =	ssyncadd.remote.s32 $0x1  }
0xc5: {  	_ =	sfence.sel $0xFFFF  }
0xc6: {  	[dreg:$0x0] =	wrdreg $0xFFFFFFFF;
	(pc) =	sbr.abs _section_cstart, $3  }
0xc7: {  	[dreg:$0x1] =	wrdreg $0xFFFFFFFF  }
0xc8: {  	_ =	task.clear_ibuf [dreg:s8], $0x2FFFF;
	_ =	strace $0x9FFFFFFF  }
0xc9: {  	(tm) =	ssettm $0x7FFFFFFF  }
tec
execute0_lowered:
.L_overlay_start_1:
0x0: {  	(tag) =	ssettag $0x1  }
0x1: {  	s1 =	rddreg [dreg:$0x0]  }
0x2: {  	s4 =	rddreg [dreg:$0x1]  }
0x3: {  	s5 =	rddreg [dreg:$0x2];
	s3 =	srdreg.scid  }
0x4: {  	s0 =	rddreg [dreg:$0x3];
	s2 =	stileid.u32;
	s10 =	simm.s32 $0x1080  }
0x5: {  	s11 =	simm.s32 $0x1880;
	s12 =	simm.s32 $0x1;
	s6 =	sand.u32 $0x1, s3  }
0x6: {  	s3 =	simm.s32 $0x0;
	s7 =	sshll.u32 s2, $0x6;
	s8 =	sshll.u32 s6, $0x5  }
0x7: {  	[smem:$0x7FF] =	sst s3;
	s6 =	ssub.s32 $0x2, s6;
	s7 =	sor.u32 s8, s7  }
0x8: {  	_ =	strace $0x8000004D;
	s9 =	sshrl.u32 s6, $0x1;
	s8 =	sshrl.u32 s7, $0x3  }
0x9: {  	v2 =	vlaneseq.u32;
	s6 =	ssub.s32 s6, s9;
	s7 =	sshll.u32 s7, $0x5;
	s9 =	simm.s32 $0x880  }
0xa: {  	vm0 =	vmmov $0xffff;
	v1 =	vshrl.u32 v2, $0x3;
	s4 =	sadd.s32 s8, s4;
	s5 =	sadd.s32 s5, s7;
	s6 =	smax.u32 s6, $0x1  }
0xb: {  	v0 =	vand.u32 $0x7, v2;
	v2 =	vor.u32 $0x8, v2;
	v1 =	vmul.u32 $0x8, v1;
	s7 =	simm.s32 $0x2;
	s8 =	simm.s32 $0x80;
	s4 =	sadd.s32 $0x2A00, s4  }
.LBB2_1:
0xc: {  	[tilespmem:s3], [sflag:$0x2] =	stream.linear.gather [hbm4b:s4+s3], $0x20, $0x38;
	[tilespmem:$0x2080] =	vst v63  }
0xd: {  	_ =	swait.ge [sflag:s7], $0x20  }
0xe: {  	[sflag:s7] =	ssyncset.done $0x0  }
0xf: {  	[sflag:s7] =	ssyncadd.s32 $0xFFFFFFE0  }
0x10: {  	v3 =	vld [tilespmem:$0x0];
	_ =	sdelay $0x4  }
0x11: {  	v4 =	vshll.u32 v3, $0x1  }
0x12: {  	v3 =	vand.u32 $0x7, v3;
	v4 =	vand.u32 $0xFFFFFFF0, v4  }
0x13: {  	v3 =	vor.u32 v3, v4  }
0x14: {  	v4 =	vperm.xlane v3, v0;
	_ =	sdelay $0x1  }
0x15: {  	v3 =	vperm.xlane v3, v2;
	v4 =	vadd.s32 v1, v4;
	_ =	sdelay $0x1  }
0x16: {  	v3 =	vadd.s32 v1, v3;
	_ =	sdelay $0x2  }
0x17: {  	[tilespmem:s8], [sflag:$0x1] =	stream.indirect_vreg.gather [hbm4b:s1+s3], $0x80, v4, vm0, $0xb8;
	[tilespmem:$0x2080] =	vst v63  }
0x18: {  	_ = 	snop  }
0x19: {  	[tilespmem:s9], [sflag:$0x1] =	stream.indirect_vreg.gather [hbm4b:s1+s3], $0x80, v3, vm0, $0xb8;
	[tilespmem:$0x2080] =	vst v63  }
0x1a: {  	v3 =	vld [tilespmem:$0x10];
	_ =	sdelay $0x4  }
0x1b: {  	v63 =	vshll.u32 v3, $0x1  }
0x1c: {  	v3 =	vand.u32 $0x7, v3;
	v4 =	vand.u32 $0xFFFFFFF0, v63  }
0x1d: {  	v3 =	vor.u32 v3, v4  }
0x1e: {  	v4 =	vperm.xlane v3, v0;
	_ =	sdelay $0x1  }
0x1f: {  	v3 =	vperm.xlane v3, v2;
	v4 =	vadd.s32 v1, v4;
	_ =	sdelay $0x1  }
0x20: {  	v3 =	vadd.s32 v1, v3;
	_ =	sdelay $0x2  }
0x21: {  	[tilespmem:s10], [sflag:$0x1] =	stream.indirect_vreg.gather [hbm4b:s1+s3], $0x80, v4, vm0, $0xb8;
	[tilespmem:$0x2080] =	vst v63  }
0x22: {  	_ = 	snop  }
0x23: {  	[tilespmem:s11], [sflag:$0x1] =	stream.indirect_vreg.gather [hbm4b:s1+s3], $0x80, v3, vm0, $0xb8;
	[tilespmem:$0x2080] =	vst v63  }
0x24: {  	_ =	swait.ge [sflag:s12], $0x2000  }
0x25: {  	p0 =	sne.s32 s6, $0x1;
	[sflag:s12] =	ssyncset.done $0x0  }
.Ltmp0:
0x26: {  	[sflag:s12] =	ssyncadd.s32 $0xFFFFE000;
	(pc) =	sbr.rel @p0 .LBB2_1-.Ltmp0, $4  }
0x27: {  	[hbm4b:s5+s3] =	stream.linear.scatter [tilespmem:s8], [sflag:$0x2], $0x2000, $0x38;
	[tilespmem:$0x2080] =	vst v63  }
0x28: {  	_ =	swait.ge [sflag:s7], $0x2000  }
0x29: {  	[sflag:s7] =	ssyncset.done $0x0  }
0x2a: {  	s6 =	sadd.s32 $0xFFFFFFFF, s6;
	[sflag:s7] =	ssyncadd.s32 $0xFFFFE000  }
0x2b: {  	_ =	sfence.sel $0x180000  }
0x2c: {  	[bflag:$0x0] =	sbarrier.arrive $0xFFFF  }
0x2d: {  	p0 =	sne.s32 s2, $0x0;
	_ =	strace $0x9000004D  }
0x2e: {  	s0 =	sadd.s32 @!p0 $0x100000, s0;
	[bflag:$0x2] =	sbarrier.arrive $0xFFFF  }
0x2f: {  	[sflag:s0] =	ssyncadd.tile.s32 @!p0 $0x1;
	_ =	shalt  }
.Lfunc_end2:
_tile_overlayer_lowered:
.L_overlay_start_2:
0x30: {  	(tag) =	ssettag $0x2  }
0x31: {  	s0 =	rddreg [dreg:$0x0];
	s2 =	stileid.u32  }
0x32: {  	s1 =	rddreg [dreg:$0x1];
	p0 =	sne.s32 s2, $0x0  }
0x33: {  	s3 =	rddreg [dreg:$0x2];
	[bflag:$0x3] =	sbarrier.arrive $0xFFFF;
	s2 =	simm.s32 @!p0 $0x1C02  }
0x34: {  	[timem:s3], [sflag:s2] =	dma.local @!p0 [hbm:s0], s1  }
0x35: {  	s0 =	simm.s32 @!p0 $0x2  }
0x36: {  	_ =	swait.ge @!p0 [sflag:s0], s1  }
0x37: {  	s1 =	ssub.s32 @!p0 $0x0, s1;
	[sflag:s0] =	ssyncset.done @!p0 $0x0  }
0x38: {  	[sflag:s0] =	ssyncadd.s32 @!p0 s1  }
0x39: {  	[bflag:$0x3] =	sbarrier.arrive $0xFFFF  }
0x3a: {  	_ =	shalt  }

// kernel: scatter_offload_async_start.1
scs
__scs_entry_jumppad:
0x0: {  	(pc) =	sbr.rel $0x88, $3  }
0x1: {  	(tag) =	ssettag $0x0;
	lr =	simm.s32 $0x1  }
0x2: {  	[smem:$0x3F73] =	sst lr;
	_ =	strace $0xD0000000  }
0x3: {  	_ = 	snop  }
0x4: {  	_ = 	snop  }
0x5: {  	_ = 	snop  }
0x6: {  	_ = 	snop  }
0x7: {  	_ = 	snop  }
__scs_overlays_trampoline_lowered:
0x8: {  	[smem:$0x3F82] =	sst s0  }
0x9: {  	[smem:$0x3F83] =	sst s1  }
0xa: {  	[smem:$0x3F84] =	sst s2  }
0xb: {  	[smem:$0x3F85] =	sst s3  }
0xc: {  	[smem:$0x3F86] =	sst s4  }
0xd: {  	[smem:$0x3F87] =	sst s5  }
0xe: {  	[smem:$0x3F88] =	sst s6  }
0xf: {  	[smem:$0x3F89] =	sst s7  }
0x10: {  	[smem:$0x3F8A] =	sst s8  }
0x11: {  	[smem:$0x3F8B] =	sst s9;
	s0 =	simm.s32 @!p0 $0x0  }
0x12: {  	s1 =	sld [smem:$0x3F71];
	s0 =	simm.s32 @p0 $0x1  }
0x13: {  	[smem:$0x3F8C] =	sst s0;
	s0 =	simm.s32 @!p1 $0x0  }
0x14: {  	s2 =	sld [smem:$0x3F70];
	s0 =	simm.s32 @p1 $0x1  }
0x15: {  	[smem:$0x3F8D] =	sst s0;
	s0 =	simm.s32 @!p2 $0x0  }
0x16: {  	s3 =	sld [smem:$0x3FDB];
	s0 =	simm.s32 @p2 $0x1  }
0x17: {  	s4 =	simm.s32 $0x1BF5;
	[smem:$0x3F8F] =	sst s0  }
0x18: {  	s0 =	sld [smem:$0x3F72];
	_ =	swait.ge [sflag:s4], $0x0  }
0x19: {  	s7 =	sld [smem:$0x3F73]  }
0x1a: {  	s8 =	sadd.s32 $0xFFFFE003, lr  }
0x1b: {  	s9 =	sadd.s32 $0xFFFFFEF7, lr;
	s5 =	simm.s32 $0xFFFFFFFF;
	p2 =	slt.u32 s8, $0xFFFFF086  }
0x1c: {  	p1 =	slt.u32 s9, $0xF7A;
	s5 =	simm.s32 @!p2 $0x0  }
0x1d: {  	s5 =	simm.s32 @p1 $0x1;
	p0 =	seq.s32 s7, s2  }
0x1e: {  	s7 =	smul.u32 @!p0 $0xF7A, s2;
	p2 =	seq.s32 @!p0 s5, $0x0  }
0x1f: {  	s9 =	smul.u32 $0xF7A, s1;
	s8 =	simm.s32 @!p0 $0x1BF5;
	p2 =	por !p2, p0  }
0x20: {  	[sflag:s8] =	ssyncset.s32 @!p0 $0xFFFFF086;
	s6 =	sadd.s32 @!p0 s3, s7;
	s7 =	simm.s32 @!p0 $0x108  }
0x21: {  	s3 =	sadd.s32 s3, s9;
	s6 =	sadd.s32 @!p0 $0x88, s6;
	s7 =	simm.s32 @p2 $0x1082  }
0x22: {  	[simem:s7], [sflag:s8] =	dma.local @!p0 [hbm:s6], $0xF7A  }
0x23: {  	s9 =	sor.u32 $0xD0000000, s2;
	s6 =	simm.s32 $0x108;
	_ =	swait.ge @!p0 [sflag:s8], $0x0  }
0x24: {  	s3 =	sadd.s32 $0x88, s3;
	s6 =	simm.s32 @!p1 $0x1082;
	[sflag:s4] =	ssyncset.s32 $0xFFFFF086  }
0x25: {  	[simem:s6], [sflag:s4] =	dma.local [hbm:s3], $0xF7A  }
0x26: {  	[smem:$0x3F73] =	sst s1;
	(tag) =	ssettag s2;
	_ =	strace s9  }
0x27: {  	s1 =	sld [smem:$0x3F83]  }
0x28: {  	s2 =	sld [smem:$0x3F84]  }
0x29: {  	s4 =	sld [smem:$0x3F86]  }
0x2a: {  	p0 =	seq.s32 s5, $0x0;
	s5 =	sld [smem:$0x3F87]  }
0x2b: {  	s6 =	sld [smem:$0x3F88]  }
0x2c: {  	s7 =	sld [smem:$0x3F89]  }
0x2d: {  	s3 =	simm.s32 $0x108;
	s8 =	sld [smem:$0x3F8A]  }
0x2e: {  	s3 =	simm.s32 @!p0 $0x1082;
	s9 =	sld [smem:$0x3F8B]  }
0x2f: {  	lr =	sadd.s32 s0, s3;
	s0 =	sld [smem:$0x3F82]  }
0x30: {  	s3 =	sld [smem:$0x3F85]  }
0x31: {  	[smem:$0x3F8E] =	sst s10  }
0x32: {  	s10 =	sld [smem:$0x3F8C];
	_ =	sdelay $0x3  }
0x33: {  	p0 =	seq.s32 s10, $0x1;
	s10 =	sld [smem:$0x3F8E];
	_ =	sdelay $0x3  }
0x34: {  	[smem:$0x3F8E] =	sst s10  }
0x35: {  	s10 =	sld [smem:$0x3F8D];
	_ =	sdelay $0x3  }
0x36: {  	p1 =	seq.s32 s10, $0x1;
	s10 =	sld [smem:$0x3F8E];
	_ =	sdelay $0x3  }
0x37: {  	[smem:$0x3F8E] =	sst s10  }
0x38: {  	s10 =	sld [smem:$0x3F8F]  }
0x39: {  	_ = 	snop;
	(pc) =	sbr.ind lr, $3  }
0x3a: {  	_ = 	snop  }
0x3b: {  	_ = 	snop  }
0x3c: {  	p2 =	seq.s32 s10, $0x1;
	s10 =	sld [smem:$0x3F8E]  }
0x3d: {  	_ =	shalt  }
0x3e: {  	_ =	shalt  }
0x3f: {  	_ =	shalt  }
0x40: {  	_ =	shalt  }
0x41: {  	_ =	shalt  }
0x42: {  	_ =	shalt  }
0x43: {  	_ =	shalt  }
0x44: {  	_ =	shalt  }
0x45: {  	_ =	shalt  }
0x46: {  	_ =	shalt  }
0x47: {  	_ =	shalt  }
0x48: {  	_ =	shalt  }
0x49: {  	_ =	shalt  }
0x4a: {  	_ =	shalt  }
0x4b: {  	_ =	shalt  }
0x4c: {  	_ =	shalt  }
0x4d: {  	_ =	shalt  }
0x4e: {  	_ =	shalt  }
0x4f: {  	_ =	shalt  }
0x50: {  	_ =	shalt  }
0x51: {  	_ =	shalt  }
0x52: {  	_ =	shalt  }
0x53: {  	_ =	shalt  }
0x54: {  	_ =	shalt  }
0x55: {  	_ =	shalt  }
0x56: {  	_ =	shalt  }
0x57: {  	_ =	shalt  }
0x58: {  	_ =	shalt  }
0x59: {  	_ =	shalt  }
0x5a: {  	_ =	shalt  }
0x5b: {  	_ =	shalt  }
0x5c: {  	_ =	shalt  }
0x5d: {  	_ =	shalt  }
0x5e: {  	_ =	shalt  }
0x5f: {  	_ =	shalt  }
0x60: {  	_ =	shalt  }
0x61: {  	_ =	shalt  }
0x62: {  	_ =	shalt  }
0x63: {  	_ =	shalt  }
0x64: {  	_ =	shalt  }
0x65: {  	_ =	shalt  }
0x66: {  	_ =	shalt  }
0x67: {  	_ =	shalt  }
0x68: {  	_ =	shalt  }
0x69: {  	_ =	shalt  }
0x6a: {  	_ =	shalt  }
0x6b: {  	_ =	shalt  }
0x6c: {  	_ =	shalt  }
0x6d: {  	_ =	shalt  }
0x6e: {  	_ =	shalt  }
0x6f: {  	_ =	shalt  }
0x70: {  	_ =	shalt  }
0x71: {  	_ =	shalt  }
0x72: {  	_ =	shalt  }
0x73: {  	_ =	shalt  }
0x74: {  	_ =	shalt  }
0x75: {  	_ =	shalt  }
0x76: {  	_ =	shalt  }
0x77: {  	_ =	shalt  }
0x78: {  	_ =	shalt  }
0x79: {  	_ =	shalt  }
0x7a: {  	_ =	shalt  }
0x7b: {  	_ =	shalt  }
0x7c: {  	_ =	shalt  }
0x7d: {  	_ =	shalt  }
0x7e: {  	_ =	shalt  }
0x7f: {  	_ =	shalt  }
0x80: {  	_ =	shalt  }
0x81: {  	_ =	shalt  }
0x82: {  	_ =	shalt  }
0x83: {  	_ =	shalt  }
0x84: {  	_ =	shalt  }
0x85: {  	_ =	shalt  }
0x86: {  	_ =	shalt  }
0x87: {  	_ =	shalt  }
.Lfunc_end0:
.L_simem_size_0:
called_computation.1_lowered:
.L_overlay_start_0:
0x88: {  	s2 =	sld [smem:$0x3FD9]  }
0x89: {  	s3 =	sld [smem:$0x3FFE];
	_ =	sdelay $0x1  }
0x8a: {  	s1 =	srdreg.scid  }
0x8b: {  	s0 =	sand.u32 $0x1, s1  }
0x8c: {  	s16 =	sshll.u32 s0, $0xA;
	s2 =	sadd.s32 s3, s2  }
0x8d: {  	s2 =	sadd.s32 s2, s16  }
0x8e: {  	[smem:$0x3F9A] =	sst s2  }
0x8f: {  	_ = 	snop  }
0x90: {  	(tm) =	ssettm $0x1  }
0x91: {  	s17 =	sld [smem:$0x3FFB];
	_ =	sdelay $0x3  }
0x92: {  	_ =	strace s17  }
0x93: {  	s2 =	sld [smem:$0x3FFC];
	_ =	sdelay $0x3  }
0x94: {  	_ =	strace s2  }
0x95: {  	s2 =	sld [smem:$0x3FFD];
	_ =	sdelay $0x3  }
0x96: {  	_ =	strace s2  }
0x97: {  	_ =	strace $0x8FFFFFFF  }
0x98: {  	s18 =	sld [smem:$0x3FDB];
	_ =	sdelay $0x1  }
0x99: {  	s19 =	simm.s32 $_scs_section_size  }
0x9a: {  	s4 =	simm.s32 $_size__tile_overlayer_lowered;
	s5 =	simm.s32 $_tile_overlayer_lowered  }
0x9b: {  	s22 =	simm.s32 $0x1BFF;
	s21 =	sshll.u32 s5, $0x1;
	s2 =	sadd.s32 s19, s18  }
0x9c: {  	s6 =	simm.s32 $0x0;
	s20 =	sshll.u32 s4, $0x1;
	s4 =	sadd.s32 s21, s2  }
0x9d: {  	[timem:s6], [sflag:s22] =	dma.local [hbm:s4], s20  }
0x9e: {  	_ =	swait.ge [sflag:s22], s20  }
0x9f: {  	s3 =	ssub.s32 $0x0, s20;
	[sflag:s22] =	ssyncset.done $0x0  }
0xa0: {  	[sflag:s22] =	ssyncadd.s32 s3;
	_ =	sdelay $0x1  }
0xa1: {  	s23 =	simm.s32 $0x1B8B  }
0xa2: {  	_ =	swait.ge [sflag:s23], $0x1  }
0xa3: {  	[sflag:s23] =	ssyncset.done $0x0  }
0xa4: {  	s25 =	simm.s32 $0x1B8E;
	s24 =	sld [smem:$0x3FFE];
	[sflag:s23] =	ssyncadd.s32 $0xFFFFFFFF  }
0xa5: {  	s26 =	simm.s32 $execute0_lowered;
	[smem:$0x3FD2] =	sst s25  }
0xa6: {  	s4 =	sshll.u32 s26, $0x1;
	_ =	strace $0x80000052;
	[dreg:$0x1] =	wrdreg $0xFFFFFFFF  }
0xa7: {  	s28 =	simm.s32 $_size_execute0_lowered;
	s2 =	sadd.s32 s2, s4;
	[dreg:$0x0] =	wrdreg $0x0  }
0xa8: {  	s4 =	sshll.u32 s28, $0x1;
	[dreg:$0x2] =	wrdreg s2  }
0xa9: {  	[dreg:$0x3] =	wrdreg s4  }
0xaa: {  	[dreg:$0x4] =	wrdreg $0xC0  }
0xab: {  	_ =	task [dreg:s6], $0x5FFFF  }
0xac: {  	[dreg:$0x1] =	wrdreg $0xFFFFFFFF  }
0xad: {  	[dreg:$0x0] =	wrdreg $0x60  }
0xae: {  	[dreg:$0x2] =	wrdreg s24  }
0xaf: {  	[dreg:$0x3] =	wrdreg s1  }
0xb0: {  	[dreg:$0x4] =	wrdreg $0x9  }
0xb1: {  	_ =	task.clear_ibuf [dreg:s6], $0x5FFFF;
	_ =	strace $0x90000052  }
0xb2: {  	s29 =	simm.s32 $0x9;
	_ =	strace $0x80000054  }
0xb3: {  	_ =	swait.ge [sflag:s29], $0x1  }
0xb4: {  	[sflag:s29] =	ssyncadd.s32 $0xFFFFFFFF  }
0xb5: {  	_ =	strace $0x90000054  }
0xb6: {  	_ =	sfence  }
0xb7: {  	s30 =	sld [smem:$0x0];
	_ =	sdelay $0x2  }
0xb8: {  	s31 =	sshll.u32 s1, $0xD;
	s1 =	sshrl.u32 s1, $0x2  }
0xb9: {  	s3 =	sand.u32 $0x4000, s31;
	s1 =	sadd.s32 s1, s30  }
0xba: {  	s0 =	sor.u32 s3, s0;
	s1 =	sshll.u32 s1, $0x11  }
0xbb: {  	s0 =	sor.u32 s1, s0  }
0xbc: {  	s0 =	sadd.s32 $0x8F2B, s0  }
0xbd: {  	[sflag:s0] =	ssyncadd.remote.s32 $0x1  }
0xbe: {  	_ =	sfence.sel $0xFFFF  }
0xbf: {  	[dreg:$0x0] =	wrdreg $0xFFFFFFFF;
	(pc) =	sbr.abs _section_cstart, $3  }
0xc0: {  	[dreg:$0x1] =	wrdreg $0xFFFFFFFF  }
0xc1: {  	_ =	task.clear_ibuf [dreg:s6], $0x2FFFF;
	_ =	strace $0x9FFFFFFF  }
0xc2: {  	(tm) =	ssettm $0x7FFFFFFF  }
0xc3: {  	_ =	shalt  }
tec
execute0_lowered:
.L_overlay_start_1:
0x0: {  	(tag) =	ssettag $0x1  }
0x1: {  	s1 =	stileid.u32  }
0x2: {  	s2 =	rddreg [dreg:$0x1];
	s3 =	smul.u32 $0x6, s1  }
0x3: {  	s6 =	simm.s32 $0x70;
	s2 =	sand.u32 $0x1, s2;
	s30 =	smin.u32 s1, $0x2  }
0x4: {  	p1 =	slt.u32 s1, $0x2;
	p0 =	seq.s32 s2, $0x1;
	s2 =	sadd.s32 s30, s3  }
0x5: {  	s7 =	simm.s32 $0x620;
	s6 =	simm.s32 @!p1 $0x60;
	s5 =	sshll.u32 s2, $0x4  }
0x6: {  	s7 =	simm.s32 @!p0 $0x0;
	s2 =	sadd.s32 s6, s5  }
0x7: {  	s31 =	sshrl.u32 s7, $0x3;
	s8 =	smul.u32 $0xC0, s7;
	s7 =	smin.u32 s2, $0x620  }
0x8: {  	s9 =	ssub.s32 s7, s5  }
0x9: {  	s4 =	rddreg [dreg:$0x0];
	p0 =	sgt.s32 s9, $0x0  }
0xa: {  	s0 =	rddreg [dreg:$0x2];
	s9 =	simm.s32 @!p0 $0x0  }
0xb: {  	s6 =	sadd.s32 s31, s4;
	s10 =	sadd.s32 s8, s4;
	s8 =	sshrl.u32 s9, $0x4  }
0xc: {  	s9 =	sadd.s32 $0x2E00, s6;
	s6 =	sadd.s32 $0x3000, s10;
	s10 =	sadd.s32 $0x1, s8  }
0xd: {  	_ =	strace $0x80000053;
	s12 =	simm.s32 $0x0;
	p0 =	sne.s32 s10, $0x1  }
.Ltmp0:
0xe: {  	s11 =	simm.s32 $0x1;
	p2 =	por $0x0, $0x0;
	(pc) =	sbr.rel @!p0 .LBB2_1-.Ltmp0, $4  }
0xf: {  	s3 =	sadd.s32 $0x96000, s4;
	s2 =	simm.s32 $0x1;
	s4 =	simm.s32 $0x2  }
0x10: {  	[sflag:s2] =	ssyncpa.u1 $0x0;
	(ifvalue) =	ssetifvalue $0x120C600;
	p1 =	sle.u32 s8, $0x0  }
0x11: {  	[sflag:s4] =	ssyncpa.u1 $0x0;
	s13 =	sxor.u32 @!p1 $0xFFFFFFFF, s12;
	s14 =	sshrl.u32 @!p1 s5, $0x3  }
0x12: {  	s15 =	smul.u32 @!p1 $0xC0, s5;
	s19 =	sand.u32 @!p1 $0x1, s13;
	s17 =	sadd.s32 @!p1 s14, s9  }
0x13: {  	s13 =	smul.u32 @!p1 $0x12000, s19;
	s14 =	sshll.u32 @!p1 s19, $0x4;
	s16 =	sand.u32 @!p1 $0x7, s5  }
0x14: {  	[tilespmem:s14], [sflag:$0x2] =	stream.linear.gather @!p1 [hbm4b:s17+s16], $0x10, $0x38;
	[tilespmem:$0x9030] =	vst v63  }
0x15: {  	p0 =	por $0x1, $0x1;
	s13 =	sshrl.u32 @!p1 s13, $0x2  }
0x16: {  	s14 =	sadd.s32 @!p1 s15, s6;
	s15 =	simm.s32 @!p1 $0x0;
	s13 =	sor.u32 @!p1 $0x20, s13  }
0x17: {  	[tilespmem:s13], [sflag:$0x2] =	stream.linear.gather @!p1 [hbm4b:s14+s15], $0x4800, $0x38;
	[tilespmem:$0x9030] =	vst v63  }
0x18: {  	s13 =	simm.s32 @!p0 $0x2  }
0x19: {  	_ =	swait.ge @!p0 [sflag:s13], $0x4810  }
0x1a: {  	s14 =	sand.u32 @!p0 $0x1, s12;
	[sflag:s13] =	ssyncset.done @!p0 $0x0  }
0x1b: {  	s12 =	sshll.u32 @!p0 s14, $0x4;
	[sflag:s13] =	ssyncadd.s32 @!p0 $0xFFFFB7F0  }
0x1c: {  	v0 =	vld.msk @!p0 [tilespmem:s12+$0x0 ss:$0x1], $0xffff;
	_ =	sdelay $0x4  }
0x1d: {  	p3 =	sne.s32 s10, $0x2;
	v0 =	vmul.u32 @!p0 $0x600, v0  }
0x1e: {  	s16 =	simm.s32 @!p0 $0x9020;
	s15 =	sadd.s32 $0x10, s5;
	s13 =	smul.u32 @!p0 $0x12000, s14  }
.Ltmp1:
0x1f: {  	p1 =	sle.u32 s8, $0x1;
	p2 =	slt.s32 s15, s7;
	v0 =	vmin.u32 @!p0 v0, $0x120C600;
	(pc) =	sbr.rel @!p3 .LBB2_3-.Ltmp1, $4  }
0x20: {  	s14 =	simm.s32 @!p0 $0x10;
	s17 =	sshrl.u32 @!p0 s13, $0x2;
	s13 =	smov.u32 s5;
	v0 =	vmulhi.u32 @!p0 $0xE38E39, v0  }
0x21: {  	s12 =	simm.s32 $0x2;
	s18 =	sor.u32 @!p0 $0x20, s17;
	s13 =	smov.u32 @p2 s15  }
0x22: {  	s17 =	sxor.u32 @!p1 $0xFFFFFFFF, s11;
	p2 =	por $0x1, $0x1;
	s20 =	sshrl.u32 @!p1 s13, $0x3;
	v0 =	vshrl.u32 @!p0 v0, $0x2  }
0x23: {  	s15 =	smul.u32 @!p1 $0xC0, s13;
	s19 =	sand.u32 @!p1 $0x1, s17;
	s17 =	sadd.s32 @!p1 s20, s9;
	[tilespmem:$0x9020] =	vst @!p0 v0  }
.LBB2_4:
0x24: {  	s20 =	smul.u32 @!p1 $0x12000, s19  }
0x25: {  	(ifvalue) =	ssetifvalue @!p0 $0x120C600;
	s21 =	simm.s32 @!p0 $0x1;
	s22 =	smov.u32 s12  }
0x26: {  	[hbm:s3] =	stream.indirect.scatter @!p0 [tilespmem:s18], [sflag:$0x1], $0x480, s16, s14, $0x40b8;
	[tilespmem:$0x9030] =	vst v63  }
0x27: {  	s12 =	sadd.s32 $0x1, s12;
	s14 =	sshrl.u32 @!p1 s20, $0x2;
	_ =	swait.ge @!p0 [sflag:s21], $0x4800  }
0x28: {  	p3 =	sne.s32 s10, s12;
	s14 =	sor.u32 @!p1 $0x20, s14;
	[sflag:s21] =	ssyncset.done @!p0 $0x0  }
0x29: {  	[sflag:s21] =	ssyncadd.s32 @!p0 $0xFFFFB800  }
0x2a: {  	s16 =	sshll.u32 @!p1 s19, $0x4;
	s18 =	sand.u32 @!p1 $0x7, s13;
	[sflag:s21] =	ssyncpa.u1 @!p0 $0x1  }
0x2b: {  	[tilespmem:s16], [sflag:$0x2] =	stream.linear.gather @!p1 [hbm4b:s17+s18], $0x10, $0x38;
	[tilespmem:$0x9030] =	vst v63  }
0x2c: {  	s15 =	sadd.s32 @!p1 s15, s6;
	p0 =	seq.s32 s11, $0x0;
	s16 =	simm.s32 @!p1 $0x0  }
0x2d: {  	[tilespmem:s14], [sflag:$0x2] =	stream.linear.gather @!p1 [hbm4b:s15+s16], $0x4800, $0x38;
	[tilespmem:$0x9030] =	vst v63  }
0x2e: {  	s11 =	sand.u32 @!p0 $0x1, s11;
	s15 =	simm.s32 @!p0 $0x2;
	s14 =	simm.s32 @!p0 $0x10  }
0x2f: {  	s17 =	sshll.u32 @!p0 s11, $0x4;
	s18 =	smul.u32 @!p0 $0x12000, s11;
	_ =	swait.ge @!p0 [sflag:s15], $0x4810  }
0x30: {  	s11 =	smov.u32 s22;
	s16 =	simm.s32 @!p0 $0x9020;
	[sflag:s15] =	ssyncset.done @!p0 $0x0  }
0x31: {  	[sflag:s15] =	ssyncadd.s32 @!p0 $0xFFFFB7F0;
	s15 =	sshrl.u32 @!p0 s18, $0x2  }
0x32: {  	v0 =	vld.msk @!p0 [tilespmem:s17+$0x0 ss:$0x1], $0xffff;
	s18 =	sor.u32 @!p0 $0x20, s15;
	_ =	sdelay $0x5  }
0x33: {  	v0 =	vmul.u32 @!p0 $0x600, v0;
	_ =	sdelay $0x1  }
.Ltmp2:
0x34: {  	s15 =	sadd.s32 $0x10, s13;
	v0 =	vmin.u32 @!p0 v0, $0x120C600;
	(pc) =	sbr.rel @p3 .LBB2_4-.Ltmp2, $4  }
0x35: {  	s13 =	smov.u32 s5;
	p4 =	slt.s32 s15, s7;
	v0 =	vmulhi.u32 @!p0 $0xE38E39, v0  }
0x36: {  	p1 =	sge.u32 s11, s8;
	s13 =	smov.u32 @p4 s15  }
0x37: {  	s17 =	sxor.u32 @!p1 $0xFFFFFFFF, s11;
	s20 =	sshrl.u32 @!p1 s13, $0x3;
	s15 =	smul.u32 @!p1 $0xC0, s13;
	v0 =	vshrl.u32 @!p0 v0, $0x2  }
0x38: {  	s19 =	sand.u32 @!p1 $0x1, s17;
	s17 =	sadd.s32 @!p1 s20, s9;
	[tilespmem:$0x9020] =	vst @!p0 v0  }
0x39: {  	s5 =	smov.u32 s13;
	s12 =	smov.u32 s11  }
.LBB2_6:
0x3a: {  	p0 =	por p0, !p2  }
0x3b: {  	(ifvalue) =	ssetifvalue @!p0 $0x120C600;
	s8 =	simm.s32 @!p0 $0x1  }
0x3c: {  	[hbm:s3] =	stream.indirect.scatter @!p0 [tilespmem:s18], [sflag:$0x1], $0x480, s16, s14, $0x40b8;
	[tilespmem:$0x9030] =	vst v63  }
0x3d: {  	s7 =	smul.u32 @!p1 $0x12000, s19;
	_ =	swait.ge @!p0 [sflag:s8], $0x4800  }
0x3e: {  	[sflag:s8] =	ssyncset.done @!p0 $0x0  }
0x3f: {  	s9 =	sshll.u32 @!p1 s19, $0x4;
	s7 =	sshrl.u32 @!p1 s7, $0x2;
	[sflag:s8] =	ssyncadd.s32 @!p0 $0xFFFFB800  }
0x40: {  	s5 =	sand.u32 @!p1 $0x7, s5;
	s7 =	sor.u32 @!p1 $0x20, s7;
	[sflag:s8] =	ssyncpa.u1 @!p0 $0x1  }
0x41: {  	[tilespmem:s9], [sflag:$0x2] =	stream.linear.gather @!p1 [hbm4b:s17+s5], $0x10, $0x38;
	[tilespmem:$0x9030] =	vst v63  }
0x42: {  	p0 =	seq.s32 s12, $0x0;
	s5 =	sadd.s32 @!p1 s15, s6;
	s6 =	simm.s32 @!p1 $0x0  }
0x43: {  	[tilespmem:s7], [sflag:$0x2] =	stream.linear.gather @!p1 [hbm4b:s5+s6], $0x4800, $0x38;
	[tilespmem:$0x9030] =	vst v63  }
0x44: {  	s5 =	simm.s32 @!p0 $0x2  }
0x45: {  	_ =	swait.ge @!p0 [sflag:s5], $0x4810  }
0x46: {  	s6 =	sand.u32 @!p0 $0x1, s12;
	[sflag:s5] =	ssyncset.done @!p0 $0x0  }
0x47: {  	s7 =	sshll.u32 @!p0 s6, $0x4;
	[sflag:s5] =	ssyncadd.s32 @!p0 $0xFFFFB7F0  }
0x48: {  	v0 =	vld.msk @!p0 [tilespmem:s7+$0x0 ss:$0x1], $0xffff;
	_ =	sdelay $0x4  }
0x49: {  	v0 =	vmul.u32 @!p0 $0x600, v0;
	_ =	sdelay $0x1  }
0x4a: {  	v0 =	vmin.u32 @!p0 v0, $0x120C600  }
0x4b: {  	s5 =	smul.u32 @!p0 $0x12000, s6;
	v0 =	vmulhi.u32 @!p0 $0xE38E39, v0;
	_ =	sdelay $0x1  }
0x4c: {  	s8 =	simm.s32 @!p0 $0x1;
	s6 =	simm.s32 @!p0 $0x10;
	s5 =	sshrl.u32 @!p0 s5, $0x2;
	v0 =	vshrl.u32 @!p0 v0, $0x2  }
0x4d: {  	s7 =	simm.s32 @!p0 $0x9020;
	s5 =	sor.u32 @!p0 $0x20, s5;
	[tilespmem:$0x9020] =	vst @!p0 v0;
	(ifvalue) =	ssetifvalue @!p0 $0x120C600  }
0x4e: {  	[hbm:s3] =	stream.indirect.scatter @!p0 [tilespmem:s5], [sflag:$0x1], $0x480, s7, s6, $0x40b8;
	[tilespmem:$0x9030] =	vst v63  }
0x4f: {  	_ =	swait.ge @!p0 [sflag:s8], $0x4800  }
0x50: {  	[sflag:s8] =	ssyncset.done @!p0 $0x0  }
0x51: {  	[sflag:s8] =	ssyncadd.s32 @!p0 $0xFFFFB800  }
0x52: {  	[sflag:s8] =	ssyncpa.u1 @!p0 $0x1  }
0x53: {  	_ =	sfence.sel $0x180000  }
0x54: {  	[bflag:$0x0] =	sbarrier.arrive $0xFFFF  }
0x55: {  	[sflag:s4] =	ssyncpa.u1 $0x1  }
0x56: {  	[sflag:s2] =	ssyncpa.u1 $0x1  }
0x57: {  	p0 =	sne.s32 s1, $0x0;
	_ =	strace $0x90000053  }
0x58: {  	s0 =	sadd.s32 @!p0 $0x100000, s0;
	[bflag:$0x2] =	sbarrier.arrive $0xFFFF  }
0x59: {  	[sflag:s0] =	ssyncadd.tile.s32 @!p0 $0x1;
	_ =	shalt  }
.LBB2_1:
.Ltmp3:
0x5a: {  	(pc) =	sbr.rel .LBB2_6-.Ltmp3, $2  }
0x5b: {  	_ =	sdelay $0x2  }
0x5c: {  	_ = 	snop  }
.LBB2_3:
.Ltmp4:
0x5d: {  	(pc) =	sbr.rel .LBB2_6-.Ltmp4, $2  }
0x5e: {  	_ =	sdelay $0x2  }
0x5f: {  	s5 =	smov.u32 s13;
	s12 =	simm.s32 $0x1  }
.Lfunc_end2:
_tile_overlayer_lowered:
.L_overlay_start_2:
0x60: {  	(tag) =	ssettag $0x2  }
0x61: {  	s0 =	rddreg [dreg:$0x0];
	s2 =	stileid.u32  }
0x62: {  	s1 =	rddreg [dreg:$0x1];
	p0 =	sne.s32 s2, $0x0  }
0x63: {  	s3 =	rddreg [dreg:$0x2];
	[bflag:$0x3] =	sbarrier.arrive $0xFFFF;
	s2 =	simm.s32 @!p0 $0x1C01  }
0x64: {  	[timem:s3], [sflag:s2] =	dma.local @!p0 [hbm:s0], s1  }
0x65: {  	s0 =	simm.s32 @!p0 $0x1  }
0x66: {  	_ =	swait.ge @!p0 [sflag:s0], s1  }
0x67: {  	s1 =	ssub.s32 @!p0 $0x0, s1;
	[sflag:s0] =	ssyncset.done @!p0 $0x0  }
0x68: {  	[sflag:s0] =	ssyncadd.s32 @!p0 s1  }
0x69: {  	[bflag:$0x3] =	sbarrier.arrive $0xFFFF  }
0x6a: {  	_ =	shalt  }

// kernel: scatter_offload_async_start.2
scs
__scs_entry_jumppad:
0x0: {  	(pc) =	sbr.rel $0x88, $3  }
0x1: {  	(tag) =	ssettag $0x0;
	lr =	simm.s32 $0x1  }
0x2: {  	[smem:$0x3F73] =	sst lr;
	_ =	strace $0xD0000000  }
0x3: {  	_ = 	snop  }
0x4: {  	_ = 	snop  }
0x5: {  	_ = 	snop  }
0x6: {  	_ = 	snop  }
0x7: {  	_ = 	snop  }
__scs_overlays_trampoline_lowered:
0x8: {  	[smem:$0x3F82] =	sst s0  }
0x9: {  	[smem:$0x3F83] =	sst s1  }
0xa: {  	[smem:$0x3F84] =	sst s2  }
0xb: {  	[smem:$0x3F85] =	sst s3  }
0xc: {  	[smem:$0x3F86] =	sst s4  }
0xd: {  	[smem:$0x3F87] =	sst s5  }
0xe: {  	[smem:$0x3F88] =	sst s6  }
0xf: {  	[smem:$0x3F89] =	sst s7  }
0x10: {  	[smem:$0x3F8A] =	sst s8  }
0x11: {  	[smem:$0x3F8B] =	sst s9;
	s0 =	simm.s32 @!p0 $0x0  }
0x12: {  	s1 =	sld [smem:$0x3F71];
	s0 =	simm.s32 @p0 $0x1  }
0x13: {  	[smem:$0x3F8C] =	sst s0;
	s0 =	simm.s32 @!p1 $0x0  }
0x14: {  	s2 =	sld [smem:$0x3F70];
	s0 =	simm.s32 @p1 $0x1  }
0x15: {  	[smem:$0x3F8D] =	sst s0;
	s0 =	simm.s32 @!p2 $0x0  }
0x16: {  	s3 =	sld [smem:$0x3FDB];
	s0 =	simm.s32 @p2 $0x1  }
0x17: {  	s4 =	simm.s32 $0x1BF5;
	[smem:$0x3F8F] =	sst s0  }
0x18: {  	s0 =	sld [smem:$0x3F72];
	_ =	swait.ge [sflag:s4], $0x0  }
0x19: {  	s7 =	sld [smem:$0x3F73]  }
0x1a: {  	s8 =	sadd.s32 $0xFFFFE003, lr  }
0x1b: {  	s9 =	sadd.s32 $0xFFFFFEF7, lr;
	s5 =	simm.s32 $0xFFFFFFFF;
	p2 =	slt.u32 s8, $0xFFFFF086  }
0x1c: {  	p1 =	slt.u32 s9, $0xF7A;
	s5 =	simm.s32 @!p2 $0x0  }
0x1d: {  	s5 =	simm.s32 @p1 $0x1;
	p0 =	seq.s32 s7, s2  }
0x1e: {  	s7 =	smul.u32 @!p0 $0xF7A, s2;
	p2 =	seq.s32 @!p0 s5, $0x0  }
0x1f: {  	s9 =	smul.u32 $0xF7A, s1;
	s8 =	simm.s32 @!p0 $0x1BF5;
	p2 =	por !p2, p0  }
0x20: {  	[sflag:s8] =	ssyncset.s32 @!p0 $0xFFFFF086;
	s6 =	sadd.s32 @!p0 s3, s7;
	s7 =	simm.s32 @!p0 $0x108  }
0x21: {  	s3 =	sadd.s32 s3, s9;
	s6 =	sadd.s32 @!p0 $0x88, s6;
	s7 =	simm.s32 @p2 $0x1082  }
0x22: {  	[simem:s7], [sflag:s8] =	dma.local @!p0 [hbm:s6], $0xF7A  }
0x23: {  	s9 =	sor.u32 $0xD0000000, s2;
	s6 =	simm.s32 $0x108;
	_ =	swait.ge @!p0 [sflag:s8], $0x0  }
0x24: {  	s3 =	sadd.s32 $0x88, s3;
	s6 =	simm.s32 @!p1 $0x1082;
	[sflag:s4] =	ssyncset.s32 $0xFFFFF086  }
0x25: {  	[simem:s6], [sflag:s4] =	dma.local [hbm:s3], $0xF7A  }
0x26: {  	[smem:$0x3F73] =	sst s1;
	(tag) =	ssettag s2;
	_ =	strace s9  }
0x27: {  	s1 =	sld [smem:$0x3F83]  }
0x28: {  	s2 =	sld [smem:$0x3F84]  }
0x29: {  	s4 =	sld [smem:$0x3F86]  }
0x2a: {  	p0 =	seq.s32 s5, $0x0;
	s5 =	sld [smem:$0x3F87]  }
0x2b: {  	s6 =	sld [smem:$0x3F88]  }
0x2c: {  	s7 =	sld [smem:$0x3F89]  }
0x2d: {  	s3 =	simm.s32 $0x108;
	s8 =	sld [smem:$0x3F8A]  }
0x2e: {  	s3 =	simm.s32 @!p0 $0x1082;
	s9 =	sld [smem:$0x3F8B]  }
0x2f: {  	lr =	sadd.s32 s0, s3;
	s0 =	sld [smem:$0x3F82]  }
0x30: {  	s3 =	sld [smem:$0x3F85]  }
0x31: {  	[smem:$0x3F8E] =	sst s10  }
0x32: {  	s10 =	sld [smem:$0x3F8C];
	_ =	sdelay $0x3  }
0x33: {  	p0 =	seq.s32 s10, $0x1;
	s10 =	sld [smem:$0x3F8E];
	_ =	sdelay $0x3  }
0x34: {  	[smem:$0x3F8E] =	sst s10  }
0x35: {  	s10 =	sld [smem:$0x3F8D];
	_ =	sdelay $0x3  }
0x36: {  	p1 =	seq.s32 s10, $0x1;
	s10 =	sld [smem:$0x3F8E];
	_ =	sdelay $0x3  }
0x37: {  	[smem:$0x3F8E] =	sst s10  }
0x38: {  	s10 =	sld [smem:$0x3F8F]  }
0x39: {  	_ = 	snop;
	(pc) =	sbr.ind lr, $3  }
0x3a: {  	_ = 	snop  }
0x3b: {  	_ = 	snop  }
0x3c: {  	p2 =	seq.s32 s10, $0x1;
	s10 =	sld [smem:$0x3F8E]  }
0x3d: {  	_ =	shalt  }
0x3e: {  	_ =	shalt  }
0x3f: {  	_ =	shalt  }
0x40: {  	_ =	shalt  }
0x41: {  	_ =	shalt  }
0x42: {  	_ =	shalt  }
0x43: {  	_ =	shalt  }
0x44: {  	_ =	shalt  }
0x45: {  	_ =	shalt  }
0x46: {  	_ =	shalt  }
0x47: {  	_ =	shalt  }
0x48: {  	_ =	shalt  }
0x49: {  	_ =	shalt  }
0x4a: {  	_ =	shalt  }
0x4b: {  	_ =	shalt  }
0x4c: {  	_ =	shalt  }
0x4d: {  	_ =	shalt  }
0x4e: {  	_ =	shalt  }
0x4f: {  	_ =	shalt  }
0x50: {  	_ =	shalt  }
0x51: {  	_ =	shalt  }
0x52: {  	_ =	shalt  }
0x53: {  	_ =	shalt  }
0x54: {  	_ =	shalt  }
0x55: {  	_ =	shalt  }
0x56: {  	_ =	shalt  }
0x57: {  	_ =	shalt  }
0x58: {  	_ =	shalt  }
0x59: {  	_ =	shalt  }
0x5a: {  	_ =	shalt  }
0x5b: {  	_ =	shalt  }
0x5c: {  	_ =	shalt  }
0x5d: {  	_ =	shalt  }
0x5e: {  	_ =	shalt  }
0x5f: {  	_ =	shalt  }
0x60: {  	_ =	shalt  }
0x61: {  	_ =	shalt  }
0x62: {  	_ =	shalt  }
0x63: {  	_ =	shalt  }
0x64: {  	_ =	shalt  }
0x65: {  	_ =	shalt  }
0x66: {  	_ =	shalt  }
0x67: {  	_ =	shalt  }
0x68: {  	_ =	shalt  }
0x69: {  	_ =	shalt  }
0x6a: {  	_ =	shalt  }
0x6b: {  	_ =	shalt  }
0x6c: {  	_ =	shalt  }
0x6d: {  	_ =	shalt  }
0x6e: {  	_ =	shalt  }
0x6f: {  	_ =	shalt  }
0x70: {  	_ =	shalt  }
0x71: {  	_ =	shalt  }
0x72: {  	_ =	shalt  }
0x73: {  	_ =	shalt  }
0x74: {  	_ =	shalt  }
0x75: {  	_ =	shalt  }
0x76: {  	_ =	shalt  }
0x77: {  	_ =	shalt  }
0x78: {  	_ =	shalt  }
0x79: {  	_ =	shalt  }
0x7a: {  	_ =	shalt  }
0x7b: {  	_ =	shalt  }
0x7c: {  	_ =	shalt  }
0x7d: {  	_ =	shalt  }
0x7e: {  	_ =	shalt  }
0x7f: {  	_ =	shalt  }
0x80: {  	_ =	shalt  }
0x81: {  	_ =	shalt  }
0x82: {  	_ =	shalt  }
0x83: {  	_ =	shalt  }
0x84: {  	_ =	shalt  }
0x85: {  	_ =	shalt  }
0x86: {  	_ =	shalt  }
0x87: {  	_ =	shalt  }
.Lfunc_end0:
.L_simem_size_0:
called_computation.2_lowered:
.L_overlay_start_0:
0x88: {  	s2 =	sld [smem:$0x3FD9]  }
0x89: {  	s3 =	sld [smem:$0x3FFE];
	_ =	sdelay $0x1  }
0x8a: {  	s1 =	srdreg.scid  }
0x8b: {  	s0 =	sand.u32 $0x1, s1  }
0x8c: {  	s14 =	sshll.u32 s0, $0xA;
	s2 =	sadd.s32 s3, s2  }
0x8d: {  	s2 =	sadd.s32 s2, s14  }
0x8e: {  	[smem:$0x3F9A] =	sst s2  }
0x8f: {  	_ = 	snop  }
0x90: {  	s2 =	sld [smem:$0x3FD0];
	_ =	sdelay $0x2  }
0x91: {  	s15 =	simm.s32 $0xA;
	s4 =	simm.s32 $0x10  }
0x92: {  	[smem:s4], [sflag:s15] =	dma.local [hbm:s2], $0x1  }
0x93: {  	_ =	swait.eq [sflag:s15], $0x1  }
0x94: {  	[sflag:s15] =	ssyncset.done $0x0  }
0x95: {  	[sflag:s15] =	ssyncadd.s32 $0xFFFFFFFF  }
0x96: {  	s16 =	sld [smem:$0x10];
	(tm) =	ssettm $0x1  }
0x97: {  	s17 =	sld [smem:$0x3FFB];
	_ =	sdelay $0x3  }
0x98: {  	_ =	strace s17  }
0x99: {  	s3 =	sld [smem:$0x3FFC];
	_ =	sdelay $0x3  }
0x9a: {  	_ =	strace s3  }
0x9b: {  	s3 =	sld [smem:$0x3FFD];
	_ =	sdelay $0x3  }
0x9c: {  	_ =	strace s3  }
0x9d: {  	_ =	strace $0x8FFFFFFF  }
0x9e: {  	s18 =	sld [smem:$0x3FDB];
	_ =	sdelay $0x1  }
0x9f: {  	s19 =	simm.s32 $_scs_section_size  }
0xa0: {  	s5 =	simm.s32 $_size__tile_overlayer_lowered;
	s6 =	simm.s32 $_tile_overlayer_lowered  }
0xa1: {  	s22 =	simm.s32 $0x1BFF;
	s21 =	sshll.u32 s6, $0x1;
	s3 =	sadd.s32 s19, s18  }
0xa2: {  	s7 =	simm.s32 $0x0;
	s20 =	sshll.u32 s5, $0x1;
	s5 =	sadd.s32 s21, s3  }
0xa3: {  	[timem:s7], [sflag:s22] =	dma.local [hbm:s5], s20  }
0xa4: {  	_ =	swait.ge [sflag:s22], s20  }
0xa5: {  	s4 =	ssub.s32 $0x0, s20;
	[sflag:s22] =	ssyncset.done $0x0  }
0xa6: {  	[sflag:s22] =	ssyncadd.s32 s4;
	_ =	sdelay $0x1  }
0xa7: {  	s23 =	simm.s32 $0x1B8B  }
0xa8: {  	_ =	swait.ge [sflag:s23], $0x1  }
0xa9: {  	[sflag:s23] =	ssyncset.done $0x0  }
0xaa: {  	s25 =	simm.s32 $0x1B8E;
	s24 =	sld [smem:$0x3FFE];
	[sflag:s23] =	ssyncadd.s32 $0xFFFFFFFF  }
0xab: {  	s26 =	simm.s32 $execute0_lowered;
	[smem:$0x3FD2] =	sst s25  }
0xac: {  	s5 =	sshll.u32 s26, $0x1;
	_ =	strace $0x8000005E;
	[dreg:$0x1] =	wrdreg $0xFFFFFFFF  }
0xad: {  	s28 =	simm.s32 $_size_execute0_lowered;
	s3 =	sadd.s32 s3, s5;
	[dreg:$0x0] =	wrdreg $0x0  }
0xae: {  	s5 =	sshll.u32 s28, $0x1;
	[dreg:$0x2] =	wrdreg s3  }
0xaf: {  	[dreg:$0x3] =	wrdreg s5  }
0xb0: {  	[dreg:$0x4] =	wrdreg $0xC0  }
0xb1: {  	_ =	task [dreg:s7], $0x5FFFF  }
0xb2: {  	[dreg:$0x1] =	wrdreg $0xFFFFFFFF  }
0xb3: {  	[dreg:$0x0] =	wrdreg $0x60  }
0xb4: {  	[dreg:$0x2] =	wrdreg s24  }
0xb5: {  	[dreg:$0x3] =	wrdreg s16  }
0xb6: {  	[dreg:$0x4] =	wrdreg s1  }
0xb7: {  	[dreg:$0x5] =	wrdreg $0x9  }
0xb8: {  	_ =	task.clear_ibuf [dreg:s7], $0x6FFFF;
	_ =	strace $0x9000005E  }
0xb9: {  	s29 =	simm.s32 $0x9;
	_ =	strace $0x80000060  }
0xba: {  	_ =	swait.ge [sflag:s29], $0x1  }
0xbb: {  	[sflag:s29] =	ssyncadd.s32 $0xFFFFFFFF  }
0xbc: {  	_ =	strace $0x90000060  }
0xbd: {  	_ =	sfence  }
0xbe: {  	s30 =	sld [smem:$0x0];
	_ =	sdelay $0x2  }
0xbf: {  	s31 =	sshll.u32 s1, $0xD;
	s1 =	sshrl.u32 s1, $0x2  }
0xc0: {  	s3 =	sand.u32 $0x4000, s31;
	s1 =	sadd.s32 s1, s30  }
0xc1: {  	s0 =	sor.u32 s3, s0;
	s1 =	sshll.u32 s1, $0x11  }
0xc2: {  	s0 =	sor.u32 s1, s0  }
0xc3: {  	s0 =	sadd.s32 $0x8F2B, s0  }
0xc4: {  	[sflag:s0] =	ssyncadd.remote.s32 $0x1  }
0xc5: {  	_ =	sfence.sel $0xFFFF  }
0xc6: {  	[dreg:$0x0] =	wrdreg $0xFFFFFFFF;
	(pc) =	sbr.abs _section_cstart, $3  }
0xc7: {  	[dreg:$0x1] =	wrdreg $0xFFFFFFFF  }
0xc8: {  	_ =	task.clear_ibuf [dreg:s7], $0x2FFFF;
	_ =	strace $0x9FFFFFFF  }
0xc9: {  	(tm) =	ssettm $0x7FFFFFFF  }
tec
execute0_lowered:
.L_overlay_start_1:
0x0: {  	(tag) =	ssettag $0x1  }
0x1: {  	s1 =	stileid.u32  }
0x2: {  	s5 =	smul.u32 $0xC, s1  }
0x3: {  	s7 =	smin.u32 s1, $0x4  }
0x4: {  	p0 =	slt.u32 s1, $0x4;
	s5 =	sadd.s32 s7, s5;
	s7 =	simm.s32 $0x1A0  }
0x5: {  	s5 =	sshll.u32 s5, $0x5;
	s7 =	simm.s32 @!p0 $0x180  }
0x6: {  	s3 =	rddreg [dreg:$0x2];
	s7 =	sadd.s32 s7, s5  }
0x7: {  	s4 =	rddreg [dreg:$0x0];
	s3 =	sand.u32 $0x1, s3;
	s7 =	smin.u32 s7, $0x1880  }
0x8: {  	s8 =	simm.s32 $0x1880;
	p0 =	seq.s32 s3, $0x1;
	s10 =	ssub.s32 s7, s5  }
0x9: {  	s6 =	rddreg [dreg:$0x1];
	s8 =	simm.s32 @!p0 $0x0;
	p0 =	sgt.s32 s10, $0x0  }
0xa: {  	s0 =	rddreg [dreg:$0x3];
	_ =	strace $0x8000005F;
	s10 =	simm.s32 @!p0 $0x0  }
0xb: {  	s9 =	sshll.u32 s8, $0x7;
	s31 =	sshrl.u32 s8, $0x3;
	s8 =	sshrl.u32 s10, $0x5  }
0xc: {  	s12 =	simm.s32 $0x0;
	p1 =	por $0x0, $0x0;
	s10 =	sadd.s32 $0x1, s8  }
0xd: {  	s2 =	sadd.s32 $0x442A00, s4;
	s3 =	simm.s32 $0x1;
	p0 =	sne.s32 s10, $0x1  }
.Ltmp0:
0xe: {  	[sflag:s3] =	ssyncpa.u1 $0x0;
	(ifvalue) =	ssetifvalue $0x3090400;
	(pc) =	sbr.rel @!p0 .LBB2_1-.Ltmp0, $4  }
0xf: {  	s11 =	sadd.s32 s9, s4;
	s4 =	simm.s32 $0x2;
	s9 =	sadd.s32 s31, s6  }
0x10: {  	[sflag:s4] =	ssyncpa.u1 $0x0;
	s6 =	sadd.s32 $0x2BAA00, s11;
	p2 =	sle.u32 s8, $0x0  }
0x11: {  	s11 =	simm.s32 $0x1;
	s13 =	sxor.u32 @!p2 $0xFFFFFFFF, s12;
	s14 =	sshrl.u32 @!p2 s5, $0x3  }
0x12: {  	s20 =	sshll.u32 @!p2 s5, $0x7;
	s18 =	sand.u32 @!p2 $0x1, s13;
	s17 =	sadd.s32 @!p2 s14, s9  }
0x13: {  	s13 =	smul.u32 @!p2 $0x18000, s18;
	s15 =	sshll.u32 @!p2 s18, $0x5;
	s16 =	sand.u32 @!p2 $0x7, s5  }
0x14: {  	[tilespmem:s15], [sflag:$0x2] =	stream.linear.gather @!p2 [hbm4b:s17+s16], $0x20, $0x38;
	[tilespmem:$0xC060] =	vst v63  }
0x15: {  	s14 =	sadd.s32 @!p2 s20, s6;
	s13 =	sshrl.u32 @!p2 s13, $0x2  }
0x16: {  	p0 =	por $0x1, $0x1;
	s15 =	simm.s32 @!p2 $0x0;
	s13 =	sor.u32 @!p2 $0x40, s13  }
0x17: {  	[tilespmem:s13], [sflag:$0x2] =	stream.linear.gather @!p2 [hbm4b:s14+s15], $0x6000, $0x38;
	[tilespmem:$0xC060] =	vst v63  }
0x18: {  	s13 =	simm.s32 @!p0 $0x2  }
0x19: {  	_ =	swait.ge @!p0 [sflag:s13], $0x6020  }
0x1a: {  	s14 =	sand.u32 @!p0 $0x1, s12;
	[sflag:s13] =	ssyncset.done @!p0 $0x0  }
0x1b: {  	s12 =	sshll.u32 @!p0 s14, $0x5;
	[sflag:s13] =	ssyncadd.s32 @!p0 $0xFFFF9FE0  }
0x1c: {  	v0 =	vld.msk @!p0 [tilespmem:s12+$0x0 ss:$0x1], $0xffff;
	_ =	sdelay $0x4  }
0x1d: {  	v0 =	vshll.u32 @!p0 v0, $0xA  }
0x1e: {  	v0 =	vmin.u32 @!p0 v0, $0x3090400  }
0x1f: {  	v0 =	vmulhi.u32 @!p0 $0x2AAAAAB, v0;
	_ =	sdelay $0x1  }
0x20: {  	v0 =	vshrl.u32 @!p0 v0, $0x3  }
0x21: {  	s12 =	sor.u32 @!p0 $0x10, s12;
	[tilespmem:$0xC040] =	vst @!p0 v0  }
0x22: {  	v0 =	vld.msk @!p0 [tilespmem:s12+$0x0 ss:$0x1], $0xffff;
	_ =	sdelay $0x3  }
0x23: {  	s17 =	sadd.s32 $0x20, s5;
	s13 =	smul.u32 @!p0 $0x18000, s14  }
0x24: {  	p3 =	sne.s32 s10, $0x2;
	p1 =	slt.s32 s17, s7;
	s15 =	simm.s32 @!p0 $0xC040;
	v0 =	vshll.u32 @!p0 v0, $0xA  }
.Ltmp1:
0x25: {  	p2 =	sle.u32 s8, $0x1;
	s16 =	sshrl.u32 @!p0 s13, $0x2;
	v0 =	vmin.u32 @!p0 v0, $0x3090400;
	(pc) =	sbr.rel @!p3 .LBB2_3-.Ltmp1, $4  }
0x26: {  	s14 =	simm.s32 @!p0 $0x20;
	s13 =	smov.u32 s5;
	s16 =	sor.u32 @!p0 $0x40, s16;
	v0 =	vmulhi.u32 @!p0 $0x2AAAAAB, v0  }
0x27: {  	s13 =	smov.u32 @p1 s17;
	s17 =	sxor.u32 @!p2 $0xFFFFFFFF, s11;
	p1 =	por $0x1, $0x1  }
0x28: {  	s19 =	sshrl.u32 @!p2 s13, $0x3;
	s20 =	sshll.u32 @!p2 s13, $0x7;
	s18 =	sand.u32 @!p2 $0x1, s17;
	v0 =	vshrl.u32 @!p0 v0, $0x3  }
0x29: {  	s17 =	sadd.s32 @!p2 s19, s9;
	s19 =	simm.s32 @!p0 $0x1;
	s12 =	simm.s32 $0x2;
	[tilespmem:$0xC050] =	vst @!p0 v0  }
.LBB2_4:
0x2a: {  	s20 =	sadd.s32 @!p2 s20, s6  }
0x2b: {  	s21 =	smul.u32 @!p2 $0x18000, s18;
	(ifvalue) =	ssetifvalue @!p0 $0x3090400;
	s22 =	smov.u32 s12  }
0x2c: {  	[hbm:s2] =	stream.indirect.scatter @!p0 [tilespmem:s16], [sflag:$0x1], $0x300, s15, s14, $0x40b8;
	[tilespmem:$0xC060] =	vst v63  }
0x2d: {  	s12 =	sadd.s32 $0x1, s12;
	s14 =	sshrl.u32 @!p2 s21, $0x2;
	_ =	swait.ge @!p0 [sflag:s19], $0x6000  }
0x2e: {  	p3 =	sne.s32 s10, s12;
	s14 =	sor.u32 @!p2 $0x40, s14;
	[sflag:s19] =	ssyncset.done @!p0 $0x0  }
0x2f: {  	[sflag:s19] =	ssyncadd.s32 @!p0 $0xFFFFA000  }
0x30: {  	s15 =	sshll.u32 @!p2 s18, $0x5;
	s16 =	sand.u32 @!p2 $0x7, s13;
	[sflag:s19] =	ssyncpa.u1 @!p0 $0x1  }
0x31: {  	[tilespmem:s15], [sflag:$0x2] =	stream.linear.gather @!p2 [hbm4b:s17+s16], $0x20, $0x38;
	[tilespmem:$0xC060] =	vst v63  }
0x32: {  	p0 =	seq.s32 s11, $0x0;
	s15 =	simm.s32 @!p2 $0x0  }
0x33: {  	[tilespmem:s14], [sflag:$0x2] =	stream.linear.gather @!p2 [hbm4b:s20+s15], $0x6000, $0x38;
	[tilespmem:$0xC060] =	vst v63  }
0x34: {  	s11 =	sand.u32 @!p0 $0x1, s11;
	s16 =	simm.s32 @!p0 $0x2;
	s14 =	simm.s32 @!p0 $0x20  }
0x35: {  	s17 =	sshll.u32 @!p0 s11, $0x5;
	s11 =	smul.u32 @!p0 $0x18000, s11;
	_ =	swait.ge @!p0 [sflag:s16], $0x6020  }
0x36: {  	s18 =	sor.u32 @!p0 $0x10, s17;
	s15 =	simm.s32 @!p0 $0xC040;
	[sflag:s16] =	ssyncset.done @!p0 $0x0  }
0x37: {  	[sflag:s16] =	ssyncadd.s32 @!p0 $0xFFFF9FE0;
	s16 =	sshrl.u32 @!p0 s11, $0x2;
	s11 =	smov.u32 s22  }
0x38: {  	v0 =	vld.msk @!p0 [tilespmem:s17+$0x0 ss:$0x1], $0xffff;
	s16 =	sor.u32 @!p0 $0x40, s16;
	_ =	sdelay $0x5  }
0x39: {  	v0 =	vshll.u32 @!p0 v0, $0xA  }
0x3a: {  	v0 =	vmin.u32 @!p0 v0, $0x3090400  }
0x3b: {  	v0 =	vmulhi.u32 @!p0 $0x2AAAAAB, v0;
	_ =	sdelay $0x1  }
0x3c: {  	v0 =	vshrl.u32 @!p0 v0, $0x3  }
0x3d: {  	[tilespmem:$0xC040] =	vst @!p0 v0  }
0x3e: {  	v0 =	vld.msk @!p0 [tilespmem:s18+$0x0 ss:$0x1], $0xffff;
	_ =	sdelay $0x5  }
0x3f: {  	v0 =	vshll.u32 @!p0 v0, $0xA  }
.Ltmp2:
0x40: {  	s17 =	sadd.s32 $0x20, s13;
	v0 =	vmin.u32 @!p0 v0, $0x3090400;
	(pc) =	sbr.rel @p3 .LBB2_4-.Ltmp2, $4  }
0x41: {  	s13 =	smov.u32 s5;
	p4 =	slt.s32 s17, s7;
	v0 =	vmulhi.u32 @!p0 $0x2AAAAAB, v0  }
0x42: {  	p2 =	sge.u32 s11, s8;
	s13 =	smov.u32 @p4 s17  }
0x43: {  	s17 =	sxor.u32 @!p2 $0xFFFFFFFF, s11;
	s19 =	sshrl.u32 @!p2 s13, $0x3;
	s20 =	sshll.u32 @!p2 s13, $0x7;
	v0 =	vshrl.u32 @!p0 v0, $0x3  }
0x44: {  	s18 =	sand.u32 @!p2 $0x1, s17;
	s17 =	sadd.s32 @!p2 s19, s9;
	s19 =	simm.s32 @!p0 $0x1;
	[tilespmem:$0xC050] =	vst @!p0 v0  }
0x45: {  	s5 =	smov.u32 s13;
	s12 =	smov.u32 s11  }
.LBB2_6:
0x46: {  	p0 =	por p0, !p1  }
0x47: {  	(ifvalue) =	ssetifvalue @!p0 $0x3090400  }
0x48: {  	[hbm:s2] =	stream.indirect.scatter @!p0 [tilespmem:s16], [sflag:$0x1], $0x300, s15, s14, $0x40b8;
	[tilespmem:$0xC060] =	vst v63  }
0x49: {  	_ =	swait.ge @!p0 [sflag:s19], $0x6000  }
0x4a: {  	s7 =	smul.u32 @!p2 $0x18000, s18;
	[sflag:s19] =	ssyncset.done @!p0 $0x0  }
0x4b: {  	s6 =	sadd.s32 @!p2 s20, s6;
	s8 =	sshll.u32 @!p2 s18, $0x5;
	[sflag:s19] =	ssyncadd.s32 @!p0 $0xFFFFA000  }
0x4c: {  	s5 =	sand.u32 @!p2 $0x7, s5;
	s7 =	sshrl.u32 @!p2 s7, $0x2;
	[sflag:s19] =	ssyncpa.u1 @!p0 $0x1  }
0x4d: {  	[tilespmem:s8], [sflag:$0x2] =	stream.linear.gather @!p2 [hbm4b:s17+s5], $0x20, $0x38;
	[tilespmem:$0xC060] =	vst v63  }
0x4e: {  	p0 =	seq.s32 s12, $0x0;
	s5 =	sor.u32 @!p2 $0x40, s7;
	s7 =	simm.s32 @!p2 $0x0  }
0x4f: {  	[tilespmem:s5], [sflag:$0x2] =	stream.linear.gather @!p2 [hbm4b:s6+s7], $0x6000, $0x38;
	[tilespmem:$0xC060] =	vst v63  }
0x50: {  	s5 =	simm.s32 @!p0 $0x2  }
0x51: {  	_ =	swait.ge @!p0 [sflag:s5], $0x6020  }
0x52: {  	s6 =	sand.u32 @!p0 $0x1, s12;
	[sflag:s5] =	ssyncset.done @!p0 $0x0  }
0x53: {  	s7 =	sshll.u32 @!p0 s6, $0x5;
	[sflag:s5] =	ssyncadd.s32 @!p0 $0xFFFF9FE0  }
0x54: {  	v0 =	vld.msk @!p0 [tilespmem:s7+$0x0 ss:$0x1], $0xffff;
	_ =	sdelay $0x4  }
0x55: {  	v0 =	vshll.u32 @!p0 v0, $0xA  }
0x56: {  	v0 =	vmin.u32 @!p0 v0, $0x3090400  }
0x57: {  	v0 =	vmulhi.u32 @!p0 $0x2AAAAAB, v0;
	_ =	sdelay $0x1  }
0x58: {  	v0 =	vshrl.u32 @!p0 v0, $0x3  }
0x59: {  	s5 =	sor.u32 @!p0 $0x10, s7;
	[tilespmem:$0xC040] =	vst @!p0 v0  }
0x5a: {  	v0 =	vld.msk @!p0 [tilespmem:s5+$0x0 ss:$0x1], $0xffff;
	_ =	sdelay $0x4  }
0x5b: {  	v0 =	vshll.u32 @!p0 v0, $0xA  }
0x5c: {  	v0 =	vmin.u32 @!p0 v0, $0x3090400  }
0x5d: {  	s5 =	smul.u32 @!p0 $0x18000, s6;
	v0 =	vmulhi.u32 @!p0 $0x2AAAAAB, v0;
	_ =	sdelay $0x1  }
0x5e: {  	s8 =	simm.s32 @!p0 $0x1;
	s7 =	simm.s32 @!p0 $0xC040;
	s5 =	sshrl.u32 @!p0 s5, $0x2;
	v0 =	vshrl.u32 @!p0 v0, $0x3  }
0x5f: {  	s6 =	simm.s32 @!p0 $0x20;
	s5 =	sor.u32 @!p0 $0x40, s5;
	[tilespmem:$0xC050] =	vst @!p0 v0;
	(ifvalue) =	ssetifvalue @!p0 $0x3090400  }
0x60: {  	[hbm:s2] =	stream.indirect.scatter @!p0 [tilespmem:s5], [sflag:$0x1], $0x300, s7, s6, $0x40b8;
	[tilespmem:$0xC060] =	vst v63  }
0x61: {  	_ =	swait.ge @!p0 [sflag:s8], $0x6000  }
0x62: {  	[sflag:s8] =	ssyncset.done @!p0 $0x0  }
0x63: {  	[sflag:s8] =	ssyncadd.s32 @!p0 $0xFFFFA000  }
0x64: {  	[sflag:s8] =	ssyncpa.u1 @!p0 $0x1  }
0x65: {  	_ =	sfence.sel $0x180000  }
0x66: {  	[bflag:$0x0] =	sbarrier.arrive $0xFFFF  }
0x67: {  	[sflag:s4] =	ssyncpa.u1 $0x1  }
0x68: {  	[sflag:s3] =	ssyncpa.u1 $0x1  }
0x69: {  	p0 =	sne.s32 s1, $0x0;
	_ =	strace $0x9000005F  }
0x6a: {  	s0 =	sadd.s32 @!p0 $0x100000, s0;
	[bflag:$0x2] =	sbarrier.arrive $0xFFFF  }
0x6b: {  	[sflag:s0] =	ssyncadd.tile.s32 @!p0 $0x1;
	_ =	shalt  }
.LBB2_1:
.Ltmp3:
0x6c: {  	(pc) =	sbr.rel .LBB2_6-.Ltmp3, $2  }
0x6d: {  	_ =	sdelay $0x2  }
0x6e: {  	_ = 	snop  }
.LBB2_3:
.Ltmp4:
0x6f: {  	(pc) =	sbr.rel .LBB2_6-.Ltmp4, $2  }
0x70: {  	_ =	sdelay $0x2  }
0x71: {  	s5 =	smov.u32 s13;
	s12 =	simm.s32 $0x1  }
.Lfunc_end2:
_tile_overlayer_lowered:
.L_overlay_start_2:
0x72: {  	(tag) =	ssettag $0x2  }
0x73: {  	s0 =	rddreg [dreg:$0x0];
	s2 =	stileid.u32  }
0x74: {  	s1 =	rddreg [dreg:$0x1];
	p0 =	sne.s32 s2, $0x0  }
0x75: {  	s3 =	rddreg [dreg:$0x2];
	[bflag:$0x3] =	sbarrier.arrive $0xFFFF;
	s2 =	simm.s32 @!p0 $0x1C01  }
0x76: {  	[timem:s3], [sflag:s2] =	dma.local @!p0 [hbm:s0], s1  }
0x77: {  	s0 =	simm.s32 @!p0 $0x1  }
0x78: {  	_ =	swait.ge @!p0 [sflag:s0], s1  }
0x79: {  	s1 =	ssub.s32 @!p0 $0x0, s1;
	[sflag:s0] =	ssyncset.done @!p0 $0x0  }
0x7a: {  	[sflag:s0] =	ssyncadd.s32 @!p0 s1  }
0x7b: {  	[bflag:$0x3] =	sbarrier.arrive $0xFFFF  }
0x7c: {  	_ =	shalt  }

// kernel: scatter_offload_async_start
scs
__scs_entry_jumppad:
0x0: {  	(pc) =	sbr.rel $0x88, $3  }
0x1: {  	(tag) =	ssettag $0x0;
	lr =	simm.s32 $0x1  }
0x2: {  	[smem:$0x3F73] =	sst lr;
	_ =	strace $0xD0000000  }
0x3: {  	_ = 	snop  }
0x4: {  	_ = 	snop  }
0x5: {  	_ = 	snop  }
0x6: {  	_ = 	snop  }
0x7: {  	_ = 	snop  }
__scs_overlays_trampoline_lowered:
0x8: {  	[smem:$0x3F82] =	sst s0  }
0x9: {  	[smem:$0x3F83] =	sst s1  }
0xa: {  	[smem:$0x3F84] =	sst s2  }
0xb: {  	[smem:$0x3F85] =	sst s3  }
0xc: {  	[smem:$0x3F86] =	sst s4  }
0xd: {  	[smem:$0x3F87] =	sst s5  }
0xe: {  	[smem:$0x3F88] =	sst s6  }
0xf: {  	[smem:$0x3F89] =	sst s7  }
0x10: {  	[smem:$0x3F8A] =	sst s8  }
0x11: {  	[smem:$0x3F8B] =	sst s9;
	s0 =	simm.s32 @!p0 $0x0  }
0x12: {  	s1 =	sld [smem:$0x3F71];
	s0 =	simm.s32 @p0 $0x1  }
0x13: {  	[smem:$0x3F8C] =	sst s0;
	s0 =	simm.s32 @!p1 $0x0  }
0x14: {  	s2 =	sld [smem:$0x3F70];
	s0 =	simm.s32 @p1 $0x1  }
0x15: {  	[smem:$0x3F8D] =	sst s0;
	s0 =	simm.s32 @!p2 $0x0  }
0x16: {  	s3 =	sld [smem:$0x3FDB];
	s0 =	simm.s32 @p2 $0x1  }
0x17: {  	s4 =	simm.s32 $0x1BF5;
	[smem:$0x3F8F] =	sst s0  }
0x18: {  	s0 =	sld [smem:$0x3F72];
	_ =	swait.ge [sflag:s4], $0x0  }
0x19: {  	s7 =	sld [smem:$0x3F73]  }
0x1a: {  	s8 =	sadd.s32 $0xFFFFE003, lr  }
0x1b: {  	s9 =	sadd.s32 $0xFFFFFEF7, lr;
	s5 =	simm.s32 $0xFFFFFFFF;
	p2 =	slt.u32 s8, $0xFFFFF086  }
0x1c: {  	p1 =	slt.u32 s9, $0xF7A;
	s5 =	simm.s32 @!p2 $0x0  }
0x1d: {  	s5 =	simm.s32 @p1 $0x1;
	p0 =	seq.s32 s7, s2  }
0x1e: {  	s7 =	smul.u32 @!p0 $0xF7A, s2;
	p2 =	seq.s32 @!p0 s5, $0x0  }
0x1f: {  	s9 =	smul.u32 $0xF7A, s1;
	s8 =	simm.s32 @!p0 $0x1BF5;
	p2 =	por !p2, p0  }
0x20: {  	[sflag:s8] =	ssyncset.s32 @!p0 $0xFFFFF086;
	s6 =	sadd.s32 @!p0 s3, s7;
	s7 =	simm.s32 @!p0 $0x108  }
0x21: {  	s3 =	sadd.s32 s3, s9;
	s6 =	sadd.s32 @!p0 $0x88, s6;
	s7 =	simm.s32 @p2 $0x1082  }
0x22: {  	[simem:s7], [sflag:s8] =	dma.local @!p0 [hbm:s6], $0xF7A  }
0x23: {  	s9 =	sor.u32 $0xD0000000, s2;
	s6 =	simm.s32 $0x108;
	_ =	swait.ge @!p0 [sflag:s8], $0x0  }
0x24: {  	s3 =	sadd.s32 $0x88, s3;
	s6 =	simm.s32 @!p1 $0x1082;
	[sflag:s4] =	ssyncset.s32 $0xFFFFF086  }
0x25: {  	[simem:s6], [sflag:s4] =	dma.local [hbm:s3], $0xF7A  }
0x26: {  	[smem:$0x3F73] =	sst s1;
	(tag) =	ssettag s2;
	_ =	strace s9  }
0x27: {  	s1 =	sld [smem:$0x3F83]  }
0x28: {  	s2 =	sld [smem:$0x3F84]  }
0x29: {  	s4 =	sld [smem:$0x3F86]  }
0x2a: {  	p0 =	seq.s32 s5, $0x0;
	s5 =	sld [smem:$0x3F87]  }
0x2b: {  	s6 =	sld [smem:$0x3F88]  }
0x2c: {  	s7 =	sld [smem:$0x3F89]  }
0x2d: {  	s3 =	simm.s32 $0x108;
	s8 =	sld [smem:$0x3F8A]  }
0x2e: {  	s3 =	simm.s32 @!p0 $0x1082;
	s9 =	sld [smem:$0x3F8B]  }
0x2f: {  	lr =	sadd.s32 s0, s3;
	s0 =	sld [smem:$0x3F82]  }
0x30: {  	s3 =	sld [smem:$0x3F85]  }
0x31: {  	[smem:$0x3F8E] =	sst s10  }
0x32: {  	s10 =	sld [smem:$0x3F8C];
	_ =	sdelay $0x3  }
0x33: {  	p0 =	seq.s32 s10, $0x1;
	s10 =	sld [smem:$0x3F8E];
	_ =	sdelay $0x3  }
0x34: {  	[smem:$0x3F8E] =	sst s10  }
0x35: {  	s10 =	sld [smem:$0x3F8D];
	_ =	sdelay $0x3  }
0x36: {  	p1 =	seq.s32 s10, $0x1;
	s10 =	sld [smem:$0x3F8E];
	_ =	sdelay $0x3  }
0x37: {  	[smem:$0x3F8E] =	sst s10  }
0x38: {  	s10 =	sld [smem:$0x3F8F]  }
0x39: {  	_ = 	snop;
	(pc) =	sbr.ind lr, $3  }
0x3a: {  	_ = 	snop  }
0x3b: {  	_ = 	snop  }
0x3c: {  	p2 =	seq.s32 s10, $0x1;
	s10 =	sld [smem:$0x3F8E]  }
0x3d: {  	_ =	shalt  }
0x3e: {  	_ =	shalt  }
0x3f: {  	_ =	shalt  }
0x40: {  	_ =	shalt  }
0x41: {  	_ =	shalt  }
0x42: {  	_ =	shalt  }
0x43: {  	_ =	shalt  }
0x44: {  	_ =	shalt  }
0x45: {  	_ =	shalt  }
0x46: {  	_ =	shalt  }
0x47: {  	_ =	shalt  }
0x48: {  	_ =	shalt  }
0x49: {  	_ =	shalt  }
0x4a: {  	_ =	shalt  }
0x4b: {  	_ =	shalt  }
0x4c: {  	_ =	shalt  }
0x4d: {  	_ =	shalt  }
0x4e: {  	_ =	shalt  }
0x4f: {  	_ =	shalt  }
0x50: {  	_ =	shalt  }
0x51: {  	_ =	shalt  }
0x52: {  	_ =	shalt  }
0x53: {  	_ =	shalt  }
0x54: {  	_ =	shalt  }
0x55: {  	_ =	shalt  }
0x56: {  	_ =	shalt  }
0x57: {  	_ =	shalt  }
0x58: {  	_ =	shalt  }
0x59: {  	_ =	shalt  }
0x5a: {  	_ =	shalt  }
0x5b: {  	_ =	shalt  }
0x5c: {  	_ =	shalt  }
0x5d: {  	_ =	shalt  }
0x5e: {  	_ =	shalt  }
0x5f: {  	_ =	shalt  }
0x60: {  	_ =	shalt  }
0x61: {  	_ =	shalt  }
0x62: {  	_ =	shalt  }
0x63: {  	_ =	shalt  }
0x64: {  	_ =	shalt  }
0x65: {  	_ =	shalt  }
0x66: {  	_ =	shalt  }
0x67: {  	_ =	shalt  }
0x68: {  	_ =	shalt  }
0x69: {  	_ =	shalt  }
0x6a: {  	_ =	shalt  }
0x6b: {  	_ =	shalt  }
0x6c: {  	_ =	shalt  }
0x6d: {  	_ =	shalt  }
0x6e: {  	_ =	shalt  }
0x6f: {  	_ =	shalt  }
0x70: {  	_ =	shalt  }
0x71: {  	_ =	shalt  }
0x72: {  	_ =	shalt  }
0x73: {  	_ =	shalt  }
0x74: {  	_ =	shalt  }
0x75: {  	_ =	shalt  }
0x76: {  	_ =	shalt  }
0x77: {  	_ =	shalt  }
0x78: {  	_ =	shalt  }
0x79: {  	_ =	shalt  }
0x7a: {  	_ =	shalt  }
0x7b: {  	_ =	shalt  }
0x7c: {  	_ =	shalt  }
0x7d: {  	_ =	shalt  }
0x7e: {  	_ =	shalt  }
0x7f: {  	_ =	shalt  }
0x80: {  	_ =	shalt  }
0x81: {  	_ =	shalt  }
0x82: {  	_ =	shalt  }
0x83: {  	_ =	shalt  }
0x84: {  	_ =	shalt  }
0x85: {  	_ =	shalt  }
0x86: {  	_ =	shalt  }
0x87: {  	_ =	shalt  }
.Lfunc_end0:
.L_simem_size_0:
called_computation_lowered:
.L_overlay_start_0:
0x88: {  	s0 =	sld [smem:$0x3FD9]  }
0x89: {  	s1 =	sld [smem:$0x3FFE];
	_ =	sdelay $0x3  }
0x8a: {  	s0 =	sadd.s32 s1, s0  }
0x8b: {  	[smem:$0x3F9A] =	sst s0  }
0x8c: {  	_ = 	snop  }
0x8d: {  	(tm) =	ssettm $0x1  }
0x8e: {  	s15 =	sld [smem:$0x3FFB];
	_ =	sdelay $0x3  }
0x8f: {  	_ =	strace s15  }
0x90: {  	s0 =	sld [smem:$0x3FFC];
	_ =	sdelay $0x3  }
0x91: {  	_ =	strace s0  }
0x92: {  	s0 =	sld [smem:$0x3FFD];
	_ =	sdelay $0x3  }
0x93: {  	_ =	strace s0  }
0x94: {  	_ =	strace $0x8FFFFFFF  }
0x95: {  	s16 =	sld [smem:$0x3FDB];
	_ =	sdelay $0x1  }
0x96: {  	s17 =	simm.s32 $_scs_section_size  }
0x97: {  	s2 =	simm.s32 $_size__tile_overlayer_lowered;
	s3 =	simm.s32 $_tile_overlayer_lowered  }
0x98: {  	s20 =	simm.s32 $0x1BFF;
	s19 =	sshll.u32 s3, $0x1;
	s0 =	sadd.s32 s17, s16  }
0x99: {  	s4 =	simm.s32 $0x0;
	s18 =	sshll.u32 s2, $0x1;
	s2 =	sadd.s32 s19, s0  }
0x9a: {  	[timem:s4], [sflag:s20] =	dma.local [hbm:s2], s18  }
0x9b: {  	_ =	swait.ge [sflag:s20], s18  }
0x9c: {  	s1 =	ssub.s32 $0x0, s18;
	[sflag:s20] =	ssyncset.done $0x0  }
0x9d: {  	[sflag:s20] =	ssyncadd.s32 s1;
	_ =	sdelay $0x1  }
0x9e: {  	s21 =	simm.s32 $0x1B8B  }
0x9f: {  	_ =	swait.ge [sflag:s21], $0x1  }
0xa0: {  	[sflag:s21] =	ssyncset.done $0x0  }
0xa1: {  	s23 =	simm.s32 $0x1B8E;
	s22 =	sld [smem:$0x3FFE];
	[sflag:s21] =	ssyncadd.s32 $0xFFFFFFFF  }
0xa2: {  	s24 =	simm.s32 $execute0_lowered;
	[smem:$0x3FD2] =	sst s23  }
0xa3: {  	s2 =	sshll.u32 s24, $0x1;
	_ =	strace $0x8000004F;
	[dreg:$0x1] =	wrdreg $0xFFFFFFFF  }
0xa4: {  	s25 =	simm.s32 $_size_execute0_lowered;
	s0 =	sadd.s32 s0, s2;
	[dreg:$0x0] =	wrdreg $0x0  }
0xa5: {  	s2 =	sshll.u32 s25, $0x1;
	[dreg:$0x2] =	wrdreg s0  }
0xa6: {  	[dreg:$0x3] =	wrdreg s2  }
0xa7: {  	[dreg:$0x4] =	wrdreg $0xC0  }
0xa8: {  	_ =	task [dreg:s4], $0x5FFFF  }
0xa9: {  	[dreg:$0x1] =	wrdreg $0xFFFFFFFF  }
0xaa: {  	[dreg:$0x0] =	wrdreg $0x60  }
0xab: {  	[dreg:$0x2] =	wrdreg s22  }
0xac: {  	[dreg:$0x3] =	wrdreg $0x9  }
0xad: {  	_ =	task.clear_ibuf [dreg:s4], $0x4FFFF;
	_ =	strace $0x9000004F  }
0xae: {  	s26 =	simm.s32 $0x9;
	_ =	strace $0x80000051  }
0xaf: {  	_ =	swait.ge [sflag:s26], $0x1  }
0xb0: {  	[sflag:s26] =	ssyncadd.s32 $0xFFFFFFFF  }
0xb1: {  	_ =	strace $0x90000051  }
0xb2: {  	_ =	sfence  }
0xb3: {  	s28 =	sld [smem:$0x0];
	_ =	sdelay $0x1  }
0xb4: {  	s29 =	srdreg.scid  }
0xb5: {  	s30 =	sshll.u32 s29, $0xD;
	s31 =	sshrl.u32 s29, $0x2  }
0xb6: {  	s1 =	sand.u32 $0x1, s29;
	s2 =	sand.u32 $0x4000, s30;
	s0 =	sadd.s32 s31, s28  }
0xb7: {  	s1 =	sor.u32 s2, s1;
	s0 =	sshll.u32 s0, $0x11  }
0xb8: {  	s0 =	sor.u32 s0, s1  }
0xb9: {  	s0 =	sadd.s32 $0x8F2B, s0  }
0xba: {  	[sflag:s0] =	ssyncadd.remote.s32 $0x1  }
0xbb: {  	_ =	sfence.sel $0xFFFF  }
0xbc: {  	[dreg:$0x0] =	wrdreg $0xFFFFFFFF;
	(pc) =	sbr.abs _section_cstart, $3  }
0xbd: {  	[dreg:$0x1] =	wrdreg $0xFFFFFFFF  }
0xbe: {  	_ =	task.clear_ibuf [dreg:s4], $0x2FFFF;
	_ =	strace $0x9FFFFFFF  }
0xbf: {  	(tm) =	ssettm $0x7FFFFFFF  }
tec
execute0_lowered:
.L_overlay_start_1:
0x0: {  	(tag) =	ssettag $0x1  }
0x1: {  	s0 =	stileid.u32  }
0x2: {  	s1 =	simm.s32 $0x1;
	p0 =	sne.s32 s0, $0x0;
	s2 =	smul.u32 $0x3, s0  }
0x3: {  	s1 =	simm.s32 @!p0 $0x0  }
0x4: {  	p1 =	seq.s32 s0, $0x0;
	s0 =	simm.s32 $0x40;
	s1 =	sadd.s32 s1, s2  }
0x5: {  	s0 =	simm.s32 @!p1 $0x30;
	s4 =	sshll.u32 s1, $0x4  }
0x6: {  	s1 =	sadd.s32 s0, s4  }
0x7: {  	s6 =	smin.u32 s1, $0x310  }
0x8: {  	s8 =	ssub.s32 s6, s4  }
0x9: {  	p1 =	sgt.s32 s8, $0x0  }
0xa: {  	s8 =	simm.s32 @!p1 $0x0  }
0xb: {  	s3 =	rddreg [dreg:$0x0];
	s11 =	simm.s32 $0x0;
	s8 =	sshrl.u32 s8, $0x4  }
0xc: {  	s10 =	simm.s32 $0x1;
	p2 =	por $0x0, $0x0;
	s9 =	sadd.s32 $0x1, s8  }
0xd: {  	s7 =	sadd.s32 $0x2C00, s3;
	s5 =	sadd.s32 $0x3000, s3;
	p1 =	sne.s32 s9, $0x1  }
.Ltmp0:
0xe: {  	s2 =	sadd.s32 $0x27C00, s3;
	s3 =	simm.s32 $0x2;
	(pc) =	sbr.rel @!p1 .LBB2_1-.Ltmp0, $4  }
0xf: {  	s0 =	rddreg [dreg:$0x1];
	_ =	strace $0x80000050;
	s1 =	simm.s32 $0x1  }
0x10: {  	[sflag:s1] =	ssyncpa.u1 $0x0;
	(ifvalue) =	ssetifvalue $0x46E600;
	p3 =	sle.u32 s8, $0x0  }
0x11: {  	[sflag:s3] =	ssyncpa.u1 $0x0;
	s12 =	sxor.u32 @!p3 $0xFFFFFFFF, s11;
	s13 =	sshrl.u32 @!p3 s4, $0x3  }
0x12: {  	s15 =	smul.u32 @!p3 $0xC0, s4;
	s18 =	sand.u32 @!p3 $0x1, s12;
	s17 =	sadd.s32 @!p3 s7, s13  }
0x13: {  	s12 =	smul.u32 @!p3 $0x18000, s18;
	s13 =	sshll.u32 @!p3 s18, $0x4;
	s14 =	sand.u32 @!p3 $0x7, s4  }
0x14: {  	[tilespmem:s13], [sflag:$0x2] =	stream.linear.gather @!p3 [hbm4b:s17+s14], $0x10, $0x38;
	[tilespmem:$0xC030] =	vst v63  }
0x15: {  	p1 =	por $0x1, $0x1;
	s12 =	sshrl.u32 @!p3 s12, $0x2  }
0x16: {  	s13 =	sadd.s32 @!p3 s5, s15;
	s14 =	simm.s32 @!p3 $0x0;
	s12 =	sor.u32 @!p3 $0x20, s12  }
0x17: {  	[tilespmem:s12], [sflag:$0x2] =	stream.linear.gather @!p3 [hbm4b:s13+s14], $0x6000, $0x38;
	[tilespmem:$0xC030] =	vst v63  }
0x18: {  	s12 =	simm.s32 @!p1 $0x2  }
0x19: {  	_ =	swait.ge @!p1 [sflag:s12], $0x6010  }
0x1a: {  	s13 =	sand.u32 @!p1 $0x1, s11;
	[sflag:s12] =	ssyncset.done @!p1 $0x0  }
0x1b: {  	s11 =	sshll.u32 @!p1 s13, $0x4;
	[sflag:s12] =	ssyncadd.s32 @!p1 $0xFFFF9FF0  }
0x1c: {  	v0 =	vld.msk @!p1 [tilespmem:s11+$0x0 ss:$0x1], $0xffff;
	_ =	sdelay $0x4  }
0x1d: {  	v1 =	vshrl.u32 @!p1 v0, $0x6  }
0x1e: {  	v2 =	vand.u32 @!p1 $0x3F, v0;
	v1 =	vand.u32 @!p1 $0x3F, v1  }
0x1f: {  	v2 =	vmul.u32 @!p1 $0x14A00, v2;
	v1 =	vmul.u32 @!p1 $0x600, v1  }
0x20: {  	s15 =	sadd.s32 $0x10, s4  }
0x21: {  	p4 =	sne.s32 s9, $0x2;
	p2 =	slt.s32 s15, s6;
	s12 =	smul.u32 @!p1 $0x18000, s13;
	v1 =	vadd.s32 @!p1 v2, v1  }
.Ltmp1:
0x22: {  	s14 =	simm.s32 @!p1 $0xC020;
	p3 =	sle.u32 s8, $0x1;
	v1 =	vmin.u32 @!p1 v1, $0x46E600;
	(pc) =	sbr.rel @!p4 .LBB2_3-.Ltmp1, $4  }
0x23: {  	s17 =	sxor.u32 @!p3 $0xFFFFFFFF, s10;
	s16 =	sshrl.u32 @!p1 s12, $0x2;
	s12 =	smov.u32 s4;
	v1 =	vmulhi.u32 @!p1 $0x2AAAAB, v1  }
0x24: {  	s18 =	sand.u32 @!p3 $0x1, s17;
	s13 =	simm.s32 @!p1 $0x10;
	s12 =	smov.u32 @p2 s15;
	vm0 =	veq.s32 @!p1 v0, $0x80000000  }
0x25: {  	s11 =	simm.s32 $0x2;
	s16 =	sor.u32 @!p1 $0x20, s16;
	s19 =	sshrl.u32 @!p3 s12, $0x3;
	v0 =	vsel @!p1 vm0, $0xBD1, v1  }
0x26: {  	p2 =	por $0x1, $0x1;
	s15 =	smul.u32 @!p3 $0xC0, s12;
	s17 =	sadd.s32 @!p3 s7, s19;
	[tilespmem:$0xC020] =	vst @!p1 v0  }
.LBB2_4:
0x27: {  	s19 =	smul.u32 @!p3 $0x18000, s18  }
0x28: {  	(ifvalue) =	ssetifvalue @!p1 $0x46E600;
	s20 =	simm.s32 @!p1 $0x1;
	s21 =	smov.u32 s11  }
0x29: {  	[hbm:s2] =	stream.indirect.scatter @!p1 [tilespmem:s16], [sflag:$0x1], $0x600, s14, s13, $0x40b8;
	[tilespmem:$0xC030] =	vst v63  }
0x2a: {  	s11 =	sadd.s32 $0x1, s11;
	s13 =	sshrl.u32 @!p3 s19, $0x2;
	_ =	swait.ge @!p1 [sflag:s20], $0x6000  }
0x2b: {  	p4 =	sne.s32 s9, s11;
	s13 =	sor.u32 @!p3 $0x20, s13;
	[sflag:s20] =	ssyncset.done @!p1 $0x0  }
0x2c: {  	[sflag:s20] =	ssyncadd.s32 @!p1 $0xFFFFA000  }
0x2d: {  	s14 =	sshll.u32 @!p3 s18, $0x4;
	s16 =	sand.u32 @!p3 $0x7, s12;
	[sflag:s20] =	ssyncpa.u1 @!p1 $0x1  }
0x2e: {  	[tilespmem:s14], [sflag:$0x2] =	stream.linear.gather @!p3 [hbm4b:s17+s16], $0x10, $0x38;
	[tilespmem:$0xC030] =	vst v63  }
0x2f: {  	p1 =	seq.s32 s10, $0x0;
	s14 =	sadd.s32 @!p3 s5, s15;
	s15 =	simm.s32 @!p3 $0x0  }
0x30: {  	[tilespmem:s13], [sflag:$0x2] =	stream.linear.gather @!p3 [hbm4b:s14+s15], $0x6000, $0x38;
	[tilespmem:$0xC030] =	vst v63  }
0x31: {  	s10 =	sand.u32 @!p1 $0x1, s10;
	s15 =	simm.s32 @!p1 $0x2;
	s13 =	simm.s32 @!p1 $0x10  }
0x32: {  	s16 =	sshll.u32 @!p1 s10, $0x4;
	s17 =	smul.u32 @!p1 $0x18000, s10;
	_ =	swait.ge @!p1 [sflag:s15], $0x6010  }
0x33: {  	s10 =	smov.u32 s21;
	s14 =	simm.s32 @!p1 $0xC020;
	[sflag:s15] =	ssyncset.done @!p1 $0x0  }
0x34: {  	[sflag:s15] =	ssyncadd.s32 @!p1 $0xFFFF9FF0;
	s15 =	sshrl.u32 @!p1 s17, $0x2  }
0x35: {  	v0 =	vld.msk @!p1 [tilespmem:s16+$0x0 ss:$0x1], $0xffff;
	s16 =	sor.u32 @!p1 $0x20, s15;
	_ =	sdelay $0x5  }
0x36: {  	vm0 =	veq.s32 @!p1 v0, $0x80000000;
	v1 =	vand.u32 @!p1 $0x3F, v0;
	v0 =	vshrl.u32 @!p1 v0, $0x6  }
0x37: {  	v0 =	vand.u32 @!p1 $0x3F, v0;
	v1 =	vmul.u32 @!p1 $0x14A00, v1  }
0x38: {  	v0 =	vmul.u32 @!p1 $0x600, v0;
	_ =	sdelay $0x1  }
0x39: {  	v0 =	vadd.s32 @!p1 v1, v0  }
.Ltmp2:
0x3a: {  	s15 =	sadd.s32 $0x10, s12;
	v0 =	vmin.u32 @!p1 v0, $0x46E600;
	(pc) =	sbr.rel @p4 .LBB2_4-.Ltmp2, $4  }
0x3b: {  	s12 =	smov.u32 s4;
	p5 =	slt.s32 s15, s6;
	v0 =	vmulhi.u32 @!p1 $0x2AAAAB, v0  }
0x3c: {  	p3 =	sge.u32 s10, s8;
	s12 =	smov.u32 @p5 s15  }
0x3d: {  	s17 =	sxor.u32 @!p3 $0xFFFFFFFF, s10;
	s19 =	sshrl.u32 @!p3 s12, $0x3;
	s15 =	smul.u32 @!p3 $0xC0, s12;
	v0 =	vsel @!p1 vm0, $0xBD1, v0  }
0x3e: {  	s18 =	sand.u32 @!p3 $0x1, s17;
	s17 =	sadd.s32 @!p3 s7, s19;
	[tilespmem:$0xC020] =	vst @!p1 v0  }
0x3f: {  	s4 =	smov.u32 s12;
	s11 =	smov.u32 s10  }
.LBB2_6:
0x40: {  	p1 =	por p1, !p2  }
0x41: {  	(ifvalue) =	ssetifvalue @!p1 $0x46E600;
	s7 =	simm.s32 @!p1 $0x1  }
0x42: {  	[hbm:s2] =	stream.indirect.scatter @!p1 [tilespmem:s16], [sflag:$0x1], $0x600, s14, s13, $0x40b8;
	[tilespmem:$0xC030] =	vst v63  }
0x43: {  	s6 =	smul.u32 @!p3 $0x18000, s18;
	_ =	swait.ge @!p1 [sflag:s7], $0x6000  }
0x44: {  	[sflag:s7] =	ssyncset.done @!p1 $0x0  }
0x45: {  	s8 =	sshll.u32 @!p3 s18, $0x4;
	s6 =	sshrl.u32 @!p3 s6, $0x2;
	[sflag:s7] =	ssyncadd.s32 @!p1 $0xFFFFA000  }
0x46: {  	s4 =	sand.u32 @!p3 $0x7, s4;
	s6 =	sor.u32 @!p3 $0x20, s6;
	[sflag:s7] =	ssyncpa.u1 @!p1 $0x1  }
0x47: {  	[tilespmem:s8], [sflag:$0x2] =	stream.linear.gather @!p3 [hbm4b:s17+s4], $0x10, $0x38;
	[tilespmem:$0xC030] =	vst v63  }
0x48: {  	p1 =	seq.s32 s11, $0x0;
	s4 =	sadd.s32 @!p3 s5, s15;
	s5 =	simm.s32 @!p3 $0x0  }
0x49: {  	[tilespmem:s6], [sflag:$0x2] =	stream.linear.gather @!p3 [hbm4b:s4+s5], $0x6000, $0x38;
	[tilespmem:$0xC030] =	vst v63  }
0x4a: {  	s4 =	simm.s32 @!p1 $0x2  }
0x4b: {  	_ =	swait.ge @!p1 [sflag:s4], $0x6010  }
0x4c: {  	s5 =	sand.u32 @!p1 $0x1, s11;
	[sflag:s4] =	ssyncset.done @!p1 $0x0  }
0x4d: {  	s6 =	sshll.u32 @!p1 s5, $0x4;
	[sflag:s4] =	ssyncadd.s32 @!p1 $0xFFFF9FF0  }
0x4e: {  	v0 =	vld.msk @!p1 [tilespmem:s6+$0x0 ss:$0x1], $0xffff;
	_ =	sdelay $0x4  }
0x4f: {  	v1 =	vshrl.u32 @!p1 v0, $0x6  }
0x50: {  	v2 =	vand.u32 @!p1 $0x3F, v0;
	v1 =	vand.u32 @!p1 $0x3F, v1  }
0x51: {  	v2 =	vmul.u32 @!p1 $0x14A00, v2;
	v1 =	vmul.u32 @!p1 $0x600, v1;
	_ =	sdelay $0x1  }
0x52: {  	v1 =	vadd.s32 @!p1 v2, v1  }
0x53: {  	v1 =	vmin.u32 @!p1 v1, $0x46E600  }
0x54: {  	s4 =	smul.u32 @!p1 $0x18000, s5;
	v1 =	vmulhi.u32 @!p1 $0x2AAAAB, v1  }
0x55: {  	vm0 =	veq.s32 @!p1 v0, $0x80000000  }
0x56: {  	s7 =	simm.s32 @!p1 $0x1;
	s5 =	simm.s32 @!p1 $0x10;
	s4 =	sshrl.u32 @!p1 s4, $0x2;
	v0 =	vsel @!p1 vm0, $0xBD1, v1  }
0x57: {  	s6 =	simm.s32 @!p1 $0xC020;
	s4 =	sor.u32 @!p1 $0x20, s4;
	[tilespmem:$0xC020] =	vst @!p1 v0;
	(ifvalue) =	ssetifvalue @!p1 $0x46E600  }
0x58: {  	[hbm:s2] =	stream.indirect.scatter @!p1 [tilespmem:s4], [sflag:$0x1], $0x600, s6, s5, $0x40b8;
	[tilespmem:$0xC030] =	vst v63  }
0x59: {  	_ =	swait.ge @!p1 [sflag:s7], $0x6000  }
0x5a: {  	[sflag:s7] =	ssyncset.done @!p1 $0x0  }
0x5b: {  	[sflag:s7] =	ssyncadd.s32 @!p1 $0xFFFFA000  }
0x5c: {  	[sflag:s7] =	ssyncpa.u1 @!p1 $0x1  }
0x5d: {  	_ =	sfence.sel $0x180000  }
0x5e: {  	[bflag:$0x0] =	sbarrier.arrive $0xFFFF  }
0x5f: {  	[sflag:s3] =	ssyncpa.u1 $0x1  }
0x60: {  	[sflag:s1] =	ssyncpa.u1 $0x1  }
0x61: {  	_ =	strace $0x90000050  }
0x62: {  	s0 =	sadd.s32 @!p0 $0x100000, s0;
	[bflag:$0x2] =	sbarrier.arrive $0xFFFF  }
0x63: {  	[sflag:s0] =	ssyncadd.tile.s32 @!p0 $0x1;
	_ =	shalt  }
.LBB2_1:
.Ltmp3:
0x64: {  	(pc) =	sbr.rel .LBB2_6-.Ltmp3, $2  }
0x65: {  	_ =	sdelay $0x2  }
0x66: {  	_ = 	snop  }
.LBB2_3:
.Ltmp4:
0x67: {  	(pc) =	sbr.rel .LBB2_6-.Ltmp4, $2  }
0x68: {  	_ =	sdelay $0x2  }
0x69: {  	s4 =	smov.u32 s12;
	s11 =	simm.s32 $0x1  }
.Lfunc_end2:
_tile_overlayer_lowered:
.L_overlay_start_2:
0x6a: {  	(tag) =	ssettag $0x2  }
0x6b: {  	s0 =	rddreg [dreg:$0x0];
	s2 =	stileid.u32  }
0x6c: {  	s1 =	rddreg [dreg:$0x1];
	p0 =	sne.s32 s2, $0x0  }
0x6d: {  	s3 =	rddreg [dreg:$0x2];
	[bflag:$0x3] =	sbarrier.arrive $0xFFFF;
	s2 =	simm.s32 @!p0 $0x1C01  }
0x6e: {  	[timem:s3], [sflag:s2] =	dma.local @!p0 [hbm:s0], s1  }
0x6f: {  	s0 =	simm.s32 @!p0 $0x1  }
0x70: {  	_ =	swait.ge @!p0 [sflag:s0], s1  }
0x71: {  	s1 =	ssub.s32 @!p0 $0x0, s1;
	[sflag:s0] =	ssyncset.done @!p0 $0x0  }
0x72: {  	[sflag:s0] =	ssyncadd.s32 @!p0 s1  }
0x73: {  	[bflag:$0x3] =	sbarrier.arrive $0xFFFF  }
0x74: {  	_ =	shalt  }

// kernel: sparse-core-data-format-call.1.cloned.1.call-start
scs
called_computation.4_lowered:
.L_overlay_start_0:
0x0: {  	s1 =	sld [smem:$0x3FD9]  }
0x1: {  	s2 =	sld [smem:$0x3FFE];
	_ =	sdelay $0x1  }
0x2: {  	s3 =	srdreg.scid  }
0x3: {  	s0 =	sand.u32 $0x1, s3  }
0x4: {  	s17 =	sshll.u32 s0, $0xA;
	s1 =	sadd.s32 s2, s1  }
0x5: {  	s1 =	sadd.s32 s1, s17  }
0x6: {  	[smem:$0x3F9A] =	sst s1  }
0x7: {  	_ = 	snop  }
0x8: {  	(tm) =	ssettm $0x1  }
0x9: {  	s18 =	sld [smem:$0x3FFB];
	_ =	sdelay $0x3  }
0xa: {  	_ =	strace s18  }
0xb: {  	s1 =	sld [smem:$0x3FFC];
	_ =	sdelay $0x3  }
0xc: {  	_ =	strace s1  }
0xd: {  	s1 =	sld [smem:$0x3FFD];
	_ =	sdelay $0x3  }
0xe: {  	_ =	strace s1  }
0xf: {  	_ =	strace $0x8FFFFFFF  }
0x10: {  	s19 =	sld [smem:$0x3FDB];
	_ =	sdelay $0x1  }
0x11: {  	s20 =	simm.s32 $_scs_section_size  }
0x12: {  	s4 =	simm.s32 $_size__tile_overlayer_lowered;
	s5 =	simm.s32 $_tile_overlayer_lowered  }
0x13: {  	s23 =	simm.s32 $0x1BFF;
	s22 =	sshll.u32 s5, $0x1;
	s1 =	sadd.s32 s20, s19  }
0x14: {  	s6 =	simm.s32 $0x0;
	s21 =	sshll.u32 s4, $0x1;
	s4 =	sadd.s32 s22, s1  }
0x15: {  	[timem:s6], [sflag:s23] =	dma.local [hbm:s4], s21  }
0x16: {  	_ =	swait.ge [sflag:s23], s21  }
0x17: {  	s2 =	ssub.s32 $0x0, s21;
	[sflag:s23] =	ssyncset.done $0x0  }
0x18: {  	[sflag:s23] =	ssyncadd.s32 s2;
	_ =	sdelay $0x1  }
0x19: {  	s24 =	simm.s32 $0x1B8B  }
0x1a: {  	_ =	swait.ge [sflag:s24], $0x1  }
0x1b: {  	[sflag:s24] =	ssyncset.done $0x0  }
0x1c: {  	s26 =	simm.s32 $0x1B8E;
	s25 =	sld [smem:$0x3FFE];
	[sflag:s24] =	ssyncadd.s32 $0xFFFFFFFF  }
0x1d: {  	s27 =	simm.s32 $execute0_lowered;
	[smem:$0x3FD2] =	sst s26  }
0x1e: {  	s4 =	sshll.u32 s27, $0x1;
	_ =	strace $0x8000005B;
	[dreg:$0x1] =	wrdreg $0xFFFFFFFF  }
0x1f: {  	s28 =	simm.s32 $_size_execute0_lowered;
	s1 =	sadd.s32 s1, s4;
	[dreg:$0x0] =	wrdreg $0x0  }
0x20: {  	s4 =	sshll.u32 s28, $0x1;
	[dreg:$0x2] =	wrdreg s1  }
0x21: {  	[dreg:$0x3] =	wrdreg s4  }
0x22: {  	[dreg:$0x4] =	wrdreg $0xC0  }
0x23: {  	_ =	task [dreg:s6], $0x5FFFF  }
0x24: {  	[dreg:$0x1] =	wrdreg $0xFFFFFFFF  }
0x25: {  	[dreg:$0x0] =	wrdreg $0x60  }
0x26: {  	[dreg:$0x2] =	wrdreg s25  }
0x27: {  	[dreg:$0x3] =	wrdreg $0x9  }
0x28: {  	_ =	task.clear_ibuf [dreg:s6], $0x4FFFF;
	_ =	strace $0x9000005B  }
0x29: {  	s29 =	simm.s32 $0x9;
	_ =	strace $0x8000005D  }
0x2a: {  	_ =	swait.ge [sflag:s29], $0x1  }
0x2b: {  	[sflag:s29] =	ssyncadd.s32 $0xFFFFFFFF  }
0x2c: {  	_ =	strace $0x9000005D  }
0x2d: {  	_ =	sfence  }
0x2e: {  	s30 =	sld [smem:$0x0];
	_ =	sdelay $0x2  }
0x2f: {  	s31 =	sshll.u32 s3, $0xD;
	s3 =	sshrl.u32 s3, $0x2  }
0x30: {  	s2 =	sand.u32 $0x4000, s31;
	s1 =	sadd.s32 s3, s30  }
0x31: {  	s0 =	sor.u32 s2, s0;
	s1 =	sshll.u32 s1, $0x11  }
0x32: {  	s0 =	sor.u32 s1, s0  }
0x33: {  	s0 =	sadd.s32 $0x8F2B, s0  }
0x34: {  	[sflag:s0] =	ssyncadd.remote.s32 $0x1  }
0x35: {  	_ =	sfence.sel $0xFFFF  }
0x36: {  	[dreg:$0x0] =	wrdreg $0xFFFFFFFF;
	(pc) =	sbr.abs _section_cstart, $3  }
0x37: {  	[dreg:$0x1] =	wrdreg $0xFFFFFFFF  }
0x38: {  	_ =	task.clear_ibuf [dreg:s6], $0x2FFFF;
	_ =	strace $0x9FFFFFFF  }
0x39: {  	(tm) =	ssettm $0x7FFFFFFF  }
tec
execute0_lowered:
.L_overlay_start_1:
0x0: {  	(tag) =	ssettag $0x1  }
0x1: {  	s0 =	srdreg.scid  }
0x2: {  	s1 =	rddreg [dreg:$0x0];
	_ =	strace $0x8000005C;
	s3 =	stileid.u32  }
0x3: {  	s2 =	simm.s32 $0x1;
	s31 =	simm.s32 $0x2;
	s17 =	simm.s32 $0x0  }
0x4: {  	s16 =	simm.s32 $0x0;
	s18 =	simm.s32 $0x0;
	s12 =	simm.s32 $0x0  }
0x5: {  	s13 =	simm.s32 $0x0;
	s11 =	simm.s32 $0x0;
	s6 =	sand.u32 $0x3, s3  }
0x6: {  	s0 =	sshll.u32 s0, $0x7;
	s7 =	sshrl.u32 s3, $0x2;
	[dreg:$0x4] =	wrdreg s6  }
0x7: {  	[sflag:s2] =	ssyncpa.u1 $0x0;
	s5 =	sand.u32 $0x80, s0;
	[dreg:$0x5] =	wrdreg s7  }
.Ltmp0:
0x8: {  	s0 =	sshll.u32 s5, $0x4;
	s30 =	smax.u32 s5, $0x40;
	(pc) =	sbr.rel .LBB1_1-.Ltmp0, $4  }
0x9: {  	[dreg:$0x2] =	wrdreg s5;
	s0 =	sadd.s32 s0, s1;
	s1 =	sadd.s32 $0x2BAA00, s1  }
0xa: {  	[dreg:$0x3] =	wrdreg s1;
	s1 =	sshll.u32 s30, $0x7;
	s9 =	sadd.s32 $0x16AA00, s0  }
0xb: {  	[sflag:s31] =	ssyncpa.u1 $0x0;
	s8 =	sxor.u32 $0x6000, s1;
	[dreg:$0x7] =	wrdreg s9  }
0xc: {  	s14 =	smov.u32 s7;
	s15 =	smov.u32 s6;
	[dreg:$0x6] =	wrdreg s8  }
.LBB1_9:
0xd: {  	s2 =	rddreg [dreg:$0x8]  }
0xe: {  	s29 =	rddreg [dreg:$0x3]  }
0xf: {  	s30 =	rddreg [dreg:$0x9]  }
0x10: {  	s0 =	sshll.u32 s13, $0x7;
	s1 =	sshll.u32 s18, $0x2;
	s5 =	rddreg [dreg:$0x2]  }
0x11: {  	s3 =	sshll.u32 s12, $0x7;
	s31 =	simm.s32 $0x80;
	s6 =	rddreg [dreg:$0x4]  }
0x12: {  	s4 =	simm.s32 $0x1C000;
	s7 =	rddreg [dreg:$0x5];
	s0 =	sand.u32 $0x180, s0  }
0x13: {  	s8 =	rddreg [dreg:$0x6];
	s2 =	smul.u32 $0x3800, s2;
	s0 =	sor.u32 s0, s1  }
0x14: {  	s9 =	rddreg [dreg:$0x7];
	s1 =	sadd.s32 s29, s3;
	s0 =	sshrl.u32 s0, $0x3  }
0x15: {  	s3 =	sor.u32 $0x8000, s30;
	s2 =	sand.u32 $0x3FFFF800, s2;
	s0 =	sadd.s32 s0, s1  }
0x16: {  	[hbm4b:s0+s31] =	stream.strided.scatter [tilespmem:s3], [sflag:$0x2], s2, s4, s31, $0x20;
	[tilespmem:$0x10100] =	vst v63  }
.LBB1_10:
0x17: {  	p0 =	slt.u32 s11, $0x2  }
0x18: {  	p1 =	sgt.s32 @!p0 s17, $0x6F  }
0x19: {  	s0 =	smov.u32 s17;
	s2 =	smov.u32 s16;
	p1 =	por !p1, p0  }
0x1a: {  	s1 =	sshra.s32 @!p0 s17, $0x1F;
	s0 =	simm.s32 @p1 $0x6F;
	p1 =	sgt.s32 @!p0 s16, $0x3  }
0x1b: {  	s3 =	sshra.s32 @!p0 s16, $0x1F;
	s1 =	sand.u32 @!p0 s1, s17;
	p1 =	por !p1, p0  }
0x1c: {  	s0 =	ssub.s32 @!p0 s0, s1;
	s1 =	sand.u32 @!p0 s3, s16;
	s2 =	simm.s32 @p1 $0x3  }
0x1d: {  	s3 =	sadd.s32 @!p0 $0xFFFFFF91, s0;
	s1 =	ssub.s32 @!p0 s2, s1  }
0x1e: {  	s0 =	ssub.s32 @!p0 $0x70, s0;
	p1 =	sgt.s32 @!p0 s3, $0x0;
	s1 =	sadd.s32 @!p0 $0xFFFFFFFD, s1  }
0x1f: {  	s0 =	smul.u32 @!p0 $0x70, s0;
	p2 =	sgt.s32 @!p0 s1, $0x0;
	s1 =	sshll.u32 @!p0 s1, $0x7  }
0x20: {  	p1 =	por !p1, p0;
	s1 =	ssub.s32 @!p0 $0x80, s1;
	p2 =	por !p2, p0  }
0x21: {  	s0 =	simm.s32 @!p1 $0x0;
	s1 =	simm.s32 @!p2 $0x0  }
0x22: {  	s0 =	smul.u32 @!p0 s0, s1;
	s1 =	sadd.s32 $0x4, s14  }
0x23: {  	s4 =	smov.u32 s15;
	s3 =	sadd.s32 $0x4, s15;
	p1 =	sgt.s32 s1, $0x6F  }
0x24: {  	s4 =	smov.u32 @p1 s3  }
0x25: {  	s11 =	sadd.s32 $0x1, s11;
	s1 =	smov.u32 @p1 s7;
	p1 =	sgt.s32 s4, $0x3  }
0x26: {  	s4 =	smov.u32 @p1 s6;
	p1 =	sne.s32 s11, $0x1E  }
.Ltmp1:
0x27: {  	s18 =	smov.u32 s5;
	(pc) =	sbr.rel @!p1 .LBB1_11-.Ltmp1, $4  }
0x28: {  	s17 =	smov.u32 s12;
	s2 =	simm.s32 @!p0 $0x2;
	s0 =	sand.u32 @!p0 $0x3FFFF800, s0  }
0x29: {  	s12 =	smov.u32 s14;
	s16 =	smov.u32 s13;
	_ =	swait.ge @!p0 [sflag:s2], s0  }
0x2a: {  	s13 =	smov.u32 s15;
	s0 =	ssub.s32 @!p0 $0x0, s0;
	[sflag:s2] =	ssyncset.done @!p0 $0x0  }
0x2b: {  	s14 =	smov.u32 s1;
	[sflag:s2] =	ssyncadd.s32 @!p0 s0;
	s15 =	smov.u32 s4  }
.LBB1_1:
0x2c: {  	p0 =	sgt.u32 s11, $0x1B  }
0x2d: {  	s0 =	smov.u32 s15;
	p1 =	sgt.s32 @!p0 s15, $0x3  }
0x2e: {  	s1 =	sshra.s32 @!p0 s15, $0x1F;
	s2 =	sshra.s32 @!p0 s14, $0x1F;
	p1 =	por !p1, p0  }
0x2f: {  	s1 =	sand.u32 @!p0 s1, s15;
	s0 =	simm.s32 @p1 $0x3;
	p1 =	sgt.s32 @!p0 s14, $0x6F  }
0x30: {  	s0 =	ssub.s32 @!p0 s0, s1;
	p1 =	por !p1, p0;
	s1 =	smov.u32 s14  }
0x31: {  	s2 =	sand.u32 @!p0 s2, s14;
	s3 =	sadd.s32 @!p0 $0xFFFFFFFD, s0;
	s1 =	simm.s32 @p1 $0x6F  }
0x32: {  	p1 =	sgt.s32 @!p0 s3, $0x0;
	s1 =	ssub.s32 @!p0 s1, s2  }
0x33: {  	s0 =	ssub.s32 @!p0 $0x4, s0;
	p1 =	por !p1, p0;
	s2 =	sadd.s32 @!p0 $0xFFFFFF91, s1  }
0x34: {  	s0 =	simm.s32 @!p1 $0x0;
	p1 =	sgt.s32 @!p0 s2, $0x0;
	s2 =	smul.u32 @!p0 $0x54000, s15  }
0x35: {  	s1 =	ssub.s32 @!p0 $0x70, s1;
	p1 =	por !p1, p0;
	s0 =	smul.u32 @!p0 s0, s8  }
0x36: {  	s3 =	smul.u32 @!p0 $0xC00, s14;
	s1 =	simm.s32 @!p1 $0x0  }
0x37: {  	s2 =	sadd.s32 @!p0 s2, s9;
	s0 =	smul.u32 @!p0 s1, s0;
	s1 =	sxor.u32 @!p0 $0xFFFFFFFF, s11  }
0x38: {  	s2 =	sadd.s32 @!p0 s3, s2;
	s1 =	sshll.u32 @!p0 s1, $0xE  }
0x39: {  	s3 =	simm.s32 @!p0 $0x0;
	s1 =	sand.u32 @!p0 $0x4000, s1;
	s0 =	sand.u32 @!p0 $0x3FFFE000, s0  }
0x3a: {  	[tilespmem:s1], [sflag:$0x1] =	stream.linear.gather @!p0 [hbm4b:s2+s3], s0, $0x38;
	[tilespmem:$0x10100] =	vst v63  }
0x3b: {  	p0 =	seq.s32 s11, $0x0  }
0x3c: {  	p1 =	seq.s32 @!p0 s11, $0x1D  }
0x3d: {  	p0 =	por p0, p1  }
.Ltmp2:
0x3e: {  	_ = 	snop;
	(pc) =	sbr.rel @p0 .LBB1_10-.Ltmp2, $1  }
0x3f: {  	_ =	sdelay $0x3  }
0x40: {  	p0 =	sgt.s32 s13, $0x3  }
0x41: {  	s0 =	smov.u32 s13;
	s1 =	sshra.s32 s13, $0x1F;
	s2 =	smov.u32 s12  }
0x42: {  	s3 =	sshra.s32 s12, $0x1F;
	s0 =	simm.s32 @!p0 $0x3;
	p0 =	sgt.s32 s12, $0x6F  }
0x43: {  	s1 =	sand.u32 s1, s13;
	s26 =	sand.u32 s3, s12;
	s2 =	simm.s32 @!p0 $0x6F  }
0x44: {  	s0 =	ssub.s32 s0, s1;
	s1 =	ssub.s32 s2, s26  }
0x45: {  	s27 =	sadd.s32 $0xFFFFFFFD, s0;
	s0 =	ssub.s32 $0x4, s0;
	s2 =	sadd.s32 $0xFFFFFF91, s1  }
0x46: {  	p0 =	sgt.s32 s27, $0x0;
	s1 =	ssub.s32 $0x70, s1;
	p1 =	sgt.s32 s2, $0x0  }
0x47: {  	s0 =	simm.s32 @p0 $0x0;
	p0 =	sgt.s32 s18, $0x40;
	s1 =	simm.s32 @p1 $0x0  }
0x48: {  	s2 =	smov.u32 s18;
	s28 =	smul.u32 s0, s1;
	s0 =	sadd.s32 $0x1, s13  }
0x49: {  	s2 =	simm.s32 @!p0 $0x40;
	p0 =	slt.s32 s0, $0x4  }
0x4a: {  	s29 =	ssub.s32 $0xC0, s2;
	s2 =	sadd.s32 $0x1, s12;
	s0 =	simm.s32 @!p0 $0x4  }
0x4b: {  	p0 =	slt.s32 s2, $0x70;
	s20 =	ssub.s32 s0, s13  }
0x4c: {  	s2 =	simm.s32 @!p0 $0x70;
	p0 =	slt.s32 s18, $0x40;
	s0 =	smov.u32 s18  }
0x4d: {  	s21 =	ssub.s32 s2, s12;
	s0 =	simm.s32 @!p0 $0x40;
	p0 =	slt.s32 s20, $0x1  }
0x4e: {  	s0 =	ssub.s32 s0, s18;
	p1 =	slt.s32 @!p0 s21, $0x1  }
0x4f: {  	s23 =	sadd.s32 $0x80, s0;
	p1 =	por p0, p1  }
0x50: {  	s1 =	smul.u32 s29, s28;
	p2 =	seq.s32 @!p1 s23, $0x0  }
0x51: {  	p1 =	por p1, p2  }
.Ltmp3:
0x52: {  	s30 =	simm.s32 $0x1;
	s1 =	sshll.u32 s1, $0x7;
	(pc) =	sbr.rel @p1 .LBB1_9-.Ltmp3, $4  }
0x53: {  	[dreg:$0x8] =	wrdreg s28;
	s1 =	sand.u32 $0x3FFFE000, s1;
	s0 =	sand.u32 $0x1, s11  }
0x54: {  	_ =	swait.ge [sflag:s30], s1;
	s31 =	smul.u32 $0x4080, s0  }
0x55: {  	s1 =	ssub.s32 $0x0, s1;
	[sflag:s30] =	ssyncset.done $0x0  }
0x56: {  	[sflag:s30] =	ssyncadd.s32 s1;
	[dreg:$0x9] =	wrdreg s31  }
0x57: {  	s24 =	sshll.u32 @!p0 s0, $0xE;
	s0 =	rddreg [dreg:$0x9]  }
0x58: {  	s26 =	simm.s32 $0x0;
	s25 =	sor.u32 @!p0 $0x8000, s0  }
.LBB1_4:
0x59: {  	s0 =	sand.u32 $0x3, s26  }
0x5a: {  	s28 =	simm.s32 $0x0;
	s27 =	smul.u32 $0x81, s0  }
.LBB1_5:
0x5b: {  	s0 =	sadd.s32 s26, s28  }
0x5c: {  	s0 =	sshll.u32 s0, $0x10  }
0x5d: {  	s0 =	sshra.s32 s0, $0x2  }
0x5e: {  	s0 =	sadd.s32 s0, s24  }
0x5f: {  	v0 =	vmov s0;
	_ =	sdelay $0x2  }
0x60: {  	s22 =	smul.u32 $0x204, s28;
	s2 =	simm.s32 $0x0  }
0x61: {  	s30 =	sand.u32 $0x3F80, s2  }
0x62: {  	p0 =	sne.s32 s23, $0x1;
	s0 =	sshra.s32 s22, $0x2;
	v2 =	vld.idx.msk [tilespmem:v0+s30+$0x60 ss:$0x1], $0xffff  }
.Ltmp4:
0x63: {  	s0 =	sadd.s32 s0, s25;
	v1 =	vld.idx.msk [tilespmem:v0+s30+$0x0 ss:$0x1], $0xffff;
	(pc) =	sbr.rel @!p0 .LBB1_7-.Ltmp4, $4  }
0x64: {  	s7 =	simm.s32 $0x1;
	s8 =	simm.s32 $0x80;
	s10 =	sadd.s32 s27, s0;
	v3 =	vld.idx.msk [tilespmem:v0+s30+$0x10 ss:$0x1], $0xffff  }
0x65: {  	s3 =	sand.u32 $0x7F, s2;
	s9 =	sadd.s32 $0x810, s10;
	s1 =	sadd.s32 $0x1020, s10;
	v4 =	vld.idx.msk [tilespmem:v0+s30+$0x20 ss:$0x1], $0xffff  }
0x66: {  	s31 =	sadd.s32 $0x1830, s10;
	s0 =	sadd.s32 $0x2040, s10;
	s5 =	sadd.s32 $0x3060, s10;
	v6 =	vld.idx.msk [tilespmem:v0+s30+$0x30 ss:$0x1], $0xffff  }
0x67: {  	s29 =	sadd.s32 $0x2850, s10;
	s4 =	sadd.s32 s3, s10;
	s2 =	sadd.s32 s3, s5;
	v5 =	vld.idx.msk [tilespmem:v0+s30+$0x40 ss:$0x1], $0xffff  }
.LBB1_6:
0x68: {  	s6 =	sadd.s32 s3, s9  }
0x69: {  	v7 =	vld.idx.msk [tilespmem:v0+s30+$0x50 ss:$0x1], $0xffff;
	s30 =	sand.u32 $0x3F80, s8;
	[tilespmem:s2+$0x0 ss:$0x81] =	vst.msk $0xffff, v2;
	s2 =	smov.u32 s7;
	s7 =	sadd.s32 $0x1, s7  }
0x6a: {  	s19 =	sadd.s32 s3, s31;
	v2 =	vld.idx.msk [tilespmem:v0+s30+$0x60 ss:$0x1], $0xffff;
	p0 =	sne.s32 s23, s7;
	[tilespmem:s4+$0x0 ss:$0x81] =	vst.msk $0xffff, v1;
	s4 =	sadd.s32 s3, s1  }
.Ltmp5:
0x6b: {  	s22 =	sadd.s32 s3, s29;
	v1 =	vld.idx.msk [tilespmem:v0+s30+$0x0 ss:$0x1], $0xffff;
	[tilespmem:s6+$0x0 ss:$0x81] =	vst.msk $0xffff, v3;
	s6 =	sadd.s32 s3, s0;
	(pc) =	sbr.rel @p0 .LBB1_6-.Ltmp5, $4  }
0x6c: {  	v3 =	vld.idx.msk [tilespmem:v0+s30+$0x10 ss:$0x1], $0xffff;
	[tilespmem:s4+$0x0 ss:$0x81] =	vst.msk $0xffff, v4  }
0x6d: {  	v4 =	vld.idx.msk [tilespmem:v0+s30+$0x20 ss:$0x1], $0xffff;
	[tilespmem:s19+$0x0 ss:$0x81] =	vst.msk $0xffff, v6  }
0x6e: {  	s3 =	sand.u32 $0x7F, s2;
	v6 =	vld.idx.msk [tilespmem:v0+s30+$0x30 ss:$0x1], $0xffff;
	[tilespmem:s6+$0x0 ss:$0x81] =	vst.msk $0xffff, v5  }
0x6f: {  	s8 =	sadd.s32 $0x80, s8;
	s4 =	sadd.s32 s3, s10;
	s2 =	sadd.s32 s3, s5;
	v5 =	vld.idx.msk [tilespmem:v0+s30+$0x40 ss:$0x1], $0xffff;
	[tilespmem:s22+$0x0 ss:$0x81] =	vst.msk $0xffff, v7  }
.LBB1_7:
0x70: {  	_ =	sdelay $0x2  }
0x71: {  	[tilespmem:s2+$0x0 ss:$0x81] =	vst.msk $0xffff, v2;
	s28 =	sadd.s32 $0x1, s28  }
0x72: {  	s22 =	sadd.s32 s3, s9;
	v0 =	vld.idx.msk [tilespmem:v0+s30+$0x50 ss:$0x1], $0xffff;
	[tilespmem:s4+$0x0 ss:$0x81] =	vst.msk $0xffff, v1;
	p0 =	sne.s32 s28, s21  }
.Ltmp6:
0x73: {  	s1 =	sadd.s32 s3, s1;
	[tilespmem:s22+$0x0 ss:$0x81] =	vst.msk $0xffff, v3;
	(pc) =	sbr.rel @p0 .LBB1_5-.Ltmp6, $4  }
0x74: {  	s30 =	sadd.s32 s3, s31;
	[tilespmem:s1+$0x0 ss:$0x81] =	vst.msk $0xffff, v4  }
0x75: {  	s0 =	sadd.s32 s3, s0;
	[tilespmem:s30+$0x0 ss:$0x81] =	vst.msk $0xffff, v6  }
0x76: {  	s31 =	sadd.s32 s3, s29;
	[tilespmem:s0+$0x0 ss:$0x81] =	vst.msk $0xffff, v5  }
0x77: {  	[tilespmem:s31+$0x0 ss:$0x81] =	vst.msk $0xffff, v0  }
0x78: {  	s26 =	sadd.s32 $0x1, s26  }
0x79: {  	p0 =	sne.s32 s26, s20  }
.Ltmp7:
0x7a: {  	_ = 	snop;
	(pc) =	sbr.rel @p0 .LBB1_4-.Ltmp7, $4  }
.Ltmp8:
0x7b: {  	_ = 	snop;
	(pc) =	sbr.rel @!p0 .LBB1_9-.Ltmp8, $4  }
0x7c: {  	_ = 	snop  }
0x7d: {  	_ = 	snop  }
0x7e: {  	_ = 	snop  }
0x7f: {  	_ = 	snop  }
.LBB1_11:
0x80: {  	_ =	sfence.sel $0x180000  }
0x81: {  	s0 =	simm.s32 $0x1;
	[bflag:$0x0] =	sbarrier.arrive $0xFFFF  }
0x82: {  	s30 =	simm.s32 $0x2;
	[sflag:s0] =	ssyncpa.u1 $0x1  }
0x83: {  	[sflag:s30] =	ssyncpa.u1 $0x1  }
0x84: {  	_ =	strace $0x9000005C  }
0x85: {  	s31 =	stileid.u32;
	[bflag:$0x2] =	sbarrier.arrive $0xFFFF  }
0x86: {  	p0 =	sne.s32 s31, $0x0;
	s0 =	rddreg [dreg:$0x1]  }
0x87: {  	s0 =	sadd.s32 @!p0 $0x100000, s0  }
0x88: {  	[sflag:s0] =	ssyncadd.tile.s32 @!p0 $0x1;
	_ =	shalt  }
.Lfunc_end1:
_tile_overlayer_lowered:
.L_overlay_start_2:
0x89: {  	(tag) =	ssettag $0x2  }
0x8a: {  	s0 =	rddreg [dreg:$0x0];
	s2 =	stileid.u32  }
0x8b: {  	s1 =	rddreg [dreg:$0x1];
	p0 =	sne.s32 s2, $0x0  }
0x8c: {  	s3 =	rddreg [dreg:$0x2];
	[bflag:$0x3] =	sbarrier.arrive $0xFFFF;
	s2 =	simm.s32 @!p0 $0x1C01  }
0x8d: {  	[timem:s3], [sflag:s2] =	dma.local @!p0 [hbm:s0], s1  }
0x8e: {  	s0 =	simm.s32 @!p0 $0x1  }
0x8f: {  	_ =	swait.ge @!p0 [sflag:s0], s1  }
0x90: {  	s1 =	ssub.s32 @!p0 $0x0, s1;
	[sflag:s0] =	ssyncset.done @!p0 $0x0  }
0x91: {  	[sflag:s0] =	ssyncadd.s32 @!p0 s1  }
0x92: {  	[bflag:$0x3] =	sbarrier.arrive $0xFFFF  }
0x93: {  	_ =	shalt  }

// kernel: sparse-core-data-format-call.2.cloned.1.call-start
scs
called_computation.5_lowered:
.L_overlay_start_0:
0x0: {  	s1 =	sld [smem:$0x3FD9]  }
0x1: {  	s2 =	sld [smem:$0x3FFE];
	_ =	sdelay $0x1  }
0x2: {  	s3 =	srdreg.scid  }
0x3: {  	s0 =	sand.u32 $0x1, s3  }
0x4: {  	s17 =	sshll.u32 s0, $0xA;
	s1 =	sadd.s32 s2, s1  }
0x5: {  	s1 =	sadd.s32 s1, s17  }
0x6: {  	[smem:$0x3F9A] =	sst s1  }
0x7: {  	_ = 	snop  }
0x8: {  	(tm) =	ssettm $0x1  }
0x9: {  	s18 =	sld [smem:$0x3FFB];
	_ =	sdelay $0x3  }
0xa: {  	_ =	strace s18  }
0xb: {  	s1 =	sld [smem:$0x3FFC];
	_ =	sdelay $0x3  }
0xc: {  	_ =	strace s1  }
0xd: {  	s1 =	sld [smem:$0x3FFD];
	_ =	sdelay $0x3  }
0xe: {  	_ =	strace s1  }
0xf: {  	_ =	strace $0x8FFFFFFF  }
0x10: {  	s19 =	sld [smem:$0x3FDB];
	_ =	sdelay $0x1  }
0x11: {  	s20 =	simm.s32 $_scs_section_size  }
0x12: {  	s4 =	simm.s32 $_size__tile_overlayer_lowered;
	s5 =	simm.s32 $_tile_overlayer_lowered  }
0x13: {  	s23 =	simm.s32 $0x1BFF;
	s22 =	sshll.u32 s5, $0x1;
	s1 =	sadd.s32 s20, s19  }
0x14: {  	s6 =	simm.s32 $0x0;
	s21 =	sshll.u32 s4, $0x1;
	s4 =	sadd.s32 s22, s1  }
0x15: {  	[timem:s6], [sflag:s23] =	dma.local [hbm:s4], s21  }
0x16: {  	_ =	swait.ge [sflag:s23], s21  }
0x17: {  	s2 =	ssub.s32 $0x0, s21;
	[sflag:s23] =	ssyncset.done $0x0  }
0x18: {  	[sflag:s23] =	ssyncadd.s32 s2;
	_ =	sdelay $0x1  }
0x19: {  	s24 =	simm.s32 $0x1B8B  }
0x1a: {  	_ =	swait.ge [sflag:s24], $0x1  }
0x1b: {  	[sflag:s24] =	ssyncset.done $0x0  }
0x1c: {  	s26 =	simm.s32 $0x1B8E;
	s25 =	sld [smem:$0x3FFE];
	[sflag:s24] =	ssyncadd.s32 $0xFFFFFFFF  }
0x1d: {  	s27 =	simm.s32 $execute0_lowered;
	[smem:$0x3FD2] =	sst s26  }
0x1e: {  	s4 =	sshll.u32 s27, $0x1;
	_ =	strace $0x80000058;
	[dreg:$0x1] =	wrdreg $0xFFFFFFFF  }
0x1f: {  	s28 =	simm.s32 $_size_execute0_lowered;
	s1 =	sadd.s32 s1, s4;
	[dreg:$0x0] =	wrdreg $0x0  }
0x20: {  	s4 =	sshll.u32 s28, $0x1;
	[dreg:$0x2] =	wrdreg s1  }
0x21: {  	[dreg:$0x3] =	wrdreg s4  }
0x22: {  	[dreg:$0x4] =	wrdreg $0xC0  }
0x23: {  	_ =	task [dreg:s6], $0x5FFFF  }
0x24: {  	[dreg:$0x1] =	wrdreg $0xFFFFFFFF  }
0x25: {  	[dreg:$0x0] =	wrdreg $0x60  }
0x26: {  	[dreg:$0x2] =	wrdreg s25  }
0x27: {  	[dreg:$0x3] =	wrdreg $0x9  }
0x28: {  	_ =	task.clear_ibuf [dreg:s6], $0x4FFFF;
	_ =	strace $0x90000058  }
0x29: {  	s29 =	simm.s32 $0x9;
	_ =	strace $0x8000005A  }
0x2a: {  	_ =	swait.ge [sflag:s29], $0x1  }
0x2b: {  	[sflag:s29] =	ssyncadd.s32 $0xFFFFFFFF  }
0x2c: {  	_ =	strace $0x9000005A  }
0x2d: {  	_ =	sfence  }
0x2e: {  	s30 =	sld [smem:$0x0];
	_ =	sdelay $0x2  }
0x2f: {  	s31 =	sshll.u32 s3, $0xD;
	s3 =	sshrl.u32 s3, $0x2  }
0x30: {  	s2 =	sand.u32 $0x4000, s31;
	s1 =	sadd.s32 s3, s30  }
0x31: {  	s0 =	sor.u32 s2, s0;
	s1 =	sshll.u32 s1, $0x11  }
0x32: {  	s0 =	sor.u32 s1, s0  }
0x33: {  	s0 =	sadd.s32 $0x8F2B, s0  }
0x34: {  	[sflag:s0] =	ssyncadd.remote.s32 $0x1  }
0x35: {  	_ =	sfence.sel $0xFFFF  }
0x36: {  	[dreg:$0x0] =	wrdreg $0xFFFFFFFF;
	(pc) =	sbr.abs _section_cstart, $3  }
0x37: {  	[dreg:$0x1] =	wrdreg $0xFFFFFFFF  }
0x38: {  	_ =	task.clear_ibuf [dreg:s6], $0x2FFFF;
	_ =	strace $0x9FFFFFFF  }
0x39: {  	(tm) =	ssettm $0x7FFFFFFF  }
tec
execute0_lowered:
.L_overlay_start_1:
0x0: {  	(tag) =	ssettag $0x1  }
0x1: {  	s0 =	rddreg [dreg:$0x0];
	_ =	strace $0x80000059;
	s29 =	srdreg.scid  }
0x2: {  	s2 =	stileid.u32;
	s30 =	simm.s32 $0x1;
	s31 =	simm.s32 $0x2  }
0x3: {  	s18 =	simm.s32 $0x0;
	s21 =	simm.s32 $0x0;
	s20 =	simm.s32 $0x0  }
0x4: {  	s19 =	simm.s32 $0x0;
	s9 =	simm.s32 $0x0;
	s10 =	simm.s32 $0x0  }
0x5: {  	s12 =	simm.s32 $0x0;
	s14 =	simm.s32 $0x0;
	s13 =	simm.s32 $0x0  }
.Ltmp0:
0x6: {  	s1 =	sadd.s32 $0x1A6A00, s0;
	s0 =	sadd.s32 $0x2A00, s0;
	(pc) =	sbr.rel .LBB1_1-.Ltmp0, $4  }
0x7: {  	s16 =	simm.s32 $0x0;
	[dreg:$0x3] =	wrdreg s0;
	s0 =	sshll.u32 s29, $0x4  }
0x8: {  	s17 =	simm.s32 $0x0;
	s11 =	simm.s32 $0x0;
	s0 =	sand.u32 $0x10, s0  }
0x9: {  	[sflag:s30] =	ssyncpa.u1 $0x0;
	[dreg:$0x2] =	wrdreg s1;
	s8 =	sor.u32 s2, s0  }
0xa: {  	[sflag:s31] =	ssyncpa.u1 $0x0;
	s15 =	smov.u32 s8;
	[dreg:$0x4] =	wrdreg s8  }
.LBB1_18:
0xb: {  	s9 =	rddreg [dreg:$0x5]  }
0xc: {  	s14 =	rddreg [dreg:$0xa]  }
0xd: {  	s3 =	rddreg [dreg:$0x12]  }
0xe: {  	s4 =	rddreg [dreg:$0x14]  }
0xf: {  	s27 =	rddreg [dreg:$0x13]  }
0x10: {  	s12 =	rddreg [dreg:$0x8]  }
0x11: {  	s10 =	rddreg [dreg:$0x6]  }
0x12: {  	s6 =	rddreg [dreg:$0x3]  }
0x13: {  	s30 =	rddreg [dreg:$0x15]  }
0x14: {  	s8 =	rddreg [dreg:$0x4]  }
0x15: {  	s11 =	rddreg [dreg:$0x7]  }
0x16: {  	s13 =	rddreg [dreg:$0x9]  }
0x17: {  	s15 =	rddreg [dreg:$0xb]  }
0x18: {  	s16 =	rddreg [dreg:$0xc]  }
0x19: {  	s17 =	rddreg [dreg:$0xd]  }
0x1a: {  	s18 =	rddreg [dreg:$0xe]  }
0x1b: {  	s19 =	rddreg [dreg:$0xf]  }
0x1c: {  	s20 =	rddreg [dreg:$0x10];
	s0 =	sshll.u32 s9, $0x7;
	s1 =	sshll.u32 s14, $0x3  }
0x1d: {  	p0 =	sgt.s32 s14, $0x0;
	s2 =	sand.u32 $0xFFFFFC00, s0;
	s1 =	sand.u32 $0xFFFFFC00, s1  }
0x1e: {  	s28 =	smul.u32 $0xC00, s12;
	s0 =	sand.u32 $0x380, s0;
	s1 =	sadd.s32 s1, s2  }
0x1f: {  	s5 =	smul.u32 $0xB400, s10;
	s0 =	sor.u32 s0, s1;
	s1 =	smov.u32 s14  }
0x20: {  	s2 =	smov.u32 s9;
	s1 =	simm.s32 @!p0 $0x0;
	p0 =	sgt.s32 s9, $0x40  }
0x21: {  	s0 =	sshrl.u32 s0, $0x7;
	s1 =	sadd.s32 s1, s3;
	s2 =	simm.s32 @!p0 $0x40  }
0x22: {  	s2 =	sadd.s32 s4, s2;
	p0 =	sgt.s32 s1, $0x7F;
	s1 =	ssub.s32 $0x80, s1  }
0x23: {  	s26 =	smulhi.u32 $0x1555556, s0;
	s4 =	sadd.s32 $0xFFFFFFC0, s2;
	s1 =	simm.s32 @p0 $0x0  }
0x24: {  	s2 =	ssub.s32 $0xC0, s2;
	p0 =	sgt.s32 s4, $0x7F;
	s1 =	smul.u32 s1, s27  }
0x25: {  	s29 =	sshrl.u32 s14, $0x3;
	s3 =	smul.u32 $0xC0, s26;
	s2 =	simm.s32 @p0 $0x0  }
0x26: {  	s4 =	sadd.s32 s6, s28;
	s1 =	smul.u32 s2, s1;
	s2 =	sand.u32 $0xF, s29  }
0x27: {  	s21 =	rddreg [dreg:$0x11];
	s0 =	ssub.s32 s0, s3;
	s2 =	sadd.s32 s2, s4  }
0x28: {  	s31 =	sand.u32 $0x7, s14;
	s0 =	sshll.u32 s0, $0x4;
	s2 =	sadd.s32 s5, s2  }
0x29: {  	s3 =	sor.u32 $0x8000, s30;
	s1 =	sand.u32 $0x3FFFFFFF, s1;
	s0 =	sadd.s32 s0, s2  }
0x2a: {  	[hbm4b:s0+s31] =	stream.linear.scatter [tilespmem:s3], [sflag:$0x2], s1, $0x20;
	[tilespmem:$0x10100] =	vst v63  }
.LBB1_19:
0x2b: {  	p0 =	slt.u32 s11, $0x2  }
0x2c: {  	s0 =	smov.u32 s21;
	s5 =	smov.u32 s15;
	s11 =	sadd.s32 $0x1, s11  }
0x2d: {  	p1 =	sgt.s32 @!p0 s21, $0x1F;
	s1 =	sshra.s32 @!p0 s21, $0x1F;
	s2 =	sshra.s32 @!p0 s20, $0x1F  }
0x2e: {  	p2 =	sgt.s32 @!p0 s18, $0x40;
	s4 =	ssub.s32 @!p0 $0x0, s19;
	p1 =	por !p1, p0  }
0x2f: {  	s1 =	sand.u32 @!p0 s1, s21;
	s2 =	sand.u32 @!p0 s2, s20;
	p2 =	por !p2, p0  }
0x30: {  	s4 =	smin.u32 @!p0 s19, s4;
	s0 =	simm.s32 @p1 $0x1F;
	p1 =	sgt.s32 @!p0 s20, $0xE  }
0x31: {  	s0 =	ssub.s32 @!p0 s0, s1;
	p1 =	por !p1, p0;
	s1 =	smov.u32 s20  }
0x32: {  	s3 =	sadd.s32 @!p0 $0xFFFFFFE1, s0;
	s1 =	simm.s32 @p1 $0xE;
	s0 =	ssub.s32 @!p0 $0x20, s0  }
0x33: {  	p1 =	sgt.s32 @!p0 s3, $0x0;
	s1 =	ssub.s32 @!p0 s1, s2;
	s3 =	smov.u32 s18  }
0x34: {  	p1 =	por !p1, p0;
	s2 =	sadd.s32 @!p0 $0xFFFFFFF2, s1;
	s1 =	ssub.s32 @!p0 $0xF, s1  }
0x35: {  	s0 =	simm.s32 @!p1 $0x0;
	p1 =	sgt.s32 @!p0 s2, $0x0;
	s2 =	sshra.s32 @!p0 s18, $0x1F  }
0x36: {  	s3 =	simm.s32 @p2 $0x40;
	s2 =	sand.u32 @!p0 s2, s18;
	p1 =	por !p1, p0  }
0x37: {  	s1 =	simm.s32 @!p1 $0x0;
	s2 =	ssub.s32 @!p0 s3, s2;
	p1 =	sgt.s32 @!p0 s4, $0x7F  }
0x38: {  	s4 =	ssub.s32 @!p0 $0x80, s4;
	s3 =	sadd.s32 @!p0 $0xFFFFFFC0, s2;
	p1 =	por !p1, p0  }
0x39: {  	p2 =	sgt.s32 @!p0 s3, $0x7F;
	s4 =	simm.s32 @!p1 $0x0;
	s3 =	sadd.s32 $0x80, s13  }
0x3a: {  	s1 =	smul.u32 @!p0 s4, s1;
	p1 =	sgt.s32 s3, $0xBF;
	s4 =	sadd.s32 $0x20, s15  }
0x3b: {  	s2 =	ssub.s32 @!p0 $0xC0, s2;
	p2 =	por !p2, p0;
	s5 =	smov.u32 @p1 s4  }
0x3c: {  	s0 =	smul.u32 @!p0 s0, s1;
	p3 =	sgt.s32 s5, $0x1F;
	s1 =	simm.s32 $0x1  }
0x3d: {  	s21 =	smov.u32 s10;
	s2 =	simm.s32 @!p2 $0x0;
	s1 =	simm.s32 @!p3 $0x0  }
0x3e: {  	s3 =	simm.s32 @p1 $0x0;
	s4 =	smov.u32 s17;
	s1 =	sadd.s32 s1, s16  }
0x3f: {  	s0 =	smul.u32 @!p0 s2, s0;
	s2 =	sadd.s32 $0x80, s17;
	p1 =	sgt.s32 s1, $0xE  }
0x40: {  	s19 =	smov.u32 s14;
	s10 =	smov.u32 s15;
	s4 =	smov.u32 @p1 s2  }
0x41: {  	s14 =	smov.u32 s17;
	s1 =	simm.s32 @p1 $0x0;
	p1 =	sgt.s32 s4, $0x6F  }
0x42: {  	s20 =	smov.u32 s12;
	s4 =	simm.s32 @p1 $0x0;
	p1 =	sne.s32 s11, $0x20  }
.Ltmp1:
0x43: {  	s12 =	smov.u32 s16;
	s18 =	smov.u32 s9;
	(pc) =	sbr.rel @!p1 .LBB1_20-.Ltmp1, $4  }
0x44: {  	s9 =	smov.u32 s13;
	s0 =	sand.u32 @!p0 $0x3FFFFFFF, s0;
	s2 =	simm.s32 @!p0 $0x2  }
0x45: {  	s13 =	smov.u32 s3;
	s5 =	smov.u32 @p3 s8;
	_ =	swait.ge @!p0 [sflag:s2], s0  }
0x46: {  	s15 =	smov.u32 s5;
	s0 =	ssub.s32 @!p0 $0x0, s0;
	[sflag:s2] =	ssyncset.done @!p0 $0x0  }
0x47: {  	s16 =	smov.u32 s1;
	[sflag:s2] =	ssyncadd.s32 @!p0 s0;
	s17 =	smov.u32 s4  }
.LBB1_1:
0x48: {  	p0 =	sgt.u32 s11, $0x1D  }
.Ltmp2:
0x49: {  	_ = 	snop;
	(pc) =	sbr.rel @p0 .LBB1_3-.Ltmp2, $1  }
0x4a: {  	_ =	sdelay $0x3  }
0x4b: {  	s0 =	sshll.u32 s15, $0x8;
	s1 =	sshll.u32 s13, $0x3;
	s29 =	sshll.u32 s15, $0x7  }
0x4c: {  	p0 =	sgt.s32 s17, $0xFFFFFFF0;
	s3 =	smov.u32 s17;
	s4 =	sshra.s32 s17, $0x1F  }
0x4d: {  	s31 =	sshra.s32 s16, $0x1F;
	s6 =	sshra.s32 s15, $0x1F;
	s22 =	sshra.s32 s13, $0x1F  }
0x4e: {  	s23 =	sxor.u32 $0xFFFFFFFF, s11;
	s25 =	smul.u32 $0x3C00, s17;
	s26 =	sshll.u32 s16, $0xA  }
0x4f: {  	s27 =	rddreg [dreg:$0x2];
	s28 =	sand.u32 $0x7, s13;
	s0 =	sand.u32 $0x1800, s0  }
0x50: {  	s1 =	sand.u32 $0x1C00, s1;
	s2 =	sand.u32 $0x300, s29;
	s3 =	simm.s32 @!p0 $0xFFFFFFF0  }
0x51: {  	s30 =	sand.u32 s4, s17;
	p0 =	sgt.s32 s16, $0xE;
	s4 =	sand.u32 s31, s16  }
0x52: {  	s6 =	sand.u32 s6, s15;
	s31 =	simm.s32 $0x1E000;
	s0 =	sadd.s32 s0, s1  }
0x53: {  	s1 =	sand.u32 $0x80, s29;
	s29 =	sshll.u32 s28, $0x12;
	s0 =	sor.u32 s2, s0  }
0x54: {  	s2 =	ssub.s32 s3, s30;
	s3 =	smov.u32 s16;
	s30 =	sor.u32 $0x80, s29  }
0x55: {  	s5 =	sadd.s32 $0x10, s2;
	s3 =	simm.s32 @!p0 $0xE;
	p0 =	sgt.s32 s15, $0x1F  }
0x56: {  	s2 =	ssub.s32 $0x70, s2;
	s3 =	ssub.s32 s3, s4;
	s4 =	smov.u32 s15  }
0x57: {  	s0 =	sshrl.u32 s0, $0x3;
	s7 =	sadd.s32 $0xFFFFFFF2, s3;
	s4 =	simm.s32 @!p0 $0x1F  }
0x58: {  	p0 =	sgt.s32 s5, $0x7F;
	s3 =	ssub.s32 $0xF, s3;
	p1 =	sgt.s32 s7, $0x0  }
0x59: {  	s4 =	ssub.s32 s4, s6;
	s2 =	simm.s32 @p0 $0x0;
	s3 =	simm.s32 @p1 $0x0  }
0x5a: {  	p1 =	sgt.s32 s13, $0x80;
	s2 =	smul.u32 s2, s3;
	s3 =	smov.u32 s13  }
0x5b: {  	s5 =	sand.u32 s22, s13;
	s7 =	sadd.s32 $0xFFFFFFE1, s4;
	s3 =	simm.s32 @!p1 $0x80  }
0x5c: {  	s4 =	ssub.s32 $0x20, s4;
	p0 =	sgt.s32 s7, $0x0;
	s3 =	ssub.s32 s3, s5  }
0x5d: {  	s6 =	sand.u32 $0x78, s13;
	s4 =	simm.s32 @p0 $0x0;
	s24 =	sadd.s32 $0xFFFFFF80, s3  }
0x5e: {  	s2 =	smul.u32 s4, s2;
	s3 =	ssub.s32 $0x100, s3;
	p0 =	sgt.s32 s24, $0x7F  }
0x5f: {  	s1 =	sor.u32 s6, s1;
	s4 =	sadd.s32 s27, s25;
	s3 =	simm.s32 @p0 $0x0  }
0x60: {  	s1 =	sshrl.u32 s1, $0x3;
	s2 =	smul.u32 s3, s2;
	s3 =	sadd.s32 s26, s4  }
0x61: {  	s0 =	sand.u32 $0x3E0, s0;
	s5 =	sshll.u32 s23, $0xE;
	s1 =	sadd.s32 s1, s3  }
0x62: {  	s5 =	sand.u32 $0x4000, s5;
	s2 =	sand.u32 $0x3FFFFFFF, s2;
	s0 =	sadd.s32 s0, s1  }
0x63: {  	[tilespmem:s5], [sflag:$0x1] =	stream.strided.gather [hbm4b:s0+s30], s2, s31, s30, $0x38;
	[tilespmem:$0x10100] =	vst v63  }
.LBB1_3:
0x64: {  	p0 =	seq.s32 s11, $0x0  }
0x65: {  	p1 =	seq.s32 @!p0 s11, $0x1F  }
0x66: {  	p0 =	por p0, p1  }
.Ltmp3:
0x67: {  	_ = 	snop;
	(pc) =	sbr.rel @p0 .LBB1_19-.Ltmp3, $1  }
0x68: {  	_ =	sdelay $0x3  }
0x69: {  	[dreg:$0x11] =	wrdreg s21  }
0x6a: {  	[dreg:$0x10] =	wrdreg s20  }
0x6b: {  	[dreg:$0xf] =	wrdreg s19  }
0x6c: {  	[dreg:$0xe] =	wrdreg s18  }
0x6d: {  	[dreg:$0xd] =	wrdreg s17  }
0x6e: {  	[dreg:$0xc] =	wrdreg s16  }
0x6f: {  	[dreg:$0xb] =	wrdreg s15  }
0x70: {  	[dreg:$0x9] =	wrdreg s13  }
0x71: {  	s0 =	ssub.s32 $0x0, s14;
	s1 =	sshra.s32 s14, $0x1F;
	p0 =	sgt.s32 s14, $0xFFFFFFF0  }
0x72: {  	s2 =	smov.u32 s14;
	s24 =	sshra.s32 s12, $0x1F;
	s4 =	sshra.s32 s10, $0x1F  }
0x73: {  	p2 =	sgt.s32 s9, $0x80;
	s26 =	ssub.s32 $0x0, s9;
	[dreg:$0x5] =	wrdreg s9  }
0x74: {  	s6 =	sshra.s32 s9, $0x1F;
	[dreg:$0xa] =	wrdreg s14;
	s0 =	sand.u32 s0, s1  }
0x75: {  	s2 =	simm.s32 @!p0 $0xFFFFFFF0;
	p0 =	sgt.s32 s12, $0xE;
	s1 =	smov.u32 s12  }
0x76: {  	s4 =	sand.u32 s4, s10;
	s27 =	sand.u32 s26, s6;
	[dreg:$0x12] =	wrdreg s0  }
0x77: {  	s0 =	sadd.s32 s0, s2;
	s1 =	simm.s32 @!p0 $0xE;
	s2 =	sand.u32 s24, s12  }
0x78: {  	p0 =	sgt.s32 s10, $0x1F;
	s1 =	ssub.s32 s1, s2;
	s2 =	smov.u32 s10  }
0x79: {  	s3 =	sadd.s32 $0x10, s0;
	s5 =	sadd.s32 $0xFFFFFFF2, s1;
	s2 =	simm.s32 @!p0 $0x1F  }
0x7a: {  	p0 =	sgt.s32 s3, $0x7F;
	s1 =	ssub.s32 $0xF, s1;
	s2 =	ssub.s32 s2, s4  }
0x7b: {  	p1 =	sgt.s32 s5, $0x0;
	s4 =	smov.u32 s9;
	s25 =	sadd.s32 $0xFFFFFFE1, s2  }
0x7c: {  	s4 =	simm.s32 @!p2 $0x80;
	s2 =	ssub.s32 $0x20, s2;
	p2 =	sgt.s32 s25, $0x0  }
0x7d: {  	s1 =	simm.s32 @p1 $0x0;
	s3 =	sadd.s32 s27, s4;
	s2 =	simm.s32 @p2 $0x0  }
0x7e: {  	s0 =	ssub.s32 $0x70, s0;
	s4 =	sadd.s32 $0xFFFFFF80, s3;
	s2 =	smul.u32 s1, s2  }
0x7f: {  	s0 =	simm.s32 @p0 $0x0;
	p0 =	sgt.s32 s4, $0x7F;
	s1 =	ssub.s32 $0x100, s3  }
0x80: {  	[dreg:$0x13] =	wrdreg s2;
	s0 =	smul.u32 s0, s2;
	s2 =	sadd.s32 $0x80, s14  }
0x81: {  	s3 =	sadd.s32 $0x1, s12;
	s1 =	simm.s32 @p0 $0x0;
	p0 =	slt.s32 s2, $0x70  }
0x82: {  	s0 =	smul.u32 s1, s0;
	s2 =	simm.s32 @!p0 $0x70;
	p0 =	slt.s32 s3, $0xF  }
0x83: {  	s1 =	sadd.s32 $0x1, s10;
	s2 =	ssub.s32 s2, s14;
	s3 =	simm.s32 @!p0 $0xF  }
0x84: {  	p1 =	slt.s32 s1, $0x20;
	s3 =	ssub.s32 s3, s12;
	p0 =	slt.s32 s2, $0x1  }
0x85: {  	[dreg:$0x8] =	wrdreg s12;
	s1 =	simm.s32 @!p1 $0x20;
	p1 =	slt.s32 @!p0 s3, $0x1  }
0x86: {  	[dreg:$0x6] =	wrdreg s10;
	s26 =	ssub.s32 s1, s10;
	p1 =	por p0, p1  }
0x87: {  	[dreg:$0x7] =	wrdreg s11;
	p2 =	slt.s32 @!p1 s26, $0x1  }
0x88: {  	[dreg:$0x14] =	wrdreg s27;
	p1 =	por p1, p2  }
.Ltmp4:
0x89: {  	s29 =	simm.s32 $0x1;
	[dreg:$0x16] =	wrdreg s2;
	(pc) =	sbr.rel @p1 .LBB1_18-.Ltmp4, $4  }
0x8a: {  	s28 =	sand.u32 $0x3FFFFFFF, s0;
	s0 =	sand.u32 $0x1, s11;
	[dreg:$0x17] =	wrdreg s3  }
0x8b: {  	s31 =	smul.u32 $0x4080, s0;
	_ =	swait.ge [sflag:s29], s28  }
0x8c: {  	s30 =	ssub.s32 $0x0, s28;
	[sflag:s29] =	ssyncset.done $0x0  }
0x8d: {  	[dreg:$0x15] =	wrdreg s31;
	[sflag:s29] =	ssyncadd.s32 s30  }
0x8e: {  	s2 =	rddreg [dreg:$0x5]  }
0x8f: {  	s1 =	sadd.s32 $0x80, s2  }
0x90: {  	p1 =	slt.s32 s1, $0xC0  }
.Ltmp5:
0x91: {  	s1 =	simm.s32 @!p1 $0xC0;
	(pc) =	sbr.rel .LBB1_6-.Ltmp5, $4  }
0x92: {  	s1 =	ssub.s32 s1, s2  }
0x93: {  	s29 =	sshll.u32 @!p0 s0, $0xE;
	s0 =	rddreg [dreg:$0x15];
	s1 =	sadd.s32 $0xF, s1  }
0x94: {  	s31 =	simm.s32 $0x0;
	s27 =	sand.u32 $0xFFFFFFF0, s1;
	s28 =	sand.u32 @!p0 $0xFFFFFF00, s1  }
0x95: {  	s30 =	sor.u32 @!p0 $0x8000, s0;
	p0 =	slt.s32 s1, $0x100;
	p1 =	sge.s32 s28, s27  }
.LBB1_17:
0x96: {  	s31 =	sadd.s32 $0x1, s31;
	s0 =	rddreg [dreg:$0x16]  }
0x97: {  	p2 =	sne.s32 s31, s0  }
.Ltmp6:
0x98: {  	_ = 	snop;
	(pc) =	sbr.rel @!p2 .LBB1_18-.Ltmp6, $1  }
0x99: {  	_ =	sdelay $0x3  }
.LBB1_6:
0x9a: {  	s0 =	sshrl.u32 s31, $0x4;
	s1 =	sshll.u32 s31, $0x3;
	s17 =	simm.s32 $0x0  }
0x9b: {  	s2 =	sand.u32 $0x78, s0;
	s3 =	sadd.s32 $0x800, s1;
	s5 =	sadd.s32 $0x1000, s1  }
0x9c: {  	s6 =	sadd.s32 $0x1800, s1;
	s20 =	sadd.s32 $0x2800, s1;
	s22 =	sadd.s32 $0x3000, s1  }
0x9d: {  	s4 =	smul.u32 $0x204, s2;
	s3 =	sshrl.u32 s3, $0x7;
	s2 =	sxor.u32 $0x40, s2  }
0x9e: {  	s5 =	sshrl.u32 s5, $0x7;
	s3 =	sand.u32 $0x78, s3;
	s8 =	smul.u32 $0x204, s2  }
0x9f: {  	s6 =	sshrl.u32 s6, $0x7;
	s5 =	sand.u32 $0x78, s5;
	s3 =	smul.u32 $0x204, s3  }
0xa0: {  	s21 =	sshrl.u32 s20, $0x7;
	s6 =	sand.u32 $0x78, s6;
	s5 =	smul.u32 $0x204, s5  }
0xa1: {  	s1 =	sadd.s32 $0x3800, s1;
	s2 =	sand.u32 $0x78, s21;
	s7 =	smul.u32 $0x204, s6  }
0xa2: {  	s24 =	sshrl.u32 s1, $0x7;
	s1 =	sand.u32 $0x7F, s31;
	s9 =	smul.u32 $0x204, s2  }
.Ltmp7:
0xa3: {  	s25 =	sand.u32 $0x78, s24;
	s6 =	sshrl.u32 s22, $0x7;
	(pc) =	sbr.rel .LBB1_7-.Ltmp7, $4  }
0xa4: {  	s11 =	smul.u32 $0x204, s25;
	s2 =	sshrl.u32 s4, $0x2;
	s23 =	sand.u32 $0x78, s6  }
0xa5: {  	s6 =	sadd.s32 s1, s30;
	s20 =	sshrl.u32 s8, $0x2;
	s10 =	smul.u32 $0x204, s23  }
0xa6: {  	s3 =	sshrl.u32 s3, $0x2;
	s4 =	sshrl.u32 s5, $0x2;
	s5 =	sshrl.u32 s7, $0x2  }
0xa7: {  	s23 =	sshrl.u32 s9, $0x2;
	s22 =	sshrl.u32 s11, $0x2;
	s21 =	sshrl.u32 s10, $0x2  }
.LBB1_16:
0xa8: {  	s17 =	sadd.s32 $0x1, s17;
	s7 =	rddreg [dreg:$0x17]  }
0xa9: {  	p2 =	sne.s32 s17, s7  }
.Ltmp8:
0xaa: {  	_ = 	snop;
	(pc) =	sbr.rel @!p2 .LBB1_17-.Ltmp8, $1  }
0xab: {  	_ =	sdelay $0x3  }
.LBB1_7:
.Ltmp9:
0xac: {  	(pc) =	sbr.rel .LBB1_8-.Ltmp9, $4  }
0xad: {  	s16 =	sadd.s32 s31, s17  }
0xae: {  	s7 =	sshll.u32 s16, $0x9  }
0xaf: {  	s7 =	sshra.s32 s7, $0x2  }
0xb0: {  	s10 =	simm.s32 $0x0;
	s8 =	sadd.s32 s7, s29  }
.LBB1_15:
0xb1: {  	s10 =	sadd.s32 $0x1, s10  }
0xb2: {  	p2 =	sne.s32 s10, s26  }
.Ltmp10:
0xb3: {  	_ = 	snop;
	(pc) =	sbr.rel @!p2 .LBB1_16-.Ltmp10, $1  }
0xb4: {  	_ =	sdelay $0x3  }
.LBB1_8:
.Ltmp11:
0xb5: {  	(pc) =	sbr.rel @p0 .LBB1_12-.Ltmp11, $2  }
0xb6: {  	_ =	sdelay $0x2  }
0xb7: {  	s14 =	sadd.s32 s17, s10  }
0xb8: {  	s7 =	smul.u32 $0x10200, s14  }
0xb9: {  	s9 =	sshll.u32 s10, $0x7  }
0xba: {  	s18 =	sand.u32 $0x380, s9;
	s7 =	sshra.s32 s7, $0x2  }
0xbb: {  	s18 =	sadd.s32 s18, s8;
	s12 =	sadd.s32 s7, s30  }
0xbc: {  	v0 =	vld [tilespmem:s18+$0x70];
	s19 =	sadd.s32 s2, s12;
	s11 =	sadd.s32 s3, s12  }
0xbd: {  	v3 =	vld [tilespmem:s18+$0x60];
	s24 =	sadd.s32 s4, s12;
	s25 =	sadd.s32 s5, s12;
	s15 =	sadd.s32 s20, s12  }
0xbe: {  	v1 =	vld [tilespmem:s18+$0x50];
	s9 =	sadd.s32 s23, s12;
	s7 =	sadd.s32 s1, s11;
	s13 =	sadd.s32 s1, s24  }
0xbf: {  	v2 =	vld [tilespmem:s18+$0x40];
	s11 =	sadd.s32 s1, s25;
	s24 =	sadd.s32 s21, s12;
	s25 =	sadd.s32 s22, s12  }
0xc0: {  	v4 =	vld [tilespmem:s18+$0x30];
	s12 =	sadd.s32 s1, s9;
	s9 =	sadd.s32 s1, s24;
	s24 =	sadd.s32 s1, s25  }
0xc1: {  	v5 =	vld [tilespmem:s18+$0x20];
	[tilespmem:s24+$0x0 ss:$0x81] =	vst.msk $0xffff, v0  }
0xc2: {  	v6 =	vld [tilespmem:s18+$0x10];
	[tilespmem:s9+$0x0 ss:$0x81] =	vst.msk $0xffff, v3  }
0xc3: {  	v7 =	vld [tilespmem:s18+$0x0];
	s15 =	sadd.s32 s1, s15;
	[tilespmem:s12+$0x0 ss:$0x81] =	vst.msk $0xffff, v1  }
0xc4: {  	[tilespmem:s15+$0x0 ss:$0x81] =	vst.msk $0xffff, v2  }
0xc5: {  	[tilespmem:s11+$0x0 ss:$0x81] =	vst.msk $0xffff, v4  }
0xc6: {  	p2 =	sgt.s32 s28, $0x100;
	[tilespmem:s13+$0x0 ss:$0x81] =	vst.msk $0xffff, v5  }
.Ltmp12:
0xc7: {  	s19 =	sadd.s32 s1, s19;
	[tilespmem:s7+$0x0 ss:$0x81] =	vst.msk $0xffff, v6;
	(pc) =	sbr.rel @!p2 .LBB1_11-.Ltmp12, $4  }
0xc8: {  	[tilespmem:s19+$0x0 ss:$0x81] =	vst.msk $0xffff, v7  }
0xc9: {  	[tilespmem:s19+$0x0 ss:$0x81] =	vst.msk $0xffff, v7  }
0xca: {  	[tilespmem:s7+$0x0 ss:$0x81] =	vst.msk $0xffff, v6  }
0xcb: {  	s25 =	simm.s32 $0x100;
	[tilespmem:s13+$0x0 ss:$0x81] =	vst.msk $0xffff, v5  }
.LBB1_10:
0xcc: {  	v5 =	vld [tilespmem:s18+$0x70];
	[tilespmem:s11+$0x0 ss:$0x81] =	vst.msk $0xffff, v4  }
0xcd: {  	v6 =	vld [tilespmem:s18+$0x60];
	[tilespmem:s15+$0x0 ss:$0x81] =	vst.msk $0xffff, v2  }
0xce: {  	[tilespmem:s12+$0x0 ss:$0x81] =	vst.msk $0xffff, v1;
	v1 =	vld [tilespmem:s18+$0x50]  }
0xcf: {  	v2 =	vld [tilespmem:s18+$0x40];
	[tilespmem:s9+$0x0 ss:$0x81] =	vst.msk $0xffff, v3  }
0xd0: {  	v4 =	vld [tilespmem:s18+$0x30];
	[tilespmem:s24+$0x0 ss:$0x81] =	vst.msk $0xffff, v0  }
0xd1: {  	v7 =	vld [tilespmem:s18+$0x20];
	[tilespmem:s24+$0x0 ss:$0x81] =	vst.msk $0xffff, v5;
	v0 =	vmov v5  }
0xd2: {  	v5 =	vld [tilespmem:s18+$0x10];
	[tilespmem:s9+$0x0 ss:$0x81] =	vst.msk $0xffff, v6;
	v3 =	vmov v6  }
0xd3: {  	s25 =	sadd.s32 $0x100, s25;
	v6 =	vld [tilespmem:s18+$0x0];
	[tilespmem:s12+$0x0 ss:$0x81] =	vst.msk $0xffff, v1  }
0xd4: {  	p2 =	slt.s32 s25, s28;
	[tilespmem:s15+$0x0 ss:$0x81] =	vst.msk $0xffff, v2  }
0xd5: {  	[tilespmem:s11+$0x0 ss:$0x81] =	vst.msk $0xffff, v4  }
0xd6: {  	[tilespmem:s13+$0x0 ss:$0x81] =	vst.msk $0xffff, v7  }
.Ltmp13:
0xd7: {  	[tilespmem:s7+$0x0 ss:$0x81] =	vst.msk $0xffff, v5;
	(pc) =	sbr.rel @p2 .LBB1_10-.Ltmp13, $4  }
0xd8: {  	[tilespmem:s19+$0x0 ss:$0x81] =	vst.msk $0xffff, v6  }
0xd9: {  	[tilespmem:s19+$0x0 ss:$0x81] =	vst.msk $0xffff, v6  }
0xda: {  	[tilespmem:s7+$0x0 ss:$0x81] =	vst.msk $0xffff, v5  }
0xdb: {  	[tilespmem:s13+$0x0 ss:$0x81] =	vst.msk $0xffff, v7  }
.LBB1_11:
0xdc: {  	[tilespmem:s11+$0x0 ss:$0x81] =	vst.msk $0xffff, v4  }
0xdd: {  	[tilespmem:s15+$0x0 ss:$0x81] =	vst.msk $0xffff, v2  }
0xde: {  	[tilespmem:s12+$0x0 ss:$0x81] =	vst.msk $0xffff, v1  }
0xdf: {  	[tilespmem:s9+$0x0 ss:$0x81] =	vst.msk $0xffff, v3  }
0xe0: {  	[tilespmem:s24+$0x0 ss:$0x81] =	vst.msk $0xffff, v0  }
.LBB1_12:
.Ltmp14:
0xe1: {  	(pc) =	sbr.rel @p1 .LBB1_15-.Ltmp14, $1  }
0xe2: {  	_ =	sdelay $0x3  }
0xe3: {  	s7 =	sand.u32 $0x7, s10  }
0xe4: {  	s7 =	sadd.s32 s7, s16  }
0xe5: {  	s7 =	sshll.u32 s7, $0x9  }
0xe6: {  	s7 =	sshra.s32 s7, $0x2  }
0xe7: {  	s9 =	smul.u32 $0x10200, s14;
	s11 =	sadd.s32 s7, s29  }
0xe8: {  	v0 =	vmov s11  }
0xe9: {  	s25 =	sshra.s32 s9, $0x2  }
0xea: {  	s9 =	smov.u32 s28;
	s7 =	sadd.s32 s25, s6  }
.LBB1_14:
0xeb: {  	s12 =	sadd.s32 s9, s0  }
0xec: {  	s11 =	sand.u32 $0x70, s9;
	s9 =	sadd.s32 $0x10, s9;
	s25 =	sand.u32 $0x78, s12  }
0xed: {  	v1 =	vld.idx.msk [tilespmem:v0+s11+$0x0 ss:$0x1], $0xffff;
	p2 =	slt.s32 s9, s27;
	s11 =	smul.u32 $0x204, s25  }
.Ltmp15:
0xee: {  	_ = 	snop;
	(pc) =	sbr.rel @p2 .LBB1_14-.Ltmp15, $4  }
0xef: {  	_ = 	snop  }
0xf0: {  	s11 =	sshrl.u32 s11, $0x2  }
0xf1: {  	s11 =	sadd.s32 s11, s7  }
0xf2: {  	[tilespmem:s11+$0x0 ss:$0x81] =	vst.msk $0xffff, v1  }
.Ltmp16:
0xf3: {  	_ = 	snop;
	(pc) =	sbr.rel .LBB1_15-.Ltmp16, $1  }
0xf4: {  	_ =	sdelay $0x3  }
.LBB1_20:
0xf5: {  	_ =	sfence.sel $0x180000  }
0xf6: {  	s0 =	simm.s32 $0x1;
	[bflag:$0x0] =	sbarrier.arrive $0xFFFF  }
0xf7: {  	s30 =	simm.s32 $0x2;
	[sflag:s0] =	ssyncpa.u1 $0x1  }
0xf8: {  	[sflag:s30] =	ssyncpa.u1 $0x1  }
0xf9: {  	_ =	strace $0x90000059  }
0xfa: {  	s31 =	stileid.u32;
	[bflag:$0x2] =	sbarrier.arrive $0xFFFF  }
0xfb: {  	p0 =	sne.s32 s31, $0x0;
	s0 =	rddreg [dreg:$0x1]  }
0xfc: {  	s0 =	sadd.s32 @!p0 $0x100000, s0  }
0xfd: {  	[sflag:s0] =	ssyncadd.tile.s32 @!p0 $0x1;
	_ =	shalt  }
.Lfunc_end1:
_tile_overlayer_lowered:
.L_overlay_start_2:
0xfe: {  	(tag) =	ssettag $0x2  }
0xff: {  	s0 =	rddreg [dreg:$0x0];
	s2 =	stileid.u32  }
0x100: {  	s1 =	rddreg [dreg:$0x1];
	p0 =	sne.s32 s2, $0x0  }
0x101: {  	s3 =	rddreg [dreg:$0x2];
	[bflag:$0x3] =	sbarrier.arrive $0xFFFF;
	s2 =	simm.s32 @!p0 $0x1C01  }
0x102: {  	[timem:s3], [sflag:s2] =	dma.local @!p0 [hbm:s0], s1  }
0x103: {  	s0 =	simm.s32 @!p0 $0x1  }
0x104: {  	_ =	swait.ge @!p0 [sflag:s0], s1  }
0x105: {  	s1 =	ssub.s32 @!p0 $0x0, s1;
	[sflag:s0] =	ssyncset.done @!p0 $0x0  }
0x106: {  	[sflag:s0] =	ssyncadd.s32 @!p0 s1  }
0x107: {  	[bflag:$0x3] =	sbarrier.arrive $0xFFFF  }
0x108: {  	_ =	shalt  }

// kernel: sparse-core-data-format-call.3.cloned.1.call-start
scs
called_computation.6_lowered:
.L_overlay_start_0:
0x0: {  	s1 =	sld [smem:$0x3FD9]  }
0x1: {  	s2 =	sld [smem:$0x3FFE];
	_ =	sdelay $0x1  }
0x2: {  	s3 =	srdreg.scid  }
0x3: {  	s0 =	sand.u32 $0x1, s3  }
0x4: {  	s17 =	sshll.u32 s0, $0xA;
	s1 =	sadd.s32 s2, s1  }
0x5: {  	s1 =	sadd.s32 s1, s17  }
0x6: {  	[smem:$0x3F9A] =	sst s1  }
0x7: {  	_ = 	snop  }
0x8: {  	(tm) =	ssettm $0x1  }
0x9: {  	s18 =	sld [smem:$0x3FFB];
	_ =	sdelay $0x3  }
0xa: {  	_ =	strace s18  }
0xb: {  	s1 =	sld [smem:$0x3FFC];
	_ =	sdelay $0x3  }
0xc: {  	_ =	strace s1  }
0xd: {  	s1 =	sld [smem:$0x3FFD];
	_ =	sdelay $0x3  }
0xe: {  	_ =	strace s1  }
0xf: {  	_ =	strace $0x8FFFFFFF  }
0x10: {  	s19 =	sld [smem:$0x3FDB];
	_ =	sdelay $0x1  }
0x11: {  	s20 =	simm.s32 $_scs_section_size  }
0x12: {  	s4 =	simm.s32 $_size__tile_overlayer_lowered;
	s5 =	simm.s32 $_tile_overlayer_lowered  }
0x13: {  	s23 =	simm.s32 $0x1BFF;
	s22 =	sshll.u32 s5, $0x1;
	s1 =	sadd.s32 s20, s19  }
0x14: {  	s6 =	simm.s32 $0x0;
	s21 =	sshll.u32 s4, $0x1;
	s4 =	sadd.s32 s22, s1  }
0x15: {  	[timem:s6], [sflag:s23] =	dma.local [hbm:s4], s21  }
0x16: {  	_ =	swait.ge [sflag:s23], s21  }
0x17: {  	s2 =	ssub.s32 $0x0, s21;
	[sflag:s23] =	ssyncset.done $0x0  }
0x18: {  	[sflag:s23] =	ssyncadd.s32 s2;
	_ =	sdelay $0x1  }
0x19: {  	s24 =	simm.s32 $0x1B8B  }
0x1a: {  	_ =	swait.ge [sflag:s24], $0x1  }
0x1b: {  	[sflag:s24] =	ssyncset.done $0x0  }
0x1c: {  	s26 =	simm.s32 $0x1B8E;
	s25 =	sld [smem:$0x3FFE];
	[sflag:s24] =	ssyncadd.s32 $0xFFFFFFFF  }
0x1d: {  	s27 =	simm.s32 $execute0_lowered;
	[smem:$0x3FD2] =	sst s26  }
0x1e: {  	s4 =	sshll.u32 s27, $0x1;
	_ =	strace $0x80000055;
	[dreg:$0x1] =	wrdreg $0xFFFFFFFF  }
0x1f: {  	s28 =	simm.s32 $_size_execute0_lowered;
	s1 =	sadd.s32 s1, s4;
	[dreg:$0x0] =	wrdreg $0x0  }
0x20: {  	s4 =	sshll.u32 s28, $0x1;
	[dreg:$0x2] =	wrdreg s1  }
0x21: {  	[dreg:$0x3] =	wrdreg s4  }
0x22: {  	[dreg:$0x4] =	wrdreg $0xC0  }
0x23: {  	_ =	task [dreg:s6], $0x5FFFF  }
0x24: {  	[dreg:$0x1] =	wrdreg $0xFFFFFFFF  }
0x25: {  	[dreg:$0x0] =	wrdreg $0x60  }
0x26: {  	[dreg:$0x2] =	wrdreg s25  }
0x27: {  	[dreg:$0x3] =	wrdreg $0x9  }
0x28: {  	_ =	task.clear_ibuf [dreg:s6], $0x4FFFF;
	_ =	strace $0x90000055  }
0x29: {  	s29 =	simm.s32 $0x9;
	_ =	strace $0x80000057  }
0x2a: {  	_ =	swait.ge [sflag:s29], $0x1  }
0x2b: {  	[sflag:s29] =	ssyncadd.s32 $0xFFFFFFFF  }
0x2c: {  	_ =	strace $0x90000057  }
0x2d: {  	_ =	sfence  }
0x2e: {  	s30 =	sld [smem:$0x0];
	_ =	sdelay $0x2  }
0x2f: {  	s31 =	sshll.u32 s3, $0xD;
	s3 =	sshrl.u32 s3, $0x2  }
0x30: {  	s2 =	sand.u32 $0x4000, s31;
	s1 =	sadd.s32 s3, s30  }
0x31: {  	s0 =	sor.u32 s2, s0;
	s1 =	sshll.u32 s1, $0x11  }
0x32: {  	s0 =	sor.u32 s1, s0  }
0x33: {  	s0 =	sadd.s32 $0x8F2B, s0  }
0x34: {  	[sflag:s0] =	ssyncadd.remote.s32 $0x1  }
0x35: {  	_ =	sfence.sel $0xFFFF  }
0x36: {  	[dreg:$0x0] =	wrdreg $0xFFFFFFFF;
	(pc) =	sbr.abs _section_cstart, $3  }
0x37: {  	[dreg:$0x1] =	wrdreg $0xFFFFFFFF  }
0x38: {  	_ =	task.clear_ibuf [dreg:s6], $0x2FFFF;
	_ =	strace $0x9FFFFFFF  }
0x39: {  	(tm) =	ssettm $0x7FFFFFFF  }
tec
execute0_lowered:
.L_overlay_start_1:
0x0: {  	(tag) =	ssettag $0x1  }
0x1: {  	s8 =	stileid.u32  }
0x2: {  	s2 =	srdreg.scid;
	s7 =	rddreg [dreg:$0x0]  }
0x3: {  	_ =	strace $0x80000056;
	s9 =	simm.s32 $0x2;
	s1 =	sshrl.u32 s8, $0x1  }
0x4: {  	s20 =	simm.s32 $0x0;
	s23 =	simm.s32 $0x0;
	s0 =	sand.u32 $0x6, s1  }
0x5: {  	s21 =	simm.s32 $0x0;
	s22 =	simm.s32 $0x0;
	s3 =	ssub.s32 $0x8, s0  }
0x6: {  	s11 =	simm.s32 $0x0;
	s2 =	sand.u32 $0x1, s2;
	s4 =	sand.u32 $0x6, s3  }
0x7: {  	s5 =	ssub.s32 $0x12, s2;
	p0 =	sne.s32 s4, $0x0;
	s4 =	simm.s32 $0x1  }
0x8: {  	s6 =	sshrl.u32 s5, $0x1;
	s3 =	sshrl.u32 s3, $0x3;
	s4 =	simm.s32 @!p0 $0x0  }
0x9: {  	s12 =	simm.s32 $0x0;
	s5 =	ssub.s32 s5, s6;
	s4 =	sadd.s32 s4, s3  }
0xa: {  	s17 =	simm.s32 $0x0;
	s15 =	simm.s32 $0x0;
	s6 =	smul.u32 s4, s5  }
.Ltmp0:
0xb: {  	s19 =	simm.s32 $0x0;
	s8 =	sand.u32 $0x3, s8;
	(pc) =	sbr.rel .LBB1_1-.Ltmp0, $4  }
0xc: {  	s16 =	smov.u32 s2;
	s18 =	smov.u32 s8;
	s1 =	smov.u32 s0  }
0xd: {  	p0 =	por $0x0, $0x0;
	s5 =	simm.s32 $0x1;
	s6 =	smul.u32 $0x9, s6  }
0xe: {  	s3 =	simm.s32 $0x0;
	s4 =	sadd.s32 $0x110A00, s7;
	[sflag:s5] =	ssyncpa.u1 $0x0  }
0xf: {  	s7 =	sadd.s32 $0x254A00, s7;
	[sflag:s9] =	ssyncpa.u1 $0x0;
	s9 =	sadd.s32 $0x1, s6  }
.LBB1_4:
0x10: {  	s27 =	sshrl.u32 s17, $0x3  }
0x11: {  	s28 =	sshll.u32 s11, $0x3;
	s29 =	sshll.u32 s17, $0x7;
	s14 =	sand.u32 $0x1, s17  }
0x12: {  	s10 =	sshll.u32 s11, $0x1;
	p1 =	sgt.s32 s12, $0x11;
	s30 =	smov.u32 s12  }
0x13: {  	s31 =	sshra.s32 s12, $0x1F;
	p2 =	sgt.s32 s3, $0x3;
	s27 =	smul.u32 $0xC00, s27  }
0x14: {  	s28 =	sand.u32 $0xFFFFFC00, s28;
	s30 =	simm.s32 @!p1 $0x11;
	s31 =	sand.u32 s31, s12  }
0x15: {  	s13 =	sand.u32 $0x300, s29;
	s29 =	ssub.s32 s30, s31;
	s27 =	sadd.s32 s27, s28  }
0x16: {  	s28 =	sand.u32 $0xFE, s10;
	s31 =	sadd.s32 $0xFFFFFFEF, s29;
	s10 =	sshra.s32 s17, $0x1F  }
0x17: {  	s29 =	ssub.s32 $0x12, s29;
	s27 =	sor.u32 s13, s27;
	p1 =	sgt.s32 s31, $0x0  }
0x18: {  	s13 =	sshra.s32 s3, $0x1F;
	s10 =	sand.u32 s10, s17;
	s28 =	sor.u32 s28, s27  }
0x19: {  	s29 =	smul.u32 $0x6F, s29;
	s27 =	sor.u32 s14, s28;
	s14 =	smov.u32 s3  }
0x1a: {  	s31 =	sand.u32 s13, s3;
	s13 =	smov.u32 s17;
	s14 =	simm.s32 @!p2 $0x3  }
0x1b: {  	s28 =	smulhi.u32 $0xAAAAAAAB, s28;
	p2 =	sgt.s32 s17, $0x6;
	s14 =	ssub.s32 s14, s31  }
0x1c: {  	s30 =	smulhi.u32 $0xAAAAAAAB, s27;
	s13 =	simm.s32 @!p2 $0x6;
	s31 =	sadd.s32 $0xFFFFFFFD, s14  }
0x1d: {  	s10 =	ssub.s32 s13, s10;
	s13 =	ssub.s32 $0x4, s14;
	s14 =	smov.u32 s11  }
0x1e: {  	s30 =	sshrl.u32 s30, $0x8;
	p2 =	sgt.s32 s31, $0x0;
	s31 =	sadd.s32 $0xFFFFFFFA, s10  }
0x1f: {  	s10 =	ssub.s32 $0x8, s10;
	s13 =	simm.s32 @p2 $0x0;
	p2 =	sgt.s32 s31, $0x1  }
0x20: {  	s31 =	sshra.s32 s11, $0x1F;
	s10 =	simm.s32 @p2 $0x0;
	p2 =	sgt.s32 s11, $0x160  }
0x21: {  	[tilespmem:s24+$0x630 ss:$0x21] =	vst.msk $0xffff, v13;
	v8 =	vpack.i.b32.b16 v9, v8;
	s31 =	sand.u32 s31, s11;
	s14 =	simm.s32 @!p2 $0x160;
	s10 =	smul.u32 s13, s10  }
0x22: {  	v51 =	vpack.i.b32.b16 v12, v10;
	[tilespmem:s24+$0x631 ss:$0x21] =	vst.msk $0xffff, v8;
	s13 =	smul.u32 $0x180, s30;
	s14 =	ssub.s32 s14, s31  }
0x23: {  	v52 =	vunpack.i.l.s16.s32 v4;
	v53 =	vunpack.i.l.s16.s32 v5;
	v7 =	vpack.i.b32.b16 v11, v7;
	[tilespmem:s24+$0x840 ss:$0x21] =	vst.msk $0xffff, v51;
	s29 =	simm.s32 @p1 $0x0;
	s30 =	smul.u32 $0xC0, s3;
	s31 =	sadd.s32 $0xFFFFFEA0, s14  }
0x24: {  	v57 =	vunpack.i.l.s16.s32 v6;
	v56 =	vpack.i.b32.b16 v53, v52;
	[tilespmem:s24+$0x841 ss:$0x21] =	vst.msk $0xffff, v7;
	s14 =	ssub.s32 $0x180, s14;
	s10 =	smul.u32 s29, s10;
	p1 =	sgt.s32 s31, $0x1F  }
0x25: {  	v54 =	vunpack.i.u.s16.s32 v4;
	v55 =	vunpack.i.u.s16.s32 v5;
	v1 =	vpack.i.b32.b16 v1, v57;
	[tilespmem:s24+$0xA50 ss:$0x21] =	vst.msk $0xffff, v56;
	s29 =	sshrl.u32 s28, $0x8;
	s31 =	smul.u32 $0x300, s12;
	s14 =	simm.s32 @p1 $0x0  }
0x26: {  	v58 =	vunpack.i.u.s16.s32 v6;
	v4 =	vpack.i.b32.b16 v55, v54;
	[tilespmem:s24+$0x0 ss:$0x21] =	vst.msk $0xffff, v1;
	s13 =	ssub.s32 s27, s13;
	s10 =	smul.u32 s14, s10;
	s14 =	sand.u32 $0x7, s29  }
0x27: {  	v59 =	vunpack.i.l.s16.s32 v2;
	v60 =	vunpack.i.l.s16.s32 v3;
	v0 =	vpack.i.b32.b16 v0, v58;
	[tilespmem:s24+$0xA51 ss:$0x21] =	vst.msk $0xffff, v4;
	s28 =	sadd.s32 s7, s30;
	s27 =	sshll.u32 s13, $0x11;
	s14 =	smul.u32 $0x18, s14  }
0x28: {  	v61 =	vunpack.i.u.s16.s32 v2;
	v62 =	vunpack.i.u.s16.s32 v3;
	v1 =	vpack.i.b32.b16 v60, v59;
	[tilespmem:s26+$0x1 ss:$0x21] =	vst.msk $0xffff, v0;
	s13 =	sshrl.u32 s13, $0x4;
	s24 =	sadd.s32 s31, s28;
	s29 =	sand.u32 $0x1C0000, s27  }
0x29: {  	v63 =	vpack.i.b32.b16 v62, v61;
	[tilespmem:s26+$0xC60 ss:$0x21] =	vst.msk $0xffff, v1;
	s31 =	simm.s32 $0x1B000;
	s10 =	sshrl.u32 s10, $0x1;
	s14 =	sadd.s32 s14, s24  }
0x2a: {  	[tilespmem:s26+$0xC61 ss:$0x21] =	vst.msk $0xffff, v63;
	s30 =	sor.u32 $0x20, s29;
	s10 =	sand.u32 $0x3FFFFFFF, s10;
	s13 =	sadd.s32 s13, s14  }
0x2b: {  	[hbm4b:s13+s30] =	stream.strided.scatter [tilespmem:s25], [sflag:$0x2], s10, s31, s30, $0x10;
	[tilespmem:$0x4100] =	vst v63  }
.LBB1_5:
0x2c: {  	p1 =	slt.u32 s19, $0x2  }
0x2d: {  	s10 =	smov.u32 s23;
	s14 =	smov.u32 s22;
	s24 =	smov.u32 s16  }
0x2e: {  	s25 =	smov.u32 s1;
	s26 =	smov.u32 s18;
	p2 =	sgt.s32 @!p1 s23, $0x11  }
0x2f: {  	s13 =	sshra.s32 @!p1 s23, $0x1F;
	p3 =	sgt.s32 @!p1 s21, $0x6;
	p2 =	por !p2, p1  }
0x30: {  	s13 =	sand.u32 @!p1 s13, s23;
	s10 =	simm.s32 @p2 $0x11;
	p2 =	sgt.s32 @!p1 s22, $0x3  }
0x31: {  	s23 =	sshra.s32 @!p1 s22, $0x1F;
	p3 =	por !p3, p1;
	p2 =	por !p2, p1  }
0x32: {  	s10 =	ssub.s32 @!p1 s10, s13;
	s13 =	sand.u32 @!p1 s23, s22;
	s14 =	simm.s32 @p2 $0x3  }
0x33: {  	s22 =	sadd.s32 @!p1 $0xFFFFFFEF, s10;
	s10 =	ssub.s32 @!p1 $0x12, s10;
	s13 =	ssub.s32 @!p1 s14, s13  }
0x34: {  	p2 =	sgt.s32 @!p1 s22, $0x0;
	s22 =	smov.u32 s21;
	s14 =	sadd.s32 @!p1 $0xFFFFFFFD, s13  }
0x35: {  	s22 =	simm.s32 @p3 $0x6;
	p3 =	sgt.s32 @!p1 s14, $0x0;
	s14 =	sshra.s32 @!p1 s21, $0x1F  }
0x36: {  	s13 =	ssub.s32 @!p1 $0x4, s13;
	p3 =	por !p3, p1;
	s14 =	sand.u32 @!p1 s14, s21  }
0x37: {  	s13 =	simm.s32 @!p3 $0x0;
	s14 =	ssub.s32 @!p1 s22, s14;
	p3 =	sgt.s32 @!p1 s20, $0x160  }
0x38: {  	s22 =	smov.u32 s20;
	s21 =	sadd.s32 @!p1 $0xFFFFFFFA, s14;
	p3 =	por !p3, p1  }
0x39: {  	s22 =	simm.s32 @p3 $0x160;
	p3 =	sgt.s32 @!p1 s21, $0x1;
	s21 =	sshra.s32 @!p1 s20, $0x1F  }
0x3a: {  	s14 =	ssub.s32 @!p1 $0x8, s14;
	p3 =	por !p3, p1;
	s20 =	sand.u32 @!p1 s21, s20  }
0x3b: {  	s10 =	smul.u32 @!p1 $0x6F, s10;
	s14 =	simm.s32 @!p3 $0x0;
	s20 =	ssub.s32 @!p1 s22, s20  }
0x3c: {  	p2 =	por !p2, p1;
	s21 =	sadd.s32 @!p1 $0xFFFFFEA0, s20;
	s13 =	smul.u32 @!p1 s13, s14  }
0x3d: {  	s10 =	simm.s32 @!p2 $0x0;
	s14 =	ssub.s32 @!p1 $0x180, s20;
	p2 =	sgt.s32 @!p1 s21, $0x1F  }
0x3e: {  	p2 =	por !p2, p1;
	s10 =	smul.u32 @!p1 s10, s13;
	s13 =	sadd.s32 $0x20, s15  }
0x3f: {  	s20 =	sadd.s32 $0x2, s16;
	s14 =	simm.s32 @!p2 $0x0;
	p2 =	sgt.s32 s13, $0x11F  }
0x40: {  	p0 =	por !p0, !p0;
	s23 =	smov.u32 s12;
	s24 =	smov.u32 @p2 s20  }
0x41: {  	s10 =	smul.u32 @!p1 s14, s10;
	s14 =	sadd.s32 $0x8, s1;
	p3 =	sgt.s32 s24, $0x11  }
0x42: {  	s12 =	smov.u32 s16;
	s22 =	smov.u32 s3;
	s25 =	smov.u32 @p3 s14  }
0x43: {  	s13 =	simm.s32 @p2 $0x0;
	s14 =	sadd.s32 $0x4, s18;
	p2 =	sgt.s32 s25, $0x7  }
0x44: {  	s3 =	smov.u32 s18;
	s21 =	smov.u32 s17;
	s26 =	smov.u32 @p2 s14  }
0x45: {  	s17 =	smov.u32 s1;
	s25 =	smov.u32 @p2 s0;
	p2 =	sgt.s32 s26, $0x3  }
0x46: {  	s20 =	smov.u32 s11;
	s26 =	smov.u32 @p2 s8;
	p2 =	sne.s32 s19, s9  }
.Ltmp1:
0x47: {  	s11 =	smov.u32 s15;
	s10 =	sshrl.u32 @!p1 s10, $0x1;
	(pc) =	sbr.rel @!p2 .LBB1_6-.Ltmp1, $4  }
0x48: {  	s24 =	smov.u32 @p3 s2;
	s10 =	sand.u32 @!p1 $0x3FFFFFFF, s10;
	s14 =	simm.s32 @!p1 $0x2  }
0x49: {  	s15 =	smov.u32 s13;
	s16 =	smov.u32 s24;
	_ =	swait.ge @!p1 [sflag:s14], s10  }
0x4a: {  	s10 =	ssub.s32 @!p1 $0x0, s10;
	s1 =	smov.u32 s25;
	[sflag:s14] =	ssyncset.done @!p1 $0x0  }
0x4b: {  	s19 =	sadd.s32 $0x1, s19;
	[sflag:s14] =	ssyncadd.s32 @!p1 s10;
	s18 =	smov.u32 s26  }
.LBB1_1:
0x4c: {  	p1 =	sge.u32 s19, s6  }
0x4d: {  	s24 =	sand.u32 @!p1 $0x1FFFFFE, s15;
	s26 =	smul.u32 @!p1 $0x51000, s18  }
0x4e: {  	s25 =	smulhi.u32 @!p1 $0xE38E39, s24  }
0x4f: {  	s27 =	smul.u32 @!p1 $0xA200, s1  }
0x50: {  	s25 =	smul.u32 @!p1 $0x120, s25  }
0x51: {  	s28 =	smul.u32 @!p1 $0x900, s16;
	s26 =	sadd.s32 @!p1 s4, s26  }
0x52: {  	s24 =	ssub.s32 @!p1 s24, s25;
	s25 =	sadd.s32 @!p1 s27, s26  }
0x53: {  	s26 =	sxor.u32 @!p1 $0xFFFFFFFF, s19;
	s24 =	sshll.u32 @!p1 s24, $0x3;
	s25 =	sadd.s32 @!p1 s28, s25  }
0x54: {  	s31 =	sadd.s32 $0xFFFFFFFF, s19;
	s24 =	sadd.s32 @!p1 s24, s25;
	s25 =	sshll.u32 @!p1 s26, $0xC  }
0x55: {  	s27 =	simm.s32 @!p1 $0x51000;
	s26 =	simm.s32 @!p1 $0x800;
	s25 =	sand.u32 @!p1 $0x1000, s25  }
0x56: {  	[tilespmem:s25], [sflag:$0x1] =	stream.strided.gather @!p1 [hbm4b:s24+s26], $0x1000, s27, s26, $0x38;
	[tilespmem:$0x4100] =	vst v63  }
0x57: {  	p1 =	sge.u32 s31, s6  }
.Ltmp2:
0x58: {  	_ = 	snop;
	(pc) =	sbr.rel @p1 .LBB1_5-.Ltmp2, $1  }
0x59: {  	_ =	sdelay $0x3  }
0x5a: {  	s24 =	simm.s32 $0x1  }
0x5b: {  	_ =	swait.ge [sflag:s5], $0x1000;
	s24 =	simm.s32 @!p0 $0x0  }
0x5c: {  	[sflag:s5] =	ssyncset.done $0x0;
	s25 =	sshll.u32 s24, $0xC  }
0x5d: {  	[sflag:s5] =	ssyncadd.s32 $0xFFFFF000;
	s26 =	sor.u32 $0x800, s25  }
0x5e: {  	v0 =	vld [tilespmem:s26+$0xFFFFF870]  }
0x5f: {  	v1 =	vld [tilespmem:s26+$0x70]  }
0x60: {  	v2 =	vld [tilespmem:s26+$0x0]  }
0x61: {  	v5 =	vld [tilespmem:s26+$0xFFFFF820]  }
0x62: {  	v6 =	vld [tilespmem:s26+$0x20]  }
0x63: {  	v3 =	vld [tilespmem:s26+$0xFFFFF810]  }
0x64: {  	v4 =	vld [tilespmem:s26+$0x10]  }
0x65: {  	s24 =	smul.u32 $0x4200, s24;
	v7 =	vunpack.i.l.s16.s32 v0;
	v8 =	vunpack.i.l.s16.s32 v1  }
0x66: {  	v9 =	vld [tilespmem:s26+$0xFFFFF830];
	v10 =	vunpack.i.u.s16.s32 v0;
	v11 =	vunpack.i.u.s16.s32 v1;
	v0 =	vunpack.i.u.s16.s32 v2  }
0x67: {  	s24 =	sshrl.u32 s24, $0x2;
	v1 =	vunpack.i.l.s16.s32 v2;
	v2 =	vld [tilespmem:s26+$0x30];
	v13 =	vunpack.i.l.s16.s32 v5;
	v15 =	vunpack.i.u.s16.s32 v6  }
0x68: {  	v12 =	vld [tilespmem:s26+$0xFFFFF840];
	s24 =	sor.u32 $0x2000, s24;
	v7 =	vpack.i.b32.b16 v8, v7;
	v8 =	vpack.i.b32.b16 v11, v10;
	v10 =	vunpack.i.u.s16.s32 v3  }
0x69: {  	v14 =	vld [tilespmem:s26+$0x40];
	v3 =	vunpack.i.l.s16.s32 v3;
	v11 =	vunpack.i.u.s16.s32 v4;
	v4 =	vunpack.i.l.s16.s32 v4;
	[tilespmem:s24+$0xE70 ss:$0x21] =	vst.msk $0xffff, v7  }
0x6a: {  	s31 =	sand.u32 $0x1, s19;
	v6 =	vunpack.i.l.s16.s32 v6;
	v7 =	vunpack.i.u.s16.s32 v5;
	v3 =	vpack.i.b32.b16 v4, v3;
	v4 =	vld [tilespmem:s26+$0xFFFFF850];
	[tilespmem:s24+$0xE71 ss:$0x21] =	vst.msk $0xffff, v8  }
0x6b: {  	s25 =	smul.u32 $0x4200, s31;
	v5 =	vld [tilespmem:s26+$0x50];
	[tilespmem:s24+$0x210 ss:$0x21] =	vst.msk $0xffff, v3;
	v3 =	vpack.i.b32.b16 v11, v10;
	v8 =	vunpack.i.u.s16.s32 v9;
	v11 =	vunpack.i.l.s16.s32 v9  }
0x6c: {  	[tilespmem:s24+$0x211 ss:$0x21] =	vst.msk $0xffff, v3;
	v3 =	vpack.i.b32.b16 v6, v13;
	v9 =	vunpack.i.u.s16.s32 v2;
	v13 =	vunpack.i.l.s16.s32 v2;
	v2 =	vld [tilespmem:s26+$0xFFFFF860]  }
0x6d: {  	s27 =	simm.s32 $0x0;
	s25 =	sshrl.u32 s25, $0x2;
	v15 =	vpack.i.b32.b16 v15, v7;
	v7 =	vunpack.i.u.s16.s32 v12;
	v10 =	vunpack.i.l.s16.s32 v12;
	[tilespmem:s24+$0x420 ss:$0x21] =	vst.msk $0xffff, v3;
	v3 =	vld [tilespmem:s26+$0x60]  }
0x6e: {  	s28 =	sadd.s32 $0x80, s26;
	s25 =	sor.u32 $0x2000, s25;
	v12 =	vunpack.i.l.s16.s32 v14;
	v6 =	vld [tilespmem:s26+$0xFFFFF800];
	s26 =	smov.u32 s24;
	[tilespmem:s24+$0x421 ss:$0x21] =	vst.msk $0xffff, v15;
	v13 =	vpack.i.b32.b16 v13, v11;
	v11 =	vunpack.i.u.s16.s32 v14  }
.LBB1_3:
0x6f: {  	v14 =	vld [tilespmem:s28+$0xFFFFF870];
	[tilespmem:s24+$0x630 ss:$0x21] =	vst.msk $0xffff, v13;
	v8 =	vpack.i.b32.b16 v9, v8;
	v9 =	vunpack.i.u.s16.s32 v4;
	v4 =	vunpack.i.l.s16.s32 v4  }
0x70: {  	v13 =	vld [tilespmem:s28+$0x70];
	[tilespmem:s24+$0x631 ss:$0x21] =	vst.msk $0xffff, v8;
	v8 =	vpack.i.b32.b16 v12, v10;
	v10 =	vunpack.i.u.s16.s32 v5;
	v5 =	vunpack.i.l.s16.s32 v5  }
0x71: {  	s27 =	sadd.s32 $0x2, s27;
	v7 =	vpack.i.b32.b16 v11, v7;
	v12 =	vld [tilespmem:s28+$0x0];
	[tilespmem:s24+$0x840 ss:$0x21] =	vst.msk $0xffff, v8;
	v8 =	vunpack.i.u.s16.s32 v2;
	v2 =	vunpack.i.l.s16.s32 v2  }
0x72: {  	p1 =	slt.u32 s27, $0x1E;
	v4 =	vpack.i.b32.b16 v5, v4;
	v5 =	vunpack.i.u.s16.s32 v3;
	v3 =	vunpack.i.l.s16.s32 v3;
	v11 =	vld [tilespmem:s28+$0xFFFFF810];
	[tilespmem:s24+$0x841 ss:$0x21] =	vst.msk $0xffff, v7  }
0x73: {  	v15 =	vunpack.i.u.s16.s32 v6;
	v6 =	vunpack.i.l.s16.s32 v6;
	v7 =	vld [tilespmem:s28+$0x10];
	[tilespmem:s24+$0xA50 ss:$0x21] =	vst.msk $0xffff, v4;
	v4 =	vpack.i.b32.b16 v10, v9  }
0x74: {  	v1 =	vpack.i.b32.b16 v1, v6;
	v0 =	vpack.i.b32.b16 v0, v15;
	v2 =	vpack.i.b32.b16 v3, v2;
	v9 =	vld [tilespmem:s28+$0xFFFFF820];
	[tilespmem:s24+$0xA51 ss:$0x21] =	vst.msk $0xffff, v4  }
0x75: {  	v5 =	vpack.i.b32.b16 v5, v8;
	v4 =	vunpack.i.l.s16.s32 v14;
	v3 =	vld [tilespmem:s28+$0x20];
	v6 =	vunpack.i.l.s16.s32 v13;
	[tilespmem:s24+$0x0 ss:$0x21] =	vst.msk $0xffff, v1  }
0x76: {  	v8 =	vunpack.i.u.s16.s32 v14;
	v13 =	vunpack.i.u.s16.s32 v13;
	s24 =	sadd.s32 $0x2, s24;
	v10 =	vld [tilespmem:s28+$0xFFFFF830];
	v4 =	vpack.i.b32.b16 v6, v4;
	[tilespmem:s26+$0x1 ss:$0x21] =	vst.msk $0xffff, v0  }
0x77: {  	v0 =	vunpack.i.u.s16.s32 v12;
	v1 =	vunpack.i.l.s16.s32 v12;
	v6 =	vld [tilespmem:s28+$0x30];
	[tilespmem:s24+$0xE70 ss:$0x21] =	vst.msk $0xffff, v4;
	v4 =	vpack.i.b32.b16 v13, v8  }
0x78: {  	v8 =	vunpack.i.u.s16.s32 v11;
	v11 =	vunpack.i.l.s16.s32 v11;
	v12 =	vunpack.i.u.s16.s32 v7;
	v13 =	vld [tilespmem:s28+$0xFFFFF840];
	[tilespmem:s24+$0xE71 ss:$0x21] =	vst.msk $0xffff, v4  }
0x79: {  	v4 =	vunpack.i.l.s16.s32 v7;
	v7 =	vunpack.i.u.s16.s32 v9;
	v9 =	vunpack.i.l.s16.s32 v9;
	v14 =	vld [tilespmem:s28+$0x40];
	[tilespmem:s26+$0xC60 ss:$0x21] =	vst.msk $0xffff, v2  }
.Ltmp3:
0x7a: {  	v2 =	vpack.i.b32.b16 v4, v11;
	v11 =	vunpack.i.u.s16.s32 v3;
	v3 =	vunpack.i.l.s16.s32 v3;
	v4 =	vld [tilespmem:s28+$0xFFFFF850];
	[tilespmem:s26+$0xC61 ss:$0x21] =	vst.msk $0xffff, v5;
	s26 =	smov.u32 s24;
	(pc) =	sbr.rel @p1 .LBB1_3-.Ltmp3, $4  }
0x7b: {  	[tilespmem:s24+$0x210 ss:$0x21] =	vst.msk $0xffff, v2;
	v2 =	vpack.i.b32.b16 v12, v8;
	v8 =	vunpack.i.u.s16.s32 v10;
	v12 =	vunpack.i.l.s16.s32 v10;
	v5 =	vld [tilespmem:s28+$0x50]  }
0x7c: {  	v3 =	vpack.i.b32.b16 v3, v9;
	[tilespmem:s24+$0x211 ss:$0x21] =	vst.msk $0xffff, v2;
	v9 =	vunpack.i.u.s16.s32 v6;
	v15 =	vunpack.i.l.s16.s32 v6;
	v2 =	vld [tilespmem:s28+$0xFFFFF860]  }
0x7d: {  	v11 =	vpack.i.b32.b16 v11, v7;
	[tilespmem:s24+$0x420 ss:$0x21] =	vst.msk $0xffff, v3;
	v7 =	vunpack.i.u.s16.s32 v13;
	v10 =	vunpack.i.l.s16.s32 v13;
	v3 =	vld [tilespmem:s28+$0x60]  }
0x7e: {  	v13 =	vpack.i.b32.b16 v15, v12;
	v6 =	vld [tilespmem:s28+$0xFFFFF800];
	[tilespmem:s24+$0x421 ss:$0x21] =	vst.msk $0xffff, v11;
	v11 =	vunpack.i.u.s16.s32 v14;
	v12 =	vunpack.i.l.s16.s32 v14;
	s28 =	sadd.s32 $0x80, s28  }
.Ltmp4:
0x7f: {  	_ = 	snop;
	(pc) =	sbr.rel .LBB1_4-.Ltmp4, $1  }
0x80: {  	_ =	sdelay $0x3  }
.LBB1_6:
0x81: {  	_ =	sfence.sel $0x180000  }
0x82: {  	s0 =	simm.s32 $0x1;
	[bflag:$0x0] =	sbarrier.arrive $0xFFFF  }
0x83: {  	s30 =	simm.s32 $0x2;
	[sflag:s0] =	ssyncpa.u1 $0x1  }
0x84: {  	[sflag:s30] =	ssyncpa.u1 $0x1  }
0x85: {  	_ =	strace $0x90000056  }
0x86: {  	s31 =	stileid.u32;
	[bflag:$0x2] =	sbarrier.arrive $0xFFFF  }
0x87: {  	p0 =	sne.s32 s31, $0x0;
	s0 =	rddreg [dreg:$0x1]  }
0x88: {  	s0 =	sadd.s32 @!p0 $0x100000, s0  }
0x89: {  	[sflag:s0] =	ssyncadd.tile.s32 @!p0 $0x1;
	_ =	shalt  }
.Lfunc_end1:
_tile_overlayer_lowered:
.L_overlay_start_2:
0x8a: {  	(tag) =	ssettag $0x2  }
0x8b: {  	s0 =	rddreg [dreg:$0x0];
	s2 =	stileid.u32  }
0x8c: {  	s1 =	rddreg [dreg:$0x1];
	p0 =	sne.s32 s2, $0x0  }
0x8d: {  	s3 =	rddreg [dreg:$0x2];
	[bflag:$0x3] =	sbarrier.arrive $0xFFFF;
	s2 =	simm.s32 @!p0 $0x1C01  }
0x8e: {  	[timem:s3], [sflag:s2] =	dma.local @!p0 [hbm:s0], s1  }
0x8f: {  	s0 =	simm.s32 @!p0 $0x1  }
0x90: {  	_ =	swait.ge @!p0 [sflag:s0], s1  }
0x91: {  	s1 =	ssub.s32 @!p0 $0x0, s1;
	[sflag:s0] =	ssyncset.done @!p0 $0x0  }
0x92: {  	[sflag:s0] =	ssyncadd.s32 @!p0 s1  }
0x93: {  	[bflag:$0x3] =	sbarrier.arrive $0xFFFF  }
0x94: {  	_ =	shalt  }

// kernel: sparse-core-data-format-call.4.cloned.1.call-start
scs
called_computation.7_lowered:
.L_overlay_start_0:
0x0: {  	s1 =	sld [smem:$0x3FD9]  }
0x1: {  	s2 =	sld [smem:$0x3FFE];
	_ =	sdelay $0x1  }
0x2: {  	s3 =	srdreg.scid  }
0x3: {  	s0 =	sand.u32 $0x1, s3  }
0x4: {  	s17 =	sshll.u32 s0, $0xA;
	s1 =	sadd.s32 s2, s1  }
0x5: {  	s1 =	sadd.s32 s1, s17  }
0x6: {  	[smem:$0x3F9A] =	sst s1  }
0x7: {  	_ = 	snop  }
0x8: {  	(tm) =	ssettm $0x1  }
0x9: {  	s18 =	sld [smem:$0x3FFB];
	_ =	sdelay $0x3  }
0xa: {  	_ =	strace s18  }
0xb: {  	s1 =	sld [smem:$0x3FFC];
	_ =	sdelay $0x3  }
0xc: {  	_ =	strace s1  }
0xd: {  	s1 =	sld [smem:$0x3FFD];
	_ =	sdelay $0x3  }
0xe: {  	_ =	strace s1  }
0xf: {  	_ =	strace $0x8FFFFFFF  }
0x10: {  	s19 =	sld [smem:$0x3FDB];
	_ =	sdelay $0x1  }
0x11: {  	s20 =	simm.s32 $_scs_section_size  }
0x12: {  	s4 =	simm.s32 $_size__tile_overlayer_lowered;
	s5 =	simm.s32 $_tile_overlayer_lowered  }
0x13: {  	s23 =	simm.s32 $0x1BFF;
	s22 =	sshll.u32 s5, $0x1;
	s1 =	sadd.s32 s20, s19  }
0x14: {  	s6 =	simm.s32 $0x0;
	s21 =	sshll.u32 s4, $0x1;
	s4 =	sadd.s32 s22, s1  }
0x15: {  	[timem:s6], [sflag:s23] =	dma.local [hbm:s4], s21  }
0x16: {  	_ =	swait.ge [sflag:s23], s21  }
0x17: {  	s2 =	ssub.s32 $0x0, s21;
	[sflag:s23] =	ssyncset.done $0x0  }
0x18: {  	[sflag:s23] =	ssyncadd.s32 s2;
	_ =	sdelay $0x1  }
0x19: {  	s24 =	simm.s32 $0x1B8B  }
0x1a: {  	_ =	swait.ge [sflag:s24], $0x1  }
0x1b: {  	[sflag:s24] =	ssyncset.done $0x0  }
0x1c: {  	s26 =	simm.s32 $0x1B8E;
	s25 =	sld [smem:$0x3FFE];
	[sflag:s24] =	ssyncadd.s32 $0xFFFFFFFF  }
0x1d: {  	s27 =	simm.s32 $execute0_lowered;
	[smem:$0x3FD2] =	sst s26  }
0x1e: {  	s4 =	sshll.u32 s27, $0x1;
	_ =	strace $0x80000049;
	[dreg:$0x1] =	wrdreg $0xFFFFFFFF  }
0x1f: {  	s28 =	simm.s32 $_size_execute0_lowered;
	s1 =	sadd.s32 s1, s4;
	[dreg:$0x0] =	wrdreg $0x0  }
0x20: {  	s4 =	sshll.u32 s28, $0x1;
	[dreg:$0x2] =	wrdreg s1  }
0x21: {  	[dreg:$0x3] =	wrdreg s4  }
0x22: {  	[dreg:$0x4] =	wrdreg $0xC0  }
0x23: {  	_ =	task [dreg:s6], $0x5FFFF  }
0x24: {  	[dreg:$0x1] =	wrdreg $0xFFFFFFFF  }
0x25: {  	[dreg:$0x0] =	wrdreg $0x60  }
0x26: {  	[dreg:$0x2] =	wrdreg s25  }
0x27: {  	[dreg:$0x3] =	wrdreg $0x9  }
0x28: {  	_ =	task.clear_ibuf [dreg:s6], $0x4FFFF;
	_ =	strace $0x90000049  }
0x29: {  	s29 =	simm.s32 $0x9;
	_ =	strace $0x8000004B  }
0x2a: {  	_ =	swait.ge [sflag:s29], $0x1  }
0x2b: {  	[sflag:s29] =	ssyncadd.s32 $0xFFFFFFFF  }
0x2c: {  	_ =	strace $0x9000004B  }
0x2d: {  	_ =	sfence  }
0x2e: {  	s30 =	sld [smem:$0x0];
	_ =	sdelay $0x2  }
0x2f: {  	s31 =	sshll.u32 s3, $0xD;
	s3 =	sshrl.u32 s3, $0x2  }
0x30: {  	s2 =	sand.u32 $0x4000, s31;
	s1 =	sadd.s32 s3, s30  }
0x31: {  	s0 =	sor.u32 s2, s0;
	s1 =	sshll.u32 s1, $0x11  }
0x32: {  	s0 =	sor.u32 s1, s0  }
0x33: {  	s0 =	sadd.s32 $0x8F2B, s0  }
0x34: {  	[sflag:s0] =	ssyncadd.remote.s32 $0x1  }
0x35: {  	_ =	sfence.sel $0xFFFF  }
0x36: {  	[dreg:$0x0] =	wrdreg $0xFFFFFFFF;
	(pc) =	sbr.abs _section_cstart, $3  }
0x37: {  	[dreg:$0x1] =	wrdreg $0xFFFFFFFF  }
0x38: {  	_ =	task.clear_ibuf [dreg:s6], $0x2FFFF;
	_ =	strace $0x9FFFFFFF  }
0x39: {  	(tm) =	ssettm $0x7FFFFFFF  }
tec
execute0_lowered:
.L_overlay_start_1:
0x0: {  	(tag) =	ssettag $0x1  }
0x1: {  	s0 =	stileid.u32  }
0x2: {  	s4 =	srdreg.scid;
	s5 =	simm.s32 $0x1;
	s1 =	sshrl.u32 s0, $0x1  }
0x3: {  	s7 =	rddreg [dreg:$0x0];
	_ =	strace $0x8000004A;
	s1 =	sand.u32 $0x6, s1  }
0x4: {  	s9 =	simm.s32 $0x2;
	s20 =	simm.s32 $0x0;
	s2 =	ssub.s32 $0x8, s1  }
0x5: {  	s10 =	simm.s32 $0xF800;
	s23 =	simm.s32 $0x0;
	s3 =	sand.u32 $0x6, s2  }
0x6: {  	s21 =	simm.s32 $0x0;
	s22 =	simm.s32 $0x0;
	p0 =	sne.s32 s3, $0x0  }
0x7: {  	s2 =	sshrl.u32 s2, $0x3;
	s3 =	sand.u32 $0x1, s4;
	s5 =	simm.s32 @!p0 $0x0  }
0x8: {  	s11 =	simm.s32 $0x0;
	s31 =	ssub.s32 $0x10, s3;
	s30 =	sadd.s32 s5, s2  }
0x9: {  	s12 =	simm.s32 $0x0;
	s13 =	simm.s32 $0x0;
	s6 =	smul.u32 s30, s31  }
.Ltmp0:
0xa: {  	s15 =	simm.s32 $0x0;
	s8 =	sand.u32 $0x3, s0;
	(pc) =	sbr.rel .LBB1_1-.Ltmp0, $4  }
0xb: {  	s14 =	simm.s32 $0x0;
	s19 =	simm.s32 $0x0;
	s18 =	smov.u32 s8  }
0xc: {  	s17 =	smov.u32 s1;
	s5 =	simm.s32 $0x1;
	s6 =	smul.u32 $0x3, s6  }
0xd: {  	s4 =	sadd.s32 $0x2AEA00, s7;
	s7 =	sadd.s32 $0x2A00, s7;
	[sflag:s5] =	ssyncpa.u1 $0x0  }
0xe: {  	s16 =	smov.u32 s3;
	[sflag:s9] =	ssyncpa.u1 $0x0;
	s9 =	sadd.s32 $0x1, s6  }
.LBB1_7:
0xf: {  	p0 =	slt.u32 s19, $0x2;
	s0 =	smov.u32 s23;
	s25 =	smov.u32 s17  }
0x10: {  	p1 =	sgt.s32 @!p0 s23, $0x1E;
	s2 =	sshra.s32 @!p0 s23, $0x1F;
	s24 =	sshra.s32 @!p0 s22, $0x1F  }
0x11: {  	p2 =	sgt.s32 @!p0 s21, $0x6;
	p1 =	por !p1, p0;
	s2 =	sand.u32 @!p0 s2, s23  }
0x12: {  	s23 =	smov.u32 s22;
	s0 =	simm.s32 @p1 $0x1E;
	p1 =	sgt.s32 @!p0 s22, $0x3  }
0x13: {  	p2 =	por !p2, p0;
	p1 =	por !p1, p0;
	s0 =	ssub.s32 @!p0 s0, s2  }
0x14: {  	s2 =	sand.u32 @!p0 s24, s22;
	s24 =	smov.u32 s16;
	s23 =	simm.s32 @p1 $0x3  }
0x15: {  	s22 =	sadd.s32 @!p0 $0xFFFFFFE2, s0;
	s0 =	ssub.s32 @!p0 $0x1F, s0;
	s2 =	ssub.s32 @!p0 s23, s2  }
0x16: {  	p1 =	sgt.s32 @!p0 s22, $0x0;
	s23 =	smov.u32 s21;
	s22 =	sadd.s32 @!p0 $0xFFFFFFFD, s2  }
0x17: {  	s23 =	simm.s32 @p2 $0x6;
	p2 =	sgt.s32 @!p0 s22, $0x0;
	s22 =	sshra.s32 @!p0 s21, $0x1F  }
0x18: {  	s2 =	ssub.s32 @!p0 $0x4, s2;
	p2 =	por !p2, p0;
	s21 =	sand.u32 @!p0 s22, s21  }
0x19: {  	s2 =	simm.s32 @!p2 $0x0;
	s21 =	ssub.s32 @!p0 s23, s21;
	p2 =	sgt.s32 @!p0 s20, $0x60  }
0x1a: {  	s23 =	smov.u32 s20;
	s22 =	sadd.s32 @!p0 $0xFFFFFFFA, s21;
	p2 =	por !p2, p0  }
0x1b: {  	s23 =	simm.s32 @p2 $0x60;
	p2 =	sgt.s32 @!p0 s22, $0x1;
	s22 =	sshra.s32 @!p0 s20, $0x1F  }
0x1c: {  	s21 =	ssub.s32 @!p0 $0x8, s21;
	p2 =	por !p2, p0;
	s20 =	sand.u32 @!p0 s22, s20  }
0x1d: {  	s0 =	smul.u32 @!p0 $0xE0, s0;
	s21 =	simm.s32 @!p2 $0x0;
	s20 =	ssub.s32 @!p0 s23, s20  }
0x1e: {  	p1 =	por !p1, p0;
	s22 =	sadd.s32 @!p0 $0xFFFFFFA0, s20;
	s2 =	smul.u32 @!p0 s2, s21  }
0x1f: {  	s0 =	simm.s32 @!p1 $0x0;
	s20 =	ssub.s32 @!p0 $0x80, s20;
	p1 =	sgt.s32 @!p0 s22, $0x1F  }
0x20: {  	p1 =	por !p1, p0;
	s0 =	smul.u32 @!p0 s0, s2;
	s2 =	sadd.s32 $0x20, s14  }
0x21: {  	s21 =	sadd.s32 $0x2, s16;
	s20 =	simm.s32 @!p1 $0x0;
	p1 =	sgt.s32 s2, $0x5F  }
0x22: {  	s26 =	smov.u32 s18;
	s27 =	simm.s32 @!p0 $0x2;
	s24 =	smov.u32 @p1 s21  }
0x23: {  	s0 =	smul.u32 @!p0 s20, s0;
	s20 =	sadd.s32 $0x8, s17;
	p2 =	sgt.s32 s24, $0x1E  }
0x24: {  	s23 =	smov.u32 s12;
	s12 =	smov.u32 s16;
	s25 =	smov.u32 @p2 s20  }
0x25: {  	s2 =	simm.s32 @p1 $0x0;
	s20 =	sadd.s32 $0x4, s18;
	p1 =	sgt.s32 s25, $0x7  }
0x26: {  	s22 =	smov.u32 s15;
	s15 =	smov.u32 s18;
	s26 =	smov.u32 @p1 s20  }
0x27: {  	s21 =	smov.u32 s13;
	s25 =	smov.u32 @p1 s1;
	p1 =	sgt.s32 s26, $0x3  }
0x28: {  	s0 =	sshrl.u32 @!p0 s0, $0x1;
	s26 =	smov.u32 @p1 s8;
	p1 =	sne.s32 s19, s9  }
.Ltmp1:
0x29: {  	s24 =	smov.u32 @p2 s3;
	s0 =	sand.u32 @!p0 $0x3FFFFFF0, s0;
	(pc) =	sbr.rel @!p1 .LBB1_8-.Ltmp1, $4  }
0x2a: {  	s13 =	smov.u32 s17;
	s16 =	smov.u32 s24;
	_ =	swait.ge @!p0 [sflag:s27], s0  }
0x2b: {  	s0 =	ssub.s32 @!p0 $0x0, s0;
	s20 =	smov.u32 s11;
	s11 =	smov.u32 s14  }
0x2c: {  	s14 =	smov.u32 s2;
	[sflag:s27] =	ssyncset.done @!p0 $0x0;
	s17 =	smov.u32 s25  }
0x2d: {  	s19 =	sadd.s32 $0x1, s19;
	[sflag:s27] =	ssyncadd.s32 @!p0 s0;
	s18 =	smov.u32 s26  }
.LBB1_1:
0x2e: {  	p0 =	sge.u32 s19, s6  }
0x2f: {  	s24 =	sshll.u32 @!p0 s14, $0x8;
	s25 =	sshll.u32 @!p0 s14, $0x7  }
0x30: {  	s24 =	sand.u32 @!p0 $0xFFFFF800, s24;
	s25 =	sand.u32 @!p0 $0x300, s25  }
0x31: {  	s24 =	sor.u32 @!p0 s25, s24  }
0x32: {  	s26 =	smul.u32 @!p0 $0x5D000, s18;
	s24 =	sshrl.u32 @!p0 s24, $0x8  }
0x33: {  	s25 =	smulhi.u32 @!p0 $0x2AAAAAB, s24  }
0x34: {  	s27 =	smul.u32 @!p0 $0xBA00, s17  }
0x35: {  	s25 =	smul.u32 @!p0 $0x60, s25  }
0x36: {  	s28 =	smul.u32 @!p0 $0x600, s16;
	s26 =	sadd.s32 @!p0 s4, s26  }
0x37: {  	s24 =	ssub.s32 @!p0 s24, s25;
	s25 =	sadd.s32 @!p0 s27, s26  }
0x38: {  	s26 =	sxor.u32 @!p0 $0xFFFFFFFF, s19;
	s24 =	sshll.u32 @!p0 s24, $0x4;
	s25 =	sadd.s32 @!p0 s28, s25  }
0x39: {  	s31 =	sadd.s32 $0xFFFFFFFF, s19;
	s24 =	sadd.s32 @!p0 s24, s25;
	s25 =	sshll.u32 @!p0 s26, $0xD  }
0x3a: {  	s27 =	simm.s32 @!p0 $0x5D000;
	s26 =	simm.s32 @!p0 $0x1000;
	s25 =	sand.u32 @!p0 $0x2000, s25  }
0x3b: {  	[tilespmem:s25], [sflag:$0x1] =	stream.strided.gather @!p0 [hbm4b:s24+s26], $0x2000, s27, s26, $0x38;
	[tilespmem:$0x8200] =	vst v63  }
0x3c: {  	p0 =	sge.u32 s31, s6  }
.Ltmp2:
0x3d: {  	_ = 	snop;
	(pc) =	sbr.rel @p0 .LBB1_7-.Ltmp2, $1  }
0x3e: {  	_ =	sdelay $0x3  }
0x3f: {  	s24 =	sand.u32 $0x1, s19  }
0x40: {  	_ =	swait.ge [sflag:s5], $0x2000;
	s25 =	smul.u32 $0x8400, s24  }
0x41: {  	[sflag:s5] =	ssyncset.done $0x0  }
0x42: {  	[sflag:s5] =	ssyncadd.s32 $0xFFFFE000;
	s26 =	sshrl.u32 s25, $0x2  }
0x43: {  	s25 =	sshll.u32 s24, $0xD;
	s24 =	sor.u32 $0x4000, s26;
	s26 =	simm.s32 $0x0  }
.LBB1_3:
0x44: {  	s27 =	sshll.u32 s26, $0x7  }
0x45: {  	s28 =	sshll.u32 s26, $0x6;
	s27 =	sand.u32 $0xC00, s27  }
0x46: {  	s28 =	sand.u32 $0x180, s28;
	s29 =	sadd.s32 s27, s25  }
0x47: {  	s29 =	sadd.s32 s28, s29  }
0x48: {  	s27 =	sshll.u32 s26, $0x1;
	v0 =	vmov s29  }
0x49: {  	s28 =	sor.u32 $0x2, s27  }
0x4a: {  	p0 =	por $0x1, $0x1;
	s28 =	sshrl.u32 s28, $0x1;
	s29 =	simm.s32 $0x0  }
.LBB1_4:
0x4b: {  	s30 =	sshll.u32 s29, $0x2  }
0x4c: {  	s31 =	sand.u32 $0x3FFFFFFC, s30  }
0x4d: {  	v1 =	vld.idx.msk [tilespmem:v0+s31+$0x0 ss:$0x1], $0xffff  }
0x4e: {  	v2 =	vld.idx.msk [tilespmem:v0+s31+$0x1000 ss:$0x1], $0xffff  }
0x4f: {  	v3 =	vld.idx.msk [tilespmem:v0+s31+$0x10 ss:$0x1], $0xffff  }
0x50: {  	s29 =	smul.u32 $0x84, s29;
	v4 =	vld.idx.msk [tilespmem:v0+s31+$0x1010 ss:$0x1], $0xffff  }
0x51: {  	v5 =	vld.idx.msk [tilespmem:v0+s31+$0x20 ss:$0x1], $0xffff  }
0x52: {  	s29 =	sshra.s32 s29, $0x2;
	v6 =	vld.idx.msk [tilespmem:v0+s31+$0x1020 ss:$0x1], $0xffff  }
0x53: {  	v9 =	vld.idx.msk [tilespmem:v0+s31+$0x30 ss:$0x1], $0xffff;
	s30 =	sadd.s32 s29, s24;
	s29 =	sshrl.u32 s27, $0x1;
	v7 =	vunpack.i.l.s16.s32 v1;
	v8 =	vunpack.i.l.s16.s32 v2  }
0x54: {  	v51 =	vld.idx.msk [tilespmem:v0+s31+$0x1030 ss:$0x1], $0xffff;
	s2 =	sadd.s32 s29, s30;
	v1 =	vunpack.i.u.s16.s32 v1;
	v2 =	vunpack.i.u.s16.s32 v2;
	v7 =	vpack.i.b32.b16 v8, v7  }
0x55: {  	v10 =	vld.idx.msk [tilespmem:v0+s31+$0x40 ss:$0x1], $0xffff;
	s0 =	sadd.s32 $0x210, s30;
	v52 =	vunpack.i.l.s16.s32 v4;
	v1 =	vpack.i.b32.b16 v2, v1;
	v2 =	vunpack.i.l.s16.s32 v3;
	[tilespmem:s2+$0x0 ss:$0x21] =	vst.msk $0xffff, v7;
	s2 =	sadd.s32 s28, s30  }
0x56: {  	v53 =	vld.idx.msk [tilespmem:v0+s31+$0x1040 ss:$0x1], $0xffff;
	v2 =	vpack.i.b32.b16 v52, v2;
	[tilespmem:s2+$0x0 ss:$0x21] =	vst.msk $0xffff, v1;
	v1 =	vunpack.i.u.s16.s32 v3;
	v3 =	vunpack.i.u.s16.s32 v4;
	s2 =	sadd.s32 s29, s0  }
0x57: {  	v54 =	vld.idx.msk [tilespmem:v0+s31+$0x50 ss:$0x1], $0xffff;
	s0 =	sadd.s32 s28, s0;
	[tilespmem:s2+$0x0 ss:$0x21] =	vst.msk $0xffff, v2;
	v1 =	vpack.i.b32.b16 v3, v1;
	v2 =	vunpack.i.l.s16.s32 v5;
	v3 =	vunpack.i.l.s16.s32 v6;
	s2 =	sadd.s32 $0x420, s30  }
0x58: {  	v55 =	vunpack.i.u.s16.s32 v6;
	[tilespmem:s0+$0x0 ss:$0x21] =	vst.msk $0xffff, v1;
	v1 =	vunpack.i.u.s16.s32 v5;
	v2 =	vpack.i.b32.b16 v3, v2;
	s0 =	sadd.s32 s29, s2;
	v3 =	vld.idx.msk [tilespmem:v0+s31+$0x1050 ss:$0x1], $0xffff  }
0x59: {  	v57 =	vld.idx.msk [tilespmem:v0+s31+$0x60 ss:$0x1], $0xffff;
	v56 =	vunpack.i.l.s16.s32 v51;
	[tilespmem:s0+$0x0 ss:$0x21] =	vst.msk $0xffff, v2;
	v1 =	vpack.i.b32.b16 v55, v1;
	s0 =	sadd.s32 s28, s2;
	v2 =	vunpack.i.l.s16.s32 v9;
	s2 =	sadd.s32 $0x630, s30  }
0x5a: {  	v58 =	vld.idx.msk [tilespmem:v0+s31+$0x1060 ss:$0x1], $0xffff;
	v8 =	vunpack.i.u.s16.s32 v51;
	[tilespmem:s0+$0x0 ss:$0x21] =	vst.msk $0xffff, v1;
	v1 =	vunpack.i.u.s16.s32 v9;
	v2 =	vpack.i.b32.b16 v56, v2;
	s0 =	sadd.s32 s29, s2  }
0x5b: {  	v60 =	vld.idx.msk [tilespmem:v0+s31+$0x70 ss:$0x1], $0xffff;
	v59 =	vunpack.i.l.s16.s32 v53;
	[tilespmem:s0+$0x0 ss:$0x21] =	vst.msk $0xffff, v2;
	v1 =	vpack.i.b32.b16 v8, v1;
	s0 =	sadd.s32 s28, s2;
	v2 =	vunpack.i.l.s16.s32 v10;
	s2 =	sadd.s32 $0x840, s30  }
0x5c: {  	v61 =	vld.idx.msk [tilespmem:v0+s31+$0x1070 ss:$0x1], $0xffff;
	v4 =	vunpack.i.u.s16.s32 v53;
	[tilespmem:s0+$0x0 ss:$0x21] =	vst.msk $0xffff, v1;
	v1 =	vunpack.i.u.s16.s32 v10;
	v2 =	vpack.i.b32.b16 v59, v2;
	s0 =	sadd.s32 s29, s2  }
0x5d: {  	s31 =	sadd.s32 s28, s2;
	s2 =	sadd.s32 $0xA50, s30;
	[tilespmem:s0+$0x0 ss:$0x21] =	vst.msk $0xffff, v2;
	v1 =	vpack.i.b32.b16 v4, v1;
	v2 =	vunpack.i.l.s16.s32 v54;
	v62 =	vunpack.i.l.s16.s32 v3  }
0x5e: {  	v3 =	vunpack.i.u.s16.s32 v3;
	[tilespmem:s31+$0x0 ss:$0x21] =	vst.msk $0xffff, v1;
	v1 =	vpack.i.b32.b16 v62, v2;
	v2 =	vunpack.i.u.s16.s32 v54;
	s31 =	sadd.s32 s29, s2  }
0x5f: {  	p1 =	por p0, p0;
	[tilespmem:s31+$0x0 ss:$0x21] =	vst.msk $0xffff, v1;
	v1 =	vpack.i.b32.b16 v3, v2;
	s31 =	sadd.s32 s28, s2;
	v2 =	vunpack.i.l.s16.s32 v57;
	v3 =	vunpack.i.l.s16.s32 v58;
	s2 =	sadd.s32 $0xC60, s30  }
.Ltmp3:
0x60: {  	[tilespmem:s31+$0x0 ss:$0x21] =	vst.msk $0xffff, v1;
	v1 =	vpack.i.b32.b16 v3, v2;
	v2 =	vunpack.i.u.s16.s32 v57;
	v3 =	vunpack.i.u.s16.s32 v58;
	s31 =	sadd.s32 s29, s2;
	(pc) =	sbr.rel @p1 .LBB1_4-.Ltmp3, $4  }
0x61: {  	s2 =	sadd.s32 s28, s2;
	[tilespmem:s31+$0x0 ss:$0x21] =	vst.msk $0xffff, v1;
	v1 =	vpack.i.b32.b16 v3, v2;
	v2 =	vunpack.i.l.s16.s32 v60;
	v3 =	vunpack.i.l.s16.s32 v61;
	s31 =	sadd.s32 $0xE70, s30  }
0x62: {  	v63 =	vunpack.i.u.s16.s32 v61;
	[tilespmem:s2+$0x0 ss:$0x21] =	vst.msk $0xffff, v1;
	v1 =	vunpack.i.u.s16.s32 v60;
	v2 =	vpack.i.b32.b16 v3, v2;
	s30 =	sadd.s32 s29, s31  }
0x63: {  	s31 =	sadd.s32 s28, s31;
	[tilespmem:s30+$0x0 ss:$0x21] =	vst.msk $0xffff, v2;
	v1 =	vpack.i.b32.b16 v63, v1  }
0x64: {  	p0 =	por $0x0, $0x0;
	s29 =	simm.s32 $0x80;
	[tilespmem:s31+$0x0 ss:$0x21] =	vst.msk $0xffff, v1  }
0x65: {  	p0 =	slt.u32 s26, $0x1E  }
.Ltmp4:
0x66: {  	_ = 	snop;
	(pc) =	sbr.rel @p0 .LBB1_3-.Ltmp4, $3  }
0x67: {  	_ =	sdelay $0x1  }
0x68: {  	s0 =	sadd.s32 $0x2, s26  }
0x69: {  	s26 =	smov.u32 s0  }
0x6a: {  	p0 =	sgt.s32 s12, $0x1E  }
0x6b: {  	s0 =	smov.u32 s12;
	s2 =	smov.u32 s15;
	s25 =	sshra.s32 s12, $0x1F  }
0x6c: {  	s26 =	sshra.s32 s15, $0x1F;
	s27 =	smov.u32 s13;
	s28 =	sshra.s32 s13, $0x1F  }
0x6d: {  	s31 =	sshll.u32 s13, $0x7;
	s0 =	simm.s32 @!p0 $0x1E;
	p0 =	sgt.s32 s15, $0x3  }
0x6e: {  	s26 =	sand.u32 s26, s15;
	s29 =	sand.u32 s28, s13;
	s25 =	sand.u32 s25, s12  }
0x6f: {  	s2 =	simm.s32 @!p0 $0x3;
	p0 =	sgt.s32 s13, $0x6;
	s0 =	ssub.s32 s0, s25  }
0x70: {  	s25 =	smov.u32 s11;
	s2 =	ssub.s32 s2, s26;
	s27 =	simm.s32 @!p0 $0x6  }
0x71: {  	s30 =	sadd.s32 $0xFFFFFFFD, s2;
	s26 =	ssub.s32 s27, s29;
	s2 =	ssub.s32 $0x4, s2  }
0x72: {  	s29 =	sadd.s32 $0xFFFFFFE2, s0;
	s0 =	ssub.s32 $0x1F, s0;
	p0 =	sgt.s32 s30, $0x0  }
0x73: {  	s27 =	sadd.s32 $0xFFFFFFFA, s26;
	s26 =	ssub.s32 $0x8, s26;
	s30 =	sshra.s32 s11, $0x1F  }
0x74: {  	s0 =	smul.u32 $0xE0, s0;
	s2 =	simm.s32 @p0 $0x0;
	p0 =	sgt.s32 s27, $0x1  }
0x75: {  	s27 =	sand.u32 $0x300, s31;
	s26 =	simm.s32 @p0 $0x0;
	p0 =	sgt.s32 s11, $0x60  }
0x76: {  	s28 =	sand.u32 s30, s11;
	s31 =	sshll.u32 s11, $0x1;
	s25 =	simm.s32 @!p0 $0x60  }
0x77: {  	p0 =	sgt.s32 s29, $0x0;
	s2 =	smul.u32 s2, s26;
	s25 =	ssub.s32 s25, s28  }
0x78: {  	s29 =	sand.u32 $0x80, s31;
	s0 =	simm.s32 @p0 $0x0;
	s30 =	sadd.s32 $0xFFFFFFA0, s25  }
0x79: {  	s25 =	ssub.s32 $0x80, s25;
	s0 =	smul.u32 s0, s2;
	p0 =	sgt.s32 s30, $0x1F  }
0x7a: {  	s26 =	sshll.u32 s15, $0x6;
	s31 =	sor.u32 s27, s29;
	s25 =	simm.s32 @p0 $0x0  }
0x7b: {  	s28 =	sshll.u32 s12, $0x8;
	s29 =	sshrl.u32 s11, $0x3;
	s0 =	smul.u32 s25, s0  }
.Ltmp5:
0x7c: {  	s2 =	sshrl.u32 s31, $0x4;
	s25 =	sadd.s32 s7, s26;
	(pc) =	sbr.rel .LBB1_7-.Ltmp5, $4  }
0x7d: {  	s27 =	sand.u32 $0x7, s29;
	s30 =	sand.u32 $0x7, s11;
	s25 =	sadd.s32 s28, s25  }
0x7e: {  	s26 =	sshll.u32 s30, $0x12;
	s0 =	sshrl.u32 s0, $0x1;
	s25 =	sadd.s32 s27, s25  }
0x7f: {  	s31 =	sor.u32 $0x20, s26;
	s0 =	sand.u32 $0x3FFFFFF0, s0;
	s2 =	sadd.s32 s2, s25  }
0x80: {  	[hbm4b:s2+s31] =	stream.strided.scatter [tilespmem:s24], [sflag:$0x2], s0, s10, s31, $0x10;
	[tilespmem:$0x8200] =	vst v63  }
.LBB1_8:
0x81: {  	_ =	sfence.sel $0x180000  }
0x82: {  	s0 =	simm.s32 $0x1;
	[bflag:$0x0] =	sbarrier.arrive $0xFFFF  }
0x83: {  	s30 =	simm.s32 $0x2;
	[sflag:s0] =	ssyncpa.u1 $0x1  }
0x84: {  	[sflag:s30] =	ssyncpa.u1 $0x1  }
0x85: {  	_ =	strace $0x9000004A  }
0x86: {  	s31 =	stileid.u32;
	[bflag:$0x2] =	sbarrier.arrive $0xFFFF  }
0x87: {  	p0 =	sne.s32 s31, $0x0;
	s0 =	rddreg [dreg:$0x1]  }
0x88: {  	s0 =	sadd.s32 @!p0 $0x100000, s0  }
0x89: {  	[sflag:s0] =	ssyncadd.tile.s32 @!p0 $0x1;
	_ =	shalt  }
.Lfunc_end1:
_tile_overlayer_lowered:
.L_overlay_start_2:
0x8a: {  	(tag) =	ssettag $0x2  }
0x8b: {  	s0 =	rddreg [dreg:$0x0];
	s2 =	stileid.u32  }
0x8c: {  	s1 =	rddreg [dreg:$0x1];
	p0 =	sne.s32 s2, $0x0  }
0x8d: {  	s3 =	rddreg [dreg:$0x2];
	[bflag:$0x3] =	sbarrier.arrive $0xFFFF;
	s2 =	simm.s32 @!p0 $0x1C01  }
0x8e: {  	[timem:s3], [sflag:s2] =	dma.local @!p0 [hbm:s0], s1  }
0x8f: {  	s0 =	simm.s32 @!p0 $0x1  }
0x90: {  	_ =	swait.ge @!p0 [sflag:s0], s1  }
0x91: {  	s1 =	ssub.s32 @!p0 $0x0, s1;
	[sflag:s0] =	ssyncset.done @!p0 $0x0  }
0x92: {  	[sflag:s0] =	ssyncadd.s32 @!p0 s1  }
0x93: {  	[bflag:$0x3] =	sbarrier.arrive $0xFFFF  }
0x94: {  	_ =	shalt  }

// kernel: sparse-core-data-format-call.5.cloned.1.call-start
scs
called_computation.8_lowered:
.L_overlay_start_0:
0x0: {  	s1 =	sld [smem:$0x3FD9]  }
0x1: {  	s2 =	sld [smem:$0x3FFE];
	_ =	sdelay $0x1  }
0x2: {  	s3 =	srdreg.scid  }
0x3: {  	s0 =	sand.u32 $0x1, s3  }
0x4: {  	s17 =	sshll.u32 s0, $0xA;
	s1 =	sadd.s32 s2, s1  }
0x5: {  	s1 =	sadd.s32 s1, s17  }
0x6: {  	[smem:$0x3F9A] =	sst s1  }
0x7: {  	_ = 	snop  }
0x8: {  	(tm) =	ssettm $0x1  }
0x9: {  	s18 =	sld [smem:$0x3FFB];
	_ =	sdelay $0x3  }
0xa: {  	_ =	strace s18  }
0xb: {  	s1 =	sld [smem:$0x3FFC];
	_ =	sdelay $0x3  }
0xc: {  	_ =	strace s1  }
0xd: {  	s1 =	sld [smem:$0x3FFD];
	_ =	sdelay $0x3  }
0xe: {  	_ =	strace s1  }
0xf: {  	_ =	strace $0x8FFFFFFF  }
0x10: {  	s19 =	sld [smem:$0x3FDB];
	_ =	sdelay $0x1  }
0x11: {  	s20 =	simm.s32 $_scs_section_size  }
0x12: {  	s4 =	simm.s32 $_size__tile_overlayer_lowered;
	s5 =	simm.s32 $_tile_overlayer_lowered  }
0x13: {  	s23 =	simm.s32 $0x1BFF;
	s22 =	sshll.u32 s5, $0x1;
	s1 =	sadd.s32 s20, s19  }
0x14: {  	s6 =	simm.s32 $0x0;
	s21 =	sshll.u32 s4, $0x1;
	s4 =	sadd.s32 s22, s1  }
0x15: {  	[timem:s6], [sflag:s23] =	dma.local [hbm:s4], s21  }
0x16: {  	_ =	swait.ge [sflag:s23], s21  }
0x17: {  	s2 =	ssub.s32 $0x0, s21;
	[sflag:s23] =	ssyncset.done $0x0  }
0x18: {  	[sflag:s23] =	ssyncadd.s32 s2;
	_ =	sdelay $0x1  }
0x19: {  	s24 =	simm.s32 $0x1B8B  }
0x1a: {  	_ =	swait.ge [sflag:s24], $0x1  }
0x1b: {  	[sflag:s24] =	ssyncset.done $0x0  }
0x1c: {  	s26 =	simm.s32 $0x1B8E;
	s25 =	sld [smem:$0x3FFE];
	[sflag:s24] =	ssyncadd.s32 $0xFFFFFFFF  }
0x1d: {  	s27 =	simm.s32 $execute0_lowered;
	[smem:$0x3FD2] =	sst s26  }
0x1e: {  	s4 =	sshll.u32 s27, $0x1;
	_ =	strace $0x80000046;
	[dreg:$0x1] =	wrdreg $0xFFFFFFFF  }
0x1f: {  	s28 =	simm.s32 $_size_execute0_lowered;
	s1 =	sadd.s32 s1, s4;
	[dreg:$0x0] =	wrdreg $0x0  }
0x20: {  	s4 =	sshll.u32 s28, $0x1;
	[dreg:$0x2] =	wrdreg s1  }
0x21: {  	[dreg:$0x3] =	wrdreg s4  }
0x22: {  	[dreg:$0x4] =	wrdreg $0xC0  }
0x23: {  	_ =	task [dreg:s6], $0x5FFFF  }
0x24: {  	[dreg:$0x1] =	wrdreg $0xFFFFFFFF  }
0x25: {  	[dreg:$0x0] =	wrdreg $0x60  }
0x26: {  	[dreg:$0x2] =	wrdreg s25  }
0x27: {  	[dreg:$0x3] =	wrdreg $0x9  }
0x28: {  	_ =	task.clear_ibuf [dreg:s6], $0x4FFFF;
	_ =	strace $0x90000046  }
0x29: {  	s29 =	simm.s32 $0x9;
	_ =	strace $0x80000048  }
0x2a: {  	_ =	swait.ge [sflag:s29], $0x1  }
0x2b: {  	[sflag:s29] =	ssyncadd.s32 $0xFFFFFFFF  }
0x2c: {  	_ =	strace $0x90000048  }
0x2d: {  	_ =	sfence  }
0x2e: {  	s30 =	sld [smem:$0x0];
	_ =	sdelay $0x2  }
0x2f: {  	s31 =	sshll.u32 s3, $0xD;
	s3 =	sshrl.u32 s3, $0x2  }
0x30: {  	s2 =	sand.u32 $0x4000, s31;
	s1 =	sadd.s32 s3, s30  }
0x31: {  	s0 =	sor.u32 s2, s0;
	s1 =	sshll.u32 s1, $0x11  }
0x32: {  	s0 =	sor.u32 s1, s0  }
0x33: {  	s0 =	sadd.s32 $0x8F2B, s0  }
0x34: {  	[sflag:s0] =	ssyncadd.remote.s32 $0x1  }
0x35: {  	_ =	sfence.sel $0xFFFF  }
0x36: {  	[dreg:$0x0] =	wrdreg $0xFFFFFFFF;
	(pc) =	sbr.abs _section_cstart, $3  }
0x37: {  	[dreg:$0x1] =	wrdreg $0xFFFFFFFF  }
0x38: {  	_ =	task.clear_ibuf [dreg:s6], $0x2FFFF;
	_ =	strace $0x9FFFFFFF  }
0x39: {  	(tm) =	ssettm $0x7FFFFFFF  }
tec
execute0_lowered:
.L_overlay_start_1:
0x0: {  	(tag) =	ssettag $0x1  }
0x1: {  	s1 =	srdreg.scid  }
0x2: {  	s0 =	stileid.u32;
	s8 =	rddreg [dreg:$0x0]  }
0x3: {  	s5 =	simm.s32 $0x1;
	s9 =	simm.s32 $0x2;
	s20 =	simm.s32 $0x0  }
0x4: {  	s10 =	simm.s32 $0xE800;
	s11 =	simm.s32 $0x400;
	s1 =	sshll.u32 s1, $0x4  }
0x5: {  	s19 =	simm.s32 $0x0;
	s18 =	simm.s32 $0x0;
	s1 =	sor.u32 s0, s1  }
0x6: {  	s17 =	simm.s32 $0x0;
	s12 =	simm.s32 $0x0;
	s2 =	sand.u32 $0x1E, s1  }
0x7: {  	s14 =	simm.s32 $0x0;
	s7 =	sshll.u32 s0, $0x7;
	s4 =	ssub.s32 $0x20, s2  }
0x8: {  	s16 =	simm.s32 $0x0;
	s7 =	sand.u32 $0x80, s7;
	s3 =	sand.u32 $0x1E, s4  }
0x9: {  	s1 =	rddreg [dreg:$0x1];
	_ =	strace $0x80000047;
	p0 =	sne.s32 s3, $0x0  }
.Ltmp0:
0xa: {  	s6 =	sshrl.u32 s4, $0x5;
	s5 =	simm.s32 @!p0 $0x0;
	(pc) =	sbr.rel .LBB1_1-.Ltmp0, $4  }
0xb: {  	s15 =	smov.u32 s7;
	s4 =	simm.s32 $0x1;
	s5 =	sadd.s32 s5, s6  }
0xc: {  	s13 =	smov.u32 s2;
	[sflag:s4] =	ssyncpa.u1 $0x0;
	s5 =	smul.u32 $0x57, s5  }
0xd: {  	s3 =	sadd.s32 $0x32EA00, s8;
	[sflag:s9] =	ssyncpa.u1 $0x0;
	p0 =	por $0x0, $0x0  }
0xe: {  	s6 =	sadd.s32 $0x2A00, s8;
	s8 =	sadd.s32 $0xD800, s8;
	s9 =	sadd.s32 $0x1, s5  }
.LBB1_6:
0xf: {  	s25 =	sshll.u32 s20, $0x8;
	s26 =	sshll.u32 s17, $0x3  }
0x10: {  	s31 =	sshll.u32 s20, $0x7;
	s25 =	sand.u32 $0xFFFFF800, s25;
	s26 =	sand.u32 $0xFFFFFC00, s26  }
0x11: {  	s20 =	sand.u32 $0x300, s31;
	s25 =	sadd.s32 s26, s25  }
0x12: {  	s20 =	sor.u32 s20, s25  }
0x13: {  	s19 =	smul.u32 $0xAE00, s19;
	s20 =	sshrl.u32 s20, $0x8  }
0x14: {  	s26 =	smulhi.u32 $0x2AAAAAB, s20  }
0x15: {  	v1 =	vperm.xlane.i2c.b16 v1;
	v0 =	vperm.xlane.i2c.b16 v0;
	s24 =	sshra.s32 s24, $0x2;
	s18 =	smul.u32 $0x600, s18;
	s27 =	sshrl.u32 s17, $0x3  }
0x16: {  	s29 =	sand.u32 $0x7, s17;
	s23 =	sadd.s32 s24, s23;
	s25 =	smul.u32 $0x60, s26  }
0x17: {  	s24 =	sand.u32 $0xF, s27;
	s17 =	sshll.u32 s29, $0x12;
	v2 =	vcombine.low v0, v1;
	s28 =	sadd.s32 s18, s19  }
0x18: {  	v0 =	vcombine.high v0, v1;
	s18 =	sadd.s32 s18, s8;
	s20 =	ssub.s32 s20, s25;
	s25 =	sadd.s32 s6, s28  }
0x19: {  	s18 =	sadd.s32 s24, s18;
	[tilespmem:s23+$0x0 ss:$0x81] =	vst.msk $0xffff, v2;
	s20 =	sshll.u32 s20, $0x4;
	s25 =	sadd.s32 s24, s25  }
0x1a: {  	s17 =	sor.u32 $0x200, s17;
	s18 =	sadd.s32 s19, s18;
	[tilespmem:s23+$0x810 ss:$0x81] =	vst.msk $0xffff, v0;
	s30 =	sadd.s32 s20, s25  }
0x1b: {  	[hbm4b:s30+s17] =	stream.strided.scatter [tilespmem:s22], [sflag:$0x2], $0x800, s11, s17, $0x20;
	[tilespmem:$0x4040] =	vst v63  }
0x1c: {  	s31 =	sadd.s32 $0x2810, s21;
	s18 =	sadd.s32 s20, s18  }
0x1d: {  	[hbm4b:s18+s17] =	stream.strided.scatter [tilespmem:s31], [sflag:$0x2], $0x800, s11, s17, $0x20;
	[tilespmem:$0x4040] =	vst v63  }
.LBB1_7:
0x1e: {  	s21 =	sadd.s32 $0x20, s12  }
0x1f: {  	s17 =	sadd.s32 $0x20, s13;
	s22 =	smov.u32 s13;
	p2 =	sgt.s32 s21, $0x5F  }
0x20: {  	s22 =	smov.u32 @p2 s17  }
0x21: {  	s17 =	simm.s32 $0x1;
	p3 =	sgt.s32 s22, $0x1F  }
0x22: {  	s17 =	simm.s32 @!p3 $0x0  }
0x23: {  	s23 =	sadd.s32 s17, s14  }
0x24: {  	s24 =	smov.u32 s15;
	s17 =	sadd.s32 $0x100, s15;
	p4 =	sgt.s32 s23, $0x1C  }
0x25: {  	p1 =	slt.u32 s16, $0x2;
	s24 =	smov.u32 @p4 s17  }
0x26: {  	s20 =	smov.u32 s12;
	s21 =	simm.s32 @p2 $0x0;
	p2 =	sgt.s32 s24, $0xDF  }
0x27: {  	s25 =	simm.s32 @!p1 $0x2;
	s24 =	smov.u32 @p2 s7;
	p2 =	sne.s32 s16, s9  }
.Ltmp1:
0x28: {  	s19 =	smov.u32 s13;
	_ =	swait.ge @!p1 [sflag:s25], $0x1000;
	(pc) =	sbr.rel @!p2 .LBB1_8-.Ltmp1, $4  }
0x29: {  	s18 =	smov.u32 s14;
	p0 =	por !p0, !p0;
	[sflag:s25] =	ssyncset.done @!p1 $0x0  }
0x2a: {  	s12 =	smov.u32 s21;
	s22 =	smov.u32 @p3 s2;
	[sflag:s25] =	ssyncadd.s32 @!p1 $0xFFFFF000  }
0x2b: {  	s13 =	smov.u32 s22;
	s23 =	simm.s32 @p4 $0x0;
	s17 =	smov.u32 s15  }
0x2c: {  	s14 =	smov.u32 s23;
	s16 =	sadd.s32 $0x1, s16;
	s15 =	smov.u32 s24  }
.LBB1_1:
0x2d: {  	p1 =	sge.u32 s16, s5  }
.Ltmp2:
0x2e: {  	_ = 	snop;
	(pc) =	sbr.rel @p1 .LBB1_3-.Ltmp2, $1  }
0x2f: {  	_ =	sdelay $0x3  }
0x30: {  	p1 =	sgt.s32 s15, $0x60;
	s21 =	smov.u32 s15  }
0x31: {  	s22 =	sshra.s32 s15, $0x1F;
	s23 =	smov.u32 s14;
	s24 =	sshra.s32 s14, $0x1F  }
0x32: {  	s26 =	sshra.s32 s13, $0x1F;
	s28 =	sshra.s32 s12, $0x1F;
	s29 =	sshll.u32 s12, $0x3  }
0x33: {  	s21 =	simm.s32 @!p1 $0x60;
	s22 =	sand.u32 s22, s15;
	p1 =	sgt.s32 s14, $0x1C  }
0x34: {  	s31 =	sand.u32 s24, s14;
	s24 =	sshll.u32 s13, $0x7;
	s27 =	sand.u32 s26, s13  }
0x35: {  	s21 =	ssub.s32 s21, s22;
	s23 =	simm.s32 @!p1 $0x1C;
	s30 =	sand.u32 $0xC00, s24  }
0x36: {  	s25 =	sadd.s32 $0xFFFFFFA0, s21;
	s22 =	ssub.s32 s23, s31;
	s21 =	ssub.s32 $0xE0, s21  }
0x37: {  	p1 =	sgt.s32 s25, $0x7F;
	s23 =	sadd.s32 $0xFFFFFFE4, s22;
	s22 =	ssub.s32 $0x1D, s22  }
0x38: {  	s25 =	sand.u32 s28, s12;
	s21 =	simm.s32 @p1 $0x0;
	p1 =	sgt.s32 s23, $0x0  }
0x39: {  	s23 =	smov.u32 s13;
	s22 =	simm.s32 @p1 $0x0;
	p1 =	sgt.s32 s13, $0x1E  }
0x3a: {  	s28 =	sshll.u32 s12, $0x1;
	s21 =	smul.u32 s21, s22;
	s23 =	simm.s32 @!p1 $0x1E  }
0x3b: {  	p1 =	sgt.s32 s12, $0x60;
	s22 =	ssub.s32 s23, s27;
	s23 =	smov.u32 s12  }
0x3c: {  	s27 =	sand.u32 $0x300, s24;
	s24 =	sand.u32 $0x80, s28;
	s28 =	sshrl.u32 s12, $0x3  }
0x3d: {  	s26 =	sadd.s32 $0xFFFFFFE2, s22;
	s23 =	simm.s32 @!p1 $0x60;
	s22 =	ssub.s32 $0x20, s22  }
0x3e: {  	p1 =	sgt.s32 s26, $0x1;
	s23 =	ssub.s32 s23, s25;
	s26 =	sand.u32 $0xC00, s29  }
0x3f: {  	s25 =	sadd.s32 s30, s26;
	s22 =	simm.s32 @p1 $0x0;
	s30 =	smul.u32 $0x1D00, s15  }
0x40: {  	s31 =	sadd.s32 $0xFFFFFFA0, s23;
	s26 =	sand.u32 $0x7, s28;
	s21 =	smul.u32 s22, s21  }
0x41: {  	p1 =	sgt.s32 s31, $0x1F;
	s22 =	ssub.s32 $0x80, s23;
	s23 =	sor.u32 s27, s25  }
0x42: {  	s31 =	sxor.u32 $0xFFFFFFFF, s16;
	s27 =	sshll.u32 s14, $0x8;
	s22 =	simm.s32 @p1 $0x0  }
0x43: {  	s29 =	sor.u32 s24, s23;
	s23 =	sadd.s32 s3, s30;
	s24 =	sshll.u32 s31, $0xC  }
0x44: {  	s21 =	smul.u32 s22, s21;
	s22 =	sshrl.u32 s29, $0x4;
	s23 =	sadd.s32 s27, s23  }
0x45: {  	s29 =	sand.u32 $0x7, s12;
	s30 =	sand.u32 $0x1000, s24;
	s22 =	sand.u32 $0xF8, s22  }
0x46: {  	s23 =	sadd.s32 s26, s23;
	s25 =	sshll.u32 s29, $0x12;
	s21 =	sshrl.u32 s21, $0x1  }
0x47: {  	s22 =	sadd.s32 s22, s23;
	s31 =	sor.u32 $0x20, s25;
	s21 =	sand.u32 $0x3FFFFFFF, s21  }
0x48: {  	[tilespmem:s30], [sflag:$0x1] =	stream.strided.gather [hbm4b:s22+s31], s21, s10, s31, $0x38;
	[tilespmem:$0x4040] =	vst v63  }
.LBB1_3:
0x49: {  	s21 =	sadd.s32 $0xFFFFFFFF, s16  }
0x4a: {  	p1 =	sge.u32 s21, s5  }
.Ltmp3:
0x4b: {  	_ = 	snop;
	(pc) =	sbr.rel @p1 .LBB1_7-.Ltmp3, $1  }
0x4c: {  	_ =	sdelay $0x3  }
0x4d: {  	p1 =	sgt.s32 s17, $0x60;
	s21 =	smov.u32 s17;
	s22 =	sshra.s32 s17, $0x1F  }
0x4e: {  	s23 =	smov.u32 s18;
	s24 =	sshra.s32 s18, $0x1F;
	s27 =	sshra.s32 s19, $0x1F  }
0x4f: {  	s21 =	simm.s32 @!p1 $0x60;
	s22 =	sand.u32 s22, s17;
	p1 =	sgt.s32 s18, $0x1C  }
0x50: {  	s25 =	sand.u32 s24, s18;
	s21 =	ssub.s32 s21, s22;
	s23 =	simm.s32 @!p1 $0x1C  }
0x51: {  	s29 =	sshra.s32 s20, $0x1F;
	s26 =	sadd.s32 $0xFFFFFFA0, s21;
	s22 =	ssub.s32 s23, s25  }
0x52: {  	s21 =	ssub.s32 $0xE0, s21;
	p1 =	sgt.s32 s26, $0x7F;
	s23 =	sadd.s32 $0xFFFFFFE4, s22  }
0x53: {  	s22 =	ssub.s32 $0x1D, s22;
	s21 =	simm.s32 @p1 $0x0;
	p1 =	sgt.s32 s23, $0x0  }
0x54: {  	s23 =	smov.u32 s19;
	s22 =	simm.s32 @p1 $0x0;
	p1 =	sgt.s32 s19, $0x1E  }
0x55: {  	s28 =	sand.u32 s27, s19;
	s21 =	smul.u32 s21, s22;
	s23 =	simm.s32 @!p1 $0x1E  }
0x56: {  	p1 =	sgt.s32 s20, $0x60;
	s22 =	ssub.s32 s23, s28;
	s23 =	smov.u32 s20  }
0x57: {  	s24 =	sand.u32 s29, s20;
	s25 =	sadd.s32 $0xFFFFFFE2, s22;
	s23 =	simm.s32 @!p1 $0x60  }
0x58: {  	s22 =	ssub.s32 $0x20, s22;
	p1 =	sgt.s32 s25, $0x1;
	s23 =	ssub.s32 s23, s24  }
0x59: {  	s22 =	simm.s32 @p1 $0x0;
	s24 =	sadd.s32 $0xFFFFFFA0, s23  }
0x5a: {  	s21 =	smul.u32 s22, s21;
	p1 =	sgt.s32 s24, $0x1F;
	s22 =	ssub.s32 $0x80, s23  }
0x5b: {  	s22 =	simm.s32 @p1 $0x0  }
0x5c: {  	s21 =	smul.u32 s22, s21;
	_ =	sdelay $0x1  }
0x5d: {  	s23 =	simm.s32 $0x1;
	s21 =	sshrl.u32 s21, $0x1  }
0x5e: {  	s23 =	simm.s32 @!p0 $0x0;
	s21 =	sand.u32 $0x3FFFFFFF, s21  }
0x5f: {  	s30 =	smul.u32 $0x4080, s23;
	_ =	swait.ge [sflag:s4], s21  }
0x60: {  	s23 =	sshll.u32 s23, $0xC;
	s21 =	ssub.s32 $0x0, s21;
	[sflag:s4] =	ssyncset.done $0x0  }
0x61: {  	s26 =	sor.u32 $0x10, s23;
	[sflag:s4] =	ssyncadd.s32 s21  }
0x62: {  	v0 =	vld [tilespmem:s26+$0xFFFFFFF0]  }
0x63: {  	s31 =	sand.u32 $0x1, s16;
	v1 =	vld [tilespmem:s26+$0x0]  }
0x64: {  	s24 =	smul.u32 $0x4080, s31  }
0x65: {  	s22 =	sshrl.u32 s30, $0x2  }
0x66: {  	s25 =	simm.s32 $0x4;
	s23 =	sor.u32 $0x2000, s22;
	s21 =	sshrl.u32 s24, $0x2  }
0x67: {  	s24 =	simm.s32 $0x0;
	s22 =	sor.u32 $0x2000, s21;
	s26 =	sadd.s32 $0x20, s26  }
.LBB1_5:
0x68: {  	v2 =	vperm.xlane.i2c.b16 v1;
	v3 =	vperm.xlane.i2c.b16 v0;
	v0 =	vld [tilespmem:s26+$0xFFFFFFF0];
	s27 =	smov.u32 s25;
	p1 =	sne.s32 s25, $0x1FC  }
.Ltmp4:
0x69: {  	v1 =	vld [tilespmem:s26+$0x0];
	(pc) =	sbr.rel @p1 .LBB1_5-.Ltmp4, $4  }
0x6a: {  	s25 =	sadd.s32 $0x4, s25;
	s24 =	sshra.s32 s24, $0x2;
	v4 =	vcombine.low v3, v2  }
0x6b: {  	s28 =	sadd.s32 s24, s23;
	s24 =	smov.u32 s27;
	v2 =	vcombine.high v3, v2  }
0x6c: {  	[tilespmem:s28+$0x0 ss:$0x81] =	vst.msk $0xffff, v4  }
0x6d: {  	s26 =	sadd.s32 $0x20, s26;
	[tilespmem:s28+$0x810 ss:$0x81] =	vst.msk $0xffff, v2  }
.Ltmp5:
0x6e: {  	_ = 	snop;
	(pc) =	sbr.rel .LBB1_6-.Ltmp5, $1  }
0x6f: {  	_ =	sdelay $0x3  }
.LBB1_8:
0x70: {  	_ =	sfence.sel $0x180000  }
0x71: {  	s2 =	simm.s32 $0x1;
	[bflag:$0x0] =	sbarrier.arrive $0xFFFF  }
0x72: {  	s31 =	simm.s32 $0x2;
	[sflag:s2] =	ssyncpa.u1 $0x1  }
0x73: {  	[sflag:s31] =	ssyncpa.u1 $0x1  }
0x74: {  	p0 =	sne.s32 s0, $0x0;
	_ =	strace $0x90000047  }
0x75: {  	s0 =	sadd.s32 @!p0 $0x100000, s1;
	[bflag:$0x2] =	sbarrier.arrive $0xFFFF  }
0x76: {  	[sflag:s0] =	ssyncadd.tile.s32 @!p0 $0x1;
	_ =	shalt  }
.Lfunc_end1:
_tile_overlayer_lowered:
.L_overlay_start_2:
0x77: {  	(tag) =	ssettag $0x2  }
0x78: {  	s0 =	rddreg [dreg:$0x0];
	s2 =	stileid.u32  }
0x79: {  	s1 =	rddreg [dreg:$0x1];
	p0 =	sne.s32 s2, $0x0  }
0x7a: {  	s3 =	rddreg [dreg:$0x2];
	[bflag:$0x3] =	sbarrier.arrive $0xFFFF;
	s2 =	simm.s32 @!p0 $0x1C01  }
0x7b: {  	[timem:s3], [sflag:s2] =	dma.local @!p0 [hbm:s0], s1  }
0x7c: {  	s0 =	simm.s32 @!p0 $0x1  }
0x7d: {  	_ =	swait.ge @!p0 [sflag:s0], s1  }
0x7e: {  	s1 =	ssub.s32 @!p0 $0x0, s1;
	[sflag:s0] =	ssyncset.done @!p0 $0x0  }
0x7f: {  	[sflag:s0] =	ssyncadd.s32 @!p0 s1  }
0x80: {  	[bflag:$0x3] =	sbarrier.arrive $0xFFFF  }
0x81: {  	_ =	shalt  }

// kernel: sparse-core-data-format-call.cloned.1.call-start
scs
called_computation.3_lowered:
.L_overlay_start_0:
0x0: {  	s1 =	sld [smem:$0x3FD9]  }
0x1: {  	s2 =	sld [smem:$0x3FFE];
	_ =	sdelay $0x1  }
0x2: {  	s3 =	srdreg.scid  }
0x3: {  	s0 =	sand.u32 $0x1, s3  }
0x4: {  	s17 =	sshll.u32 s0, $0xA;
	s1 =	sadd.s32 s2, s1  }
0x5: {  	s1 =	sadd.s32 s1, s17  }
0x6: {  	[smem:$0x3F9A] =	sst s1  }
0x7: {  	_ = 	snop  }
0x8: {  	(tm) =	ssettm $0x1  }
0x9: {  	s18 =	sld [smem:$0x3FFB];
	_ =	sdelay $0x3  }
0xa: {  	_ =	strace s18  }
0xb: {  	s1 =	sld [smem:$0x3FFC];
	_ =	sdelay $0x3  }
0xc: {  	_ =	strace s1  }
0xd: {  	s1 =	sld [smem:$0x3FFD];
	_ =	sdelay $0x3  }
0xe: {  	_ =	strace s1  }
0xf: {  	_ =	strace $0x8FFFFFFF  }
0x10: {  	s19 =	sld [smem:$0x3FDB];
	_ =	sdelay $0x1  }
0x11: {  	s20 =	simm.s32 $_scs_section_size  }
0x12: {  	s4 =	simm.s32 $_size__tile_overlayer_lowered;
	s5 =	simm.s32 $_tile_overlayer_lowered  }
0x13: {  	s23 =	simm.s32 $0x1BFF;
	s22 =	sshll.u32 s5, $0x1;
	s1 =	sadd.s32 s20, s19  }
0x14: {  	s6 =	simm.s32 $0x0;
	s21 =	sshll.u32 s4, $0x1;
	s4 =	sadd.s32 s22, s1  }
0x15: {  	[timem:s6], [sflag:s23] =	dma.local [hbm:s4], s21  }
0x16: {  	_ =	swait.ge [sflag:s23], s21  }
0x17: {  	s2 =	ssub.s32 $0x0, s21;
	[sflag:s23] =	ssyncset.done $0x0  }
0x18: {  	[sflag:s23] =	ssyncadd.s32 s2;
	_ =	sdelay $0x1  }
0x19: {  	s24 =	simm.s32 $0x1B8B  }
0x1a: {  	_ =	swait.ge [sflag:s24], $0x1  }
0x1b: {  	[sflag:s24] =	ssyncset.done $0x0  }
0x1c: {  	s26 =	simm.s32 $0x1B8E;
	s25 =	sld [smem:$0x3FFE];
	[sflag:s24] =	ssyncadd.s32 $0xFFFFFFFF  }
0x1d: {  	s27 =	simm.s32 $execute0_lowered;
	[smem:$0x3FD2] =	sst s26  }
0x1e: {  	s4 =	sshll.u32 s27, $0x1;
	_ =	strace $0x80000061;
	[dreg:$0x1] =	wrdreg $0xFFFFFFFF  }
0x1f: {  	s28 =	simm.s32 $_size_execute0_lowered;
	s1 =	sadd.s32 s1, s4;
	[dreg:$0x0] =	wrdreg $0x0  }
0x20: {  	s4 =	sshll.u32 s28, $0x1;
	[dreg:$0x2] =	wrdreg s1  }
0x21: {  	[dreg:$0x3] =	wrdreg s4  }
0x22: {  	[dreg:$0x4] =	wrdreg $0xC0  }
0x23: {  	_ =	task [dreg:s6], $0x5FFFF  }
0x24: {  	[dreg:$0x1] =	wrdreg $0xFFFFFFFF  }
0x25: {  	[dreg:$0x0] =	wrdreg $0x60  }
0x26: {  	[dreg:$0x2] =	wrdreg s25  }
0x27: {  	[dreg:$0x3] =	wrdreg $0x9  }
0x28: {  	_ =	task.clear_ibuf [dreg:s6], $0x4FFFF;
	_ =	strace $0x90000061  }
0x29: {  	s29 =	simm.s32 $0x9;
	_ =	strace $0x80000063  }
0x2a: {  	_ =	swait.ge [sflag:s29], $0x1  }
0x2b: {  	[sflag:s29] =	ssyncadd.s32 $0xFFFFFFFF  }
0x2c: {  	_ =	strace $0x90000063  }
0x2d: {  	_ =	sfence  }
0x2e: {  	s30 =	sld [smem:$0x0];
	_ =	sdelay $0x2  }
0x2f: {  	s31 =	sshll.u32 s3, $0xD;
	s3 =	sshrl.u32 s3, $0x2  }
0x30: {  	s2 =	sand.u32 $0x4000, s31;
	s1 =	sadd.s32 s3, s30  }
0x31: {  	s0 =	sor.u32 s2, s0;
	s1 =	sshll.u32 s1, $0x11  }
0x32: {  	s0 =	sor.u32 s1, s0  }
0x33: {  	s0 =	sadd.s32 $0x8F2B, s0  }
0x34: {  	[sflag:s0] =	ssyncadd.remote.s32 $0x1  }
0x35: {  	_ =	sfence.sel $0xFFFF  }
0x36: {  	[dreg:$0x0] =	wrdreg $0xFFFFFFFF;
	(pc) =	sbr.abs _section_cstart, $3  }
0x37: {  	[dreg:$0x1] =	wrdreg $0xFFFFFFFF  }
0x38: {  	_ =	task.clear_ibuf [dreg:s6], $0x2FFFF;
	_ =	strace $0x9FFFFFFF  }
0x39: {  	(tm) =	ssettm $0x7FFFFFFF  }
tec
execute0_lowered:
.L_overlay_start_1:
0x0: {  	(tag) =	ssettag $0x1  }
0x1: {  	s0 =	stileid.u32  }
0x2: {  	s2 =	srdreg.scid;
	s7 =	rddreg [dreg:$0x0]  }
0x3: {  	_ =	strace $0x80000062;
	s9 =	simm.s32 $0x2;
	s1 =	sshrl.u32 s0, $0x1  }
0x4: {  	s20 =	simm.s32 $0x0;
	s10 =	simm.s32 $0x20000;
	s1 =	sand.u32 $0x6, s1  }
0x5: {  	s23 =	simm.s32 $0x0;
	s21 =	simm.s32 $0x0;
	s3 =	ssub.s32 $0x8, s1  }
0x6: {  	s22 =	simm.s32 $0x0;
	s2 =	sand.u32 $0x1, s2;
	s4 =	sand.u32 $0x6, s3  }
0x7: {  	s5 =	ssub.s32 $0x20, s2;
	p0 =	sne.s32 s4, $0x0;
	s4 =	simm.s32 $0x1  }
0x8: {  	s6 =	sshrl.u32 s5, $0x1;
	s3 =	sshrl.u32 s3, $0x3;
	s4 =	simm.s32 @!p0 $0x0  }
0x9: {  	s11 =	simm.s32 $0x0;
	s5 =	ssub.s32 s5, s6;
	s4 =	sadd.s32 s4, s3  }
0xa: {  	s12 =	simm.s32 $0x0;
	s13 =	simm.s32 $0x0;
	s6 =	smul.u32 s4, s5  }
.Ltmp0:
0xb: {  	s15 =	simm.s32 $0x0;
	s14 =	simm.s32 $0x0;
	(pc) =	sbr.rel .LBB1_1-.Ltmp0, $4  }
0xc: {  	s19 =	simm.s32 $0x0;
	s8 =	sand.u32 $0x3, s0;
	s16 =	smov.u32 s2  }
0xd: {  	s18 =	smov.u32 s8;
	s5 =	simm.s32 $0x1;
	s6 =	smul.u32 $0x3, s6  }
0xe: {  	s17 =	smov.u32 s1;
	s4 =	sadd.s32 $0x557A00, s7;
	[sflag:s5] =	ssyncpa.u1 $0x0  }
0xf: {  	s7 =	sadd.s32 $0x2A00, s7;
	[sflag:s9] =	ssyncpa.u1 $0x0;
	s9 =	sadd.s32 $0x1, s6  }
.LBB1_7:
0x10: {  	p0 =	slt.u32 s19, $0x2;
	s0 =	smov.u32 s23;
	s25 =	smov.u32 s17  }
0x11: {  	p1 =	sgt.s32 @!p0 s23, $0x1F;
	s3 =	sshra.s32 @!p0 s23, $0x1F;
	s24 =	sshra.s32 @!p0 s22, $0x1F  }
0x12: {  	p2 =	sgt.s32 @!p0 s21, $0x6;
	p1 =	por !p1, p0;
	s3 =	sand.u32 @!p0 s3, s23  }
0x13: {  	s23 =	smov.u32 s22;
	s0 =	simm.s32 @p1 $0x1F;
	p1 =	sgt.s32 @!p0 s22, $0x3  }
0x14: {  	p2 =	por !p2, p0;
	p1 =	por !p1, p0;
	s0 =	ssub.s32 @!p0 s0, s3  }
0x15: {  	s3 =	sand.u32 @!p0 s24, s22;
	s24 =	smov.u32 s16;
	s23 =	simm.s32 @p1 $0x3  }
0x16: {  	s22 =	sadd.s32 @!p0 $0xFFFFFFE1, s0;
	s0 =	ssub.s32 @!p0 $0x20, s0;
	s3 =	ssub.s32 @!p0 s23, s3  }
0x17: {  	p1 =	sgt.s32 @!p0 s22, $0x0;
	s23 =	smov.u32 s21;
	s22 =	sadd.s32 @!p0 $0xFFFFFFFD, s3  }
0x18: {  	s23 =	simm.s32 @p2 $0x6;
	p2 =	sgt.s32 @!p0 s22, $0x0;
	s22 =	sshra.s32 @!p0 s21, $0x1F  }
0x19: {  	s3 =	ssub.s32 @!p0 $0x4, s3;
	p2 =	por !p2, p0;
	s21 =	sand.u32 @!p0 s22, s21  }
0x1a: {  	s3 =	simm.s32 @!p2 $0x0;
	s21 =	ssub.s32 @!p0 s23, s21;
	p2 =	sgt.s32 @!p0 s20, $0xC0  }
0x1b: {  	s23 =	smov.u32 s20;
	s22 =	sadd.s32 @!p0 $0xFFFFFFFA, s21;
	p2 =	por !p2, p0  }
0x1c: {  	s23 =	simm.s32 @p2 $0xC0;
	p2 =	sgt.s32 @!p0 s22, $0x1;
	s22 =	sshra.s32 @!p0 s20, $0x1F  }
0x1d: {  	s21 =	ssub.s32 @!p0 $0x8, s21;
	p2 =	por !p2, p0;
	s20 =	sand.u32 @!p0 s22, s20  }
0x1e: {  	s0 =	smul.u32 @!p0 $0xDF, s0;
	s21 =	simm.s32 @!p2 $0x0;
	s20 =	ssub.s32 @!p0 s23, s20  }
0x1f: {  	p1 =	por !p1, p0;
	s22 =	sadd.s32 @!p0 $0xFFFFFF40, s20;
	s3 =	smul.u32 @!p0 s3, s21  }
0x20: {  	s0 =	simm.s32 @!p1 $0x0;
	s20 =	ssub.s32 @!p0 $0x100, s20;
	p1 =	sgt.s32 @!p0 s22, $0x3F  }
0x21: {  	p1 =	por !p1, p0;
	s0 =	smul.u32 @!p0 s0, s3;
	s3 =	sadd.s32 $0x40, s14  }
0x22: {  	s21 =	sadd.s32 $0x2, s16;
	s20 =	simm.s32 @!p1 $0x0;
	p1 =	sgt.s32 s3, $0xBF  }
0x23: {  	s26 =	smov.u32 s18;
	s27 =	simm.s32 @!p0 $0x2;
	s24 =	smov.u32 @p1 s21  }
0x24: {  	s0 =	smul.u32 @!p0 s20, s0;
	s20 =	sadd.s32 $0x8, s17;
	p2 =	sgt.s32 s24, $0x1F  }
0x25: {  	s23 =	smov.u32 s12;
	s12 =	smov.u32 s16;
	s25 =	smov.u32 @p2 s20  }
0x26: {  	s3 =	simm.s32 @p1 $0x0;
	s20 =	sadd.s32 $0x4, s18;
	p1 =	sgt.s32 s25, $0x7  }
0x27: {  	s22 =	smov.u32 s15;
	s15 =	smov.u32 s18;
	s26 =	smov.u32 @p1 s20  }
0x28: {  	s21 =	smov.u32 s13;
	s25 =	smov.u32 @p1 s1;
	p1 =	sgt.s32 s26, $0x3  }
0x29: {  	s0 =	sshrl.u32 @!p0 s0, $0x1;
	s26 =	smov.u32 @p1 s8;
	p1 =	sne.s32 s19, s9  }
.Ltmp1:
0x2a: {  	s24 =	smov.u32 @p2 s2;
	s0 =	sand.u32 @!p0 $0x3FFFFFFF, s0;
	(pc) =	sbr.rel @!p1 .LBB1_8-.Ltmp1, $4  }
0x2b: {  	s13 =	smov.u32 s17;
	s16 =	smov.u32 s24;
	_ =	swait.ge @!p0 [sflag:s27], s0  }
0x2c: {  	s0 =	ssub.s32 @!p0 $0x0, s0;
	s20 =	smov.u32 s11;
	s11 =	smov.u32 s14  }
0x2d: {  	s14 =	smov.u32 s3;
	[sflag:s27] =	ssyncset.done @!p0 $0x0;
	s17 =	smov.u32 s25  }
0x2e: {  	s19 =	sadd.s32 $0x1, s19;
	[sflag:s27] =	ssyncadd.s32 @!p0 s0;
	s18 =	smov.u32 s26  }
.LBB1_1:
0x2f: {  	p0 =	sge.u32 s19, s6  }
0x30: {  	s24 =	sshll.u32 @!p0 s14, $0x8;
	s25 =	sshll.u32 @!p0 s14, $0x7  }
0x31: {  	s24 =	sand.u32 @!p0 $0xFFFFF800, s24;
	s25 =	sand.u32 @!p0 $0x300, s25  }
0x32: {  	s24 =	sor.u32 @!p0 s25, s24  }
0x33: {  	s26 =	smul.u32 @!p0 $0xC0000, s18;
	s24 =	sshrl.u32 @!p0 s24, $0x8  }
0x34: {  	s25 =	smulhi.u32 @!p0 $0x1555556, s24  }
0x35: {  	s27 =	smul.u32 @!p0 $0x18000, s17  }
0x36: {  	s25 =	smul.u32 @!p0 $0xC0, s25  }
0x37: {  	s28 =	smul.u32 @!p0 $0xC00, s16;
	s26 =	sadd.s32 @!p0 s4, s26  }
0x38: {  	s24 =	ssub.s32 @!p0 s24, s25;
	s25 =	sadd.s32 @!p0 s27, s26  }
0x39: {  	s26 =	sxor.u32 @!p0 $0xFFFFFFFF, s19;
	s24 =	sshll.u32 @!p0 s24, $0x4;
	s25 =	sadd.s32 @!p0 s28, s25  }
0x3a: {  	s31 =	sadd.s32 $0xFFFFFFFF, s19;
	s24 =	sadd.s32 @!p0 s24, s25;
	s25 =	sshll.u32 @!p0 s26, $0xE  }
0x3b: {  	s27 =	simm.s32 @!p0 $0xC0000;
	s26 =	simm.s32 @!p0 $0x2000;
	s25 =	sand.u32 @!p0 $0x4000, s25  }
0x3c: {  	[tilespmem:s25], [sflag:$0x1] =	stream.strided.gather @!p0 [hbm4b:s24+s26], $0x4000, s27, s26, $0x38;
	[tilespmem:$0x10200] =	vst v63  }
0x3d: {  	p0 =	sge.u32 s31, s6  }
.Ltmp2:
0x3e: {  	_ = 	snop;
	(pc) =	sbr.rel @p0 .LBB1_7-.Ltmp2, $1  }
0x3f: {  	_ =	sdelay $0x3  }
0x40: {  	s24 =	sand.u32 $0x1, s19  }
0x41: {  	_ =	swait.ge [sflag:s5], $0x4000;
	s25 =	smul.u32 $0x10400, s24  }
0x42: {  	[sflag:s5] =	ssyncset.done $0x0  }
0x43: {  	[sflag:s5] =	ssyncadd.s32 $0xFFFFC000;
	s26 =	sshrl.u32 s25, $0x2  }
0x44: {  	s25 =	sshll.u32 s24, $0xE;
	s24 =	sor.u32 $0x8000, s26;
	s26 =	simm.s32 $0x0  }
.LBB1_3:
0x45: {  	s27 =	sshll.u32 s26, $0x7  }
0x46: {  	s28 =	sshll.u32 s26, $0x6;
	s27 =	sand.u32 $0x1C00, s27  }
0x47: {  	s28 =	sand.u32 $0x180, s28;
	s29 =	sadd.s32 s27, s25  }
0x48: {  	s29 =	sadd.s32 s28, s29  }
0x49: {  	s27 =	sshll.u32 s26, $0x1;
	v0 =	vmov s29  }
0x4a: {  	s28 =	sor.u32 $0x2, s27  }
0x4b: {  	p0 =	por $0x1, $0x1;
	s28 =	sshrl.u32 s28, $0x1;
	s29 =	simm.s32 $0x0  }
.LBB1_4:
0x4c: {  	s30 =	sshll.u32 s29, $0x2  }
0x4d: {  	s31 =	sand.u32 $0x3FFFFFFC, s30  }
0x4e: {  	v1 =	vld.idx.msk [tilespmem:v0+s31+$0x0 ss:$0x1], $0xffff  }
0x4f: {  	v2 =	vld.idx.msk [tilespmem:v0+s31+$0x2000 ss:$0x1], $0xffff  }
0x50: {  	v3 =	vld.idx.msk [tilespmem:v0+s31+$0x10 ss:$0x1], $0xffff  }
0x51: {  	s29 =	smul.u32 $0x104, s29;
	v4 =	vld.idx.msk [tilespmem:v0+s31+$0x2010 ss:$0x1], $0xffff  }
0x52: {  	v5 =	vld.idx.msk [tilespmem:v0+s31+$0x20 ss:$0x1], $0xffff  }
0x53: {  	s29 =	sshra.s32 s29, $0x2;
	v6 =	vld.idx.msk [tilespmem:v0+s31+$0x2020 ss:$0x1], $0xffff  }
0x54: {  	v9 =	vld.idx.msk [tilespmem:v0+s31+$0x30 ss:$0x1], $0xffff;
	s30 =	sadd.s32 s29, s24;
	s29 =	sshrl.u32 s27, $0x1;
	v7 =	vunpack.i.l.s16.s32 v1;
	v8 =	vunpack.i.l.s16.s32 v2  }
0x55: {  	v51 =	vld.idx.msk [tilespmem:v0+s31+$0x2030 ss:$0x1], $0xffff;
	s3 =	sadd.s32 s29, s30;
	v1 =	vunpack.i.u.s16.s32 v1;
	v2 =	vunpack.i.u.s16.s32 v2;
	v7 =	vpack.i.b32.b16 v8, v7  }
0x56: {  	v10 =	vld.idx.msk [tilespmem:v0+s31+$0x40 ss:$0x1], $0xffff;
	s0 =	sadd.s32 $0x410, s30;
	v52 =	vunpack.i.l.s16.s32 v4;
	v1 =	vpack.i.b32.b16 v2, v1;
	v2 =	vunpack.i.l.s16.s32 v3;
	[tilespmem:s3+$0x0 ss:$0x41] =	vst.msk $0xffff, v7;
	s3 =	sadd.s32 s28, s30  }
0x57: {  	v53 =	vld.idx.msk [tilespmem:v0+s31+$0x2040 ss:$0x1], $0xffff;
	v2 =	vpack.i.b32.b16 v52, v2;
	[tilespmem:s3+$0x0 ss:$0x41] =	vst.msk $0xffff, v1;
	v1 =	vunpack.i.u.s16.s32 v3;
	v3 =	vunpack.i.u.s16.s32 v4;
	s3 =	sadd.s32 s29, s0  }
0x58: {  	v54 =	vld.idx.msk [tilespmem:v0+s31+$0x50 ss:$0x1], $0xffff;
	s0 =	sadd.s32 s28, s0;
	[tilespmem:s3+$0x0 ss:$0x41] =	vst.msk $0xffff, v2;
	v1 =	vpack.i.b32.b16 v3, v1;
	v2 =	vunpack.i.l.s16.s32 v5;
	v3 =	vunpack.i.l.s16.s32 v6;
	s3 =	sadd.s32 $0x820, s30  }
0x59: {  	v55 =	vunpack.i.u.s16.s32 v6;
	[tilespmem:s0+$0x0 ss:$0x41] =	vst.msk $0xffff, v1;
	v1 =	vunpack.i.u.s16.s32 v5;
	v2 =	vpack.i.b32.b16 v3, v2;
	s0 =	sadd.s32 s29, s3;
	v3 =	vld.idx.msk [tilespmem:v0+s31+$0x2050 ss:$0x1], $0xffff  }
0x5a: {  	v57 =	vld.idx.msk [tilespmem:v0+s31+$0x60 ss:$0x1], $0xffff;
	v56 =	vunpack.i.l.s16.s32 v51;
	[tilespmem:s0+$0x0 ss:$0x41] =	vst.msk $0xffff, v2;
	v1 =	vpack.i.b32.b16 v55, v1;
	s0 =	sadd.s32 s28, s3;
	v2 =	vunpack.i.l.s16.s32 v9;
	s3 =	sadd.s32 $0xC30, s30  }
0x5b: {  	v58 =	vld.idx.msk [tilespmem:v0+s31+$0x2060 ss:$0x1], $0xffff;
	v8 =	vunpack.i.u.s16.s32 v51;
	[tilespmem:s0+$0x0 ss:$0x41] =	vst.msk $0xffff, v1;
	v1 =	vunpack.i.u.s16.s32 v9;
	v2 =	vpack.i.b32.b16 v56, v2;
	s0 =	sadd.s32 s29, s3  }
0x5c: {  	v60 =	vld.idx.msk [tilespmem:v0+s31+$0x70 ss:$0x1], $0xffff;
	v59 =	vunpack.i.l.s16.s32 v53;
	[tilespmem:s0+$0x0 ss:$0x41] =	vst.msk $0xffff, v2;
	v1 =	vpack.i.b32.b16 v8, v1;
	s0 =	sadd.s32 s28, s3;
	v2 =	vunpack.i.l.s16.s32 v10;
	s3 =	sadd.s32 $0x1040, s30  }
0x5d: {  	v61 =	vld.idx.msk [tilespmem:v0+s31+$0x2070 ss:$0x1], $0xffff;
	v4 =	vunpack.i.u.s16.s32 v53;
	[tilespmem:s0+$0x0 ss:$0x41] =	vst.msk $0xffff, v1;
	v1 =	vunpack.i.u.s16.s32 v10;
	v2 =	vpack.i.b32.b16 v59, v2;
	s0 =	sadd.s32 s29, s3  }
0x5e: {  	s31 =	sadd.s32 s28, s3;
	s3 =	sadd.s32 $0x1450, s30;
	[tilespmem:s0+$0x0 ss:$0x41] =	vst.msk $0xffff, v2;
	v1 =	vpack.i.b32.b16 v4, v1;
	v2 =	vunpack.i.l.s16.s32 v54;
	v62 =	vunpack.i.l.s16.s32 v3  }
0x5f: {  	v3 =	vunpack.i.u.s16.s32 v3;
	[tilespmem:s31+$0x0 ss:$0x41] =	vst.msk $0xffff, v1;
	v1 =	vpack.i.b32.b16 v62, v2;
	v2 =	vunpack.i.u.s16.s32 v54;
	s31 =	sadd.s32 s29, s3  }
0x60: {  	p1 =	por p0, p0;
	[tilespmem:s31+$0x0 ss:$0x41] =	vst.msk $0xffff, v1;
	v1 =	vpack.i.b32.b16 v3, v2;
	s31 =	sadd.s32 s28, s3;
	v2 =	vunpack.i.l.s16.s32 v57;
	v3 =	vunpack.i.l.s16.s32 v58;
	s3 =	sadd.s32 $0x1860, s30  }
.Ltmp3:
0x61: {  	[tilespmem:s31+$0x0 ss:$0x41] =	vst.msk $0xffff, v1;
	v1 =	vpack.i.b32.b16 v3, v2;
	v2 =	vunpack.i.u.s16.s32 v57;
	v3 =	vunpack.i.u.s16.s32 v58;
	s31 =	sadd.s32 s29, s3;
	(pc) =	sbr.rel @p1 .LBB1_4-.Ltmp3, $4  }
0x62: {  	s3 =	sadd.s32 s28, s3;
	[tilespmem:s31+$0x0 ss:$0x41] =	vst.msk $0xffff, v1;
	v1 =	vpack.i.b32.b16 v3, v2;
	v2 =	vunpack.i.l.s16.s32 v60;
	v3 =	vunpack.i.l.s16.s32 v61;
	s31 =	sadd.s32 $0x1C70, s30  }
0x63: {  	v63 =	vunpack.i.u.s16.s32 v61;
	[tilespmem:s3+$0x0 ss:$0x41] =	vst.msk $0xffff, v1;
	v1 =	vunpack.i.u.s16.s32 v60;
	v2 =	vpack.i.b32.b16 v3, v2;
	s30 =	sadd.s32 s29, s31  }
0x64: {  	s31 =	sadd.s32 s28, s31;
	[tilespmem:s30+$0x0 ss:$0x41] =	vst.msk $0xffff, v2;
	v1 =	vpack.i.b32.b16 v63, v1  }
0x65: {  	p0 =	por $0x0, $0x0;
	s29 =	simm.s32 $0x80;
	[tilespmem:s31+$0x0 ss:$0x41] =	vst.msk $0xffff, v1  }
0x66: {  	p0 =	slt.u32 s26, $0x3E  }
.Ltmp4:
0x67: {  	_ = 	snop;
	(pc) =	sbr.rel @p0 .LBB1_3-.Ltmp4, $3  }
0x68: {  	_ =	sdelay $0x1  }
0x69: {  	s0 =	sadd.s32 $0x2, s26  }
0x6a: {  	s26 =	smov.u32 s0  }
0x6b: {  	p0 =	sgt.s32 s12, $0x1F  }
0x6c: {  	s0 =	smov.u32 s12;
	s3 =	smov.u32 s15;
	s25 =	sshra.s32 s12, $0x1F  }
0x6d: {  	s26 =	sshra.s32 s15, $0x1F;
	s27 =	smov.u32 s13;
	s28 =	sshra.s32 s13, $0x1F  }
0x6e: {  	s31 =	sshll.u32 s11, $0x3;
	s0 =	simm.s32 @!p0 $0x1F;
	p0 =	sgt.s32 s15, $0x3  }
0x6f: {  	s26 =	sand.u32 s26, s15;
	s29 =	sand.u32 s28, s13;
	s25 =	sand.u32 s25, s12  }
0x70: {  	s3 =	simm.s32 @!p0 $0x3;
	p0 =	sgt.s32 s13, $0x6;
	s0 =	ssub.s32 s0, s25  }
0x71: {  	s25 =	smov.u32 s11;
	s3 =	ssub.s32 s3, s26;
	s27 =	simm.s32 @!p0 $0x6  }
0x72: {  	s30 =	sadd.s32 $0xFFFFFFFD, s3;
	s26 =	ssub.s32 s27, s29;
	s3 =	ssub.s32 $0x4, s3  }
0x73: {  	s29 =	sadd.s32 $0xFFFFFFE1, s0;
	s0 =	ssub.s32 $0x20, s0;
	p0 =	sgt.s32 s30, $0x0  }
0x74: {  	s27 =	sadd.s32 $0xFFFFFFFA, s26;
	s26 =	ssub.s32 $0x8, s26;
	s30 =	sshra.s32 s11, $0x1F  }
0x75: {  	s0 =	smul.u32 $0xDF, s0;
	s3 =	simm.s32 @p0 $0x0;
	p0 =	sgt.s32 s27, $0x1  }
0x76: {  	s27 =	sand.u32 $0x400, s31;
	s26 =	simm.s32 @p0 $0x0;
	p0 =	sgt.s32 s11, $0xC0  }
0x77: {  	s28 =	sand.u32 s30, s11;
	s31 =	sshll.u32 s13, $0x7;
	s25 =	simm.s32 @!p0 $0xC0  }
0x78: {  	p0 =	sgt.s32 s29, $0x0;
	s3 =	smul.u32 s3, s26;
	s25 =	ssub.s32 s25, s28  }
0x79: {  	s29 =	sand.u32 $0x300, s31;
	s0 =	simm.s32 @p0 $0x0;
	s30 =	sadd.s32 $0xFFFFFF40, s25  }
0x7a: {  	s25 =	ssub.s32 $0x100, s25;
	s0 =	smul.u32 s0, s3;
	p0 =	sgt.s32 s30, $0x3F  }
0x7b: {  	s26 =	sshll.u32 s15, $0x7;
	s31 =	sor.u32 s29, s27;
	s25 =	simm.s32 @p0 $0x0  }
0x7c: {  	s28 =	sshll.u32 s12, $0x9;
	s29 =	sshrl.u32 s11, $0x3;
	s0 =	smul.u32 s25, s0  }
.Ltmp5:
0x7d: {  	s3 =	sshrl.u32 s31, $0x4;
	s25 =	sadd.s32 s7, s26;
	(pc) =	sbr.rel .LBB1_7-.Ltmp5, $4  }
0x7e: {  	s27 =	sand.u32 $0xF, s29;
	s30 =	sand.u32 $0x7, s11;
	s25 =	sadd.s32 s28, s25  }
0x7f: {  	s26 =	sshll.u32 s30, $0x12;
	s0 =	sshrl.u32 s0, $0x1;
	s25 =	sadd.s32 s27, s25  }
0x80: {  	s31 =	sor.u32 $0x40, s26;
	s0 =	sand.u32 $0x3FFFFFFF, s0;
	s3 =	sadd.s32 s3, s25  }
0x81: {  	[hbm4b:s3+s31] =	stream.strided.scatter [tilespmem:s24], [sflag:$0x2], s0, s10, s31, $0x18;
	[tilespmem:$0x10200] =	vst v63  }
.LBB1_8:
0x82: {  	_ =	sfence.sel $0x180000  }
0x83: {  	s0 =	simm.s32 $0x1;
	[bflag:$0x0] =	sbarrier.arrive $0xFFFF  }
0x84: {  	s30 =	simm.s32 $0x2;
	[sflag:s0] =	ssyncpa.u1 $0x1  }
0x85: {  	[sflag:s30] =	ssyncpa.u1 $0x1  }
0x86: {  	_ =	strace $0x90000062  }
0x87: {  	s31 =	stileid.u32;
	[bflag:$0x2] =	sbarrier.arrive $0xFFFF  }
0x88: {  	p0 =	sne.s32 s31, $0x0;
	s0 =	rddreg [dreg:$0x1]  }
0x89: {  	s0 =	sadd.s32 @!p0 $0x100000, s0  }
0x8a: {  	[sflag:s0] =	ssyncadd.tile.s32 @!p0 $0x1;
	_ =	shalt  }
.Lfunc_end1:
_tile_overlayer_lowered:
.L_overlay_start_2:
0x8b: {  	(tag) =	ssettag $0x2  }
0x8c: {  	s0 =	rddreg [dreg:$0x0];
	s2 =	stileid.u32  }
0x8d: {  	s1 =	rddreg [dreg:$0x1];
	p0 =	sne.s32 s2, $0x0  }
0x8e: {  	s3 =	rddreg [dreg:$0x2];
	[bflag:$0x3] =	sbarrier.arrive $0xFFFF;
	s2 =	simm.s32 @!p0 $0x1C01  }
0x8f: {  	[timem:s3], [sflag:s2] =	dma.local @!p0 [hbm:s0], s1  }
0x90: {  	s0 =	simm.s32 @!p0 $0x1  }
0x91: {  	_ =	swait.ge @!p0 [sflag:s0], s1  }
0x92: {  	s1 =	ssub.s32 @!p0 $0x0, s1;
	[sflag:s0] =	ssyncset.done @!p0 $0x0  }
0x93: {  	[sflag:s0] =	ssyncadd.s32 @!p0 s1  }
0x94: {  	[bflag:$0x3] =	sbarrier.arrive $0xFFFF  }
0x95: {  	_ =	shalt  }

</sc_bundles>
